<compile_context>
chip_gen: v7x
topology: tpu7x:2x2x1
jax: 0.10.2.dev20260603
libtpu: 0.0.44.dev20260713+nightly
codegen_flags: <defaults>
</compile_context>

<pallas_src>
import functools
import jax
import jax.numpy as jnp
from jax import lax
from jax.experimental import pallas as pl
from jax.experimental.pallas import tpu as pltpu
from jax.experimental.pallas import tpu_sc as plsc

N = 10000
E = 320000
D = 128
NW = 32
C = 128
TCH = 2560
CPT = TCH // NW
EP = TCH * C
NP = N + 16

_mesh = functools.partial(
    plsc.VectorSubcoreMesh, core_axis_name="c", subcore_axis_name="s")


def _wid():
    return lax.axis_index("s") * 2 + lax.axis_index("c")


@functools.partial(
    pl.kernel,
    out_type=jax.ShapeDtypeStruct((2, NP, D), jnp.float32),
    mesh=_mesh(),
    scratch_types=[
        pltpu.VMEM((2 * C,), jnp.int32),
        pltpu.VMEM((2 * C, D), jnp.float32),
        pltpu.VMEM_SHARED((NP, D), jnp.float32),
    ],
)
def _deg_sc(dstm, zin, ones_in, out, didx, ones_v, acc):
    cid = lax.axis_index("c")
    sid = lax.axis_index("s")
    wid = _wid()

    @pl.when(sid == 0)
    def _zero():
        pltpu.sync_copy(zin, acc)

    pltpu.sync_copy(ones_in, ones_v)
    plsc.subcore_barrier()

    def chunk(c, _):
        e0 = wid * (CPT * C) + c * (2 * C)
        pltpu.sync_copy(dstm.at[pl.ds(e0, 2 * C)], didx)
        pltpu.sync_copy(ones_v, acc.at[didx], add=True)
        return 0
    lax.fori_loop(0, CPT // 2, chunk, 0)

    plsc.subcore_barrier()

    @pl.when(sid == 0)
    def _dump():
        pltpu.sync_copy(acc, out.at[cid])


@functools.partial(
    pl.kernel,
    out_type=jax.ShapeDtypeStruct((2, NP, D), jnp.float32),
    mesh=_mesh(),
    scratch_types=[
        pltpu.VMEM((C,), jnp.int32),
        pltpu.VMEM((C,), jnp.int32),
        pltpu.VMEM((C,), jnp.int32),
        pltpu.VMEM((C,), jnp.int32),
        pltpu.VMEM((C, D), jnp.float32),
        pltpu.VMEM((C, D), jnp.float32),
        pltpu.VMEM_SHARED((NP, D), jnp.float32),
        pltpu.SemaphoreType.DMA,
        pltpu.SemaphoreType.DMA,
    ],
)
def _seg_sc(table, srcm, dstm, zin, out, sidx_a, didx_a, sidx_b, didx_b,
            rows_a, rows_b, acc, sem_a, sem_b):
    cid = lax.axis_index("c")
    sid = lax.axis_index("s")
    wid = _wid()
    base = wid * (CPT * C)
    last = base + (CPT - 1) * C

    @pl.when(sid == 0)
    def _zero():
        pltpu.sync_copy(zin, acc)

    plsc.subcore_barrier()

    pltpu.sync_copy(srcm.at[pl.ds(base, C)], sidx_a)
    pltpu.sync_copy(dstm.at[pl.ds(base, C)], didx_a)
    pltpu.async_copy(table.at[sidx_a], rows_a, sem_a)

    def pair(k, _):
        e_b = base + (2 * k + 1) * C
        e_a2 = jnp.minimum(base + (2 * k + 2) * C, last)
        pltpu.sync_copy(srcm.at[pl.ds(e_b, C)], sidx_b)
        pltpu.sync_copy(dstm.at[pl.ds(e_b, C)], didx_b)
        pltpu.make_async_copy(table.at[sidx_a], rows_a, sem_a).wait()
        pltpu.async_copy(table.at[sidx_b], rows_b, sem_b)
        pltpu.sync_copy(rows_a, acc.at[didx_a], add=True)
        pltpu.sync_copy(srcm.at[pl.ds(e_a2, C)], sidx_a)
        pltpu.sync_copy(dstm.at[pl.ds(e_a2, C)], didx_a)
        pltpu.async_copy(table.at[sidx_a], rows_a, sem_a)
        pltpu.make_async_copy(table.at[sidx_b], rows_b, sem_b).wait()
        pltpu.sync_copy(rows_b, acc.at[didx_b], add=True)
        return 0
    lax.fori_loop(0, CPT // 2, pair, 0)

    pltpu.make_async_copy(table.at[sidx_a], rows_a, sem_a).wait()
    plsc.subcore_barrier()

    @pl.when(sid == 0)
    def _dump():
        pltpu.sync_copy(acc, out.at[cid])


@functools.partial(
    pl.kernel,
    out_type=[
        jax.ShapeDtypeStruct((EP, D), jnp.float32),
        jax.ShapeDtypeStruct((EP, D), jnp.float32),
    ],
    mesh=_mesh(),
    scratch_types=[
        pltpu.VMEM((C,), jnp.int32),
        pltpu.VMEM((C,), jnp.int32),
        pltpu.VMEM((C,), jnp.int32),
        pltpu.VMEM((C,), jnp.int32),
        pltpu.VMEM((C, D), jnp.float32),
        pltpu.VMEM((C, D), jnp.float32),
        pltpu.VMEM((C, D), jnp.float32),
        pltpu.VMEM((C, D), jnp.float32),
        pltpu.SemaphoreType.DMA,
        pltpu.SemaphoreType.DMA,
        pltpu.SemaphoreType.DMA,
        pltpu.SemaphoreType.DMA,
        pltpu.SemaphoreType.DMA,
        pltpu.SemaphoreType.DMA,
    ],
)
def _edge_sc(xr, xcb, rowm, colm, ga, gb, ridx_a, cidx_a, ridx_b, cidx_b,
             buf_ra, buf_ca, buf_rb, buf_cb, sg1, sg2, sg3, sg4, sw1, sw2):
    wid = _wid()
    base = wid * (CPT * C)
    last = base + (CPT - 1) * C

    pltpu.sync_copy(rowm.at[pl.ds(base, C)], ridx_a)
    pltpu.sync_copy(colm.at[pl.ds(base, C)], cidx_a)
    pltpu.async_copy(xr.at[ridx_a], buf_ra, sg1)
    pltpu.async_copy(xcb.at[cidx_a], buf_ca, sg2)

    def pair(k, _):
        e_a = base + (2 * k) * C
        e_b = e_a + C
        e_a2 = jnp.minimum(e_b + C, last)
        pltpu.sync_copy(rowm.at[pl.ds(e_b, C)], ridx_b)
        pltpu.sync_copy(colm.at[pl.ds(e_b, C)], cidx_b)
        pltpu.make_async_copy(xr.at[ridx_a], buf_ra, sg1).wait()
        pltpu.make_async_copy(xcb.at[cidx_a], buf_ca, sg2).wait()
        pltpu.async_copy(xr.at[ridx_b], buf_rb, sg3)
        pltpu.async_copy(xcb.at[cidx_b], buf_cb, sg4)
        cw1 = pltpu.async_copy(buf_ra, ga.at[pl.ds(e_a, C)], sw1)
        cw2 = pltpu.async_copy(buf_ca, gb.at[pl.ds(e_a, C)], sw2)
        cw1.wait()
        cw2.wait()
        pltpu.sync_copy(rowm.at[pl.ds(e_a2, C)], ridx_a)
        pltpu.sync_copy(colm.at[pl.ds(e_a2, C)], cidx_a)
        pltpu.async_copy(xr.at[ridx_a], buf_ra, sg1)
        pltpu.async_copy(xcb.at[cidx_a], buf_ca, sg2)
        pltpu.make_async_copy(xr.at[ridx_b], buf_rb, sg3).wait()
        pltpu.make_async_copy(xcb.at[cidx_b], buf_cb, sg4).wait()
        pltpu.sync_copy(buf_rb, ga.at[pl.ds(e_b, C)])
        pltpu.sync_copy(buf_cb, gb.at[pl.ds(e_b, C)])
        return 0
    lax.fori_loop(0, CPT // 2, pair, 0)

    pltpu.make_async_copy(xr.at[ridx_a], buf_ra, sg1).wait()
    pltpu.make_async_copy(xcb.at[cidx_a], buf_ca, sg2).wait()


_R = 2000


def _full(shape):
    nd = len(shape)
    return pl.BlockSpec(shape, lambda i, _n=nd: (0,) * _n)


def _t1_body(degp, inp, wa1, ba1, wa2, ba2, w2, hs_o, dis_o):
    deg = degp[0, :, 0:1] + degp[1, :, 0:1] + 1.0
    dis = lax.rsqrt(deg)
    ai = inp[:, 0:8]
    mf = inp[:, 8:]
    af = jnp.maximum(jnp.dot(ai, wa1[:], preferred_element_type=jnp.float32)
                     + ba1[:][None, :], 0.0)
    af = jnp.dot(af, wa2[:], preferred_element_type=jnp.float32) + ba2[:][None, :]
    x0 = jnp.concatenate([mf, af], axis=1)
    hs_o[:] = jnp.dot(x0, w2[:], preferred_element_type=jnp.float32) * dis
    dis_o[:] = dis


def _t1(deg_parts, inputs, Wa1, ba1, Wa2, ba2, W2):
    f = inputs.shape[1]
    return pl.pallas_call(
        _t1_body,
        grid=N // _R,
        in_specs=[
            pl.BlockSpec((2, _R, D), lambda i: (0, i, 0)),
            pl.BlockSpec((_R, f), lambda i: (i, 0)),
            _full(Wa1.shape), _full(ba1.shape), _full(Wa2.shape),
            _full(ba2.shape), _full(W2.shape),
        ],
        out_specs=[
            pl.BlockSpec((_R, D), lambda i: (i, 0)),
            pl.BlockSpec((_R, 1), lambda i: (i, 0)),
        ],
        out_shape=[
            jax.ShapeDtypeStruct((N, D), jnp.float32),
            jax.ShapeDtypeStruct((N, 1), jnp.float32),
        ],
    )(deg_parts, inputs, Wa1, ba1, Wa2, ba2, W2)


def _t2_body(segp, hs1, dis, b2, w3, hs2_o):
    seg = segp[0] + segp[1]
    x1 = jnp.maximum(dis[:] * (seg + hs1[:]) + b2[:][None, :], 0.0)
    hs2_o[:] = jnp.dot(x1, w3[:], preferred_element_type=jnp.float32) * dis[:]


def _t2(segp1, hs1, dis, b2, W3):
    return pl.pallas_call(
        _t2_body,
        grid=N // _R,
        in_specs=[
            pl.BlockSpec((2, _R, D), lambda i: (0, i, 0)),
            pl.BlockSpec((_R, D), lambda i: (i, 0)),
            pl.BlockSpec((_R, 1), lambda i: (i, 0)),
            _full(b2.shape), _full(W3.shape),
        ],
        out_specs=[pl.BlockSpec((_R, D), lambda i: (i, 0))],
        out_shape=[jax.ShapeDtypeStruct((N, D), jnp.float32)],
    )(segp1, hs1, dis, b2, W3)[0]


def _t3_body(segp, hs2, dis, inp, b3, wc1, bc1, wc2, bc2, wb1, bb1, a_m, b_m,
             we1, be1, x_o, pr_o, bx_o, xr_o, xc_o):
    seg = segp[0] + segp[1]
    x = dis[:] * (seg + hs2[:]) + b3[:][None, :]
    x_o[:] = x
    p1 = jnp.maximum(jnp.dot(x, wc1[:], preferred_element_type=jnp.float32)
                     + bc1[:][None, :], 0.0)
    pr_o[:] = jnp.dot(p1, wc2[:], preferred_element_type=jnp.float32) + bc2[:][None, :]
    q1 = jnp.maximum(jnp.dot(x, wb1[:], preferred_element_type=jnp.float32)
                     + bb1[:][None, :], 0.0)
    q2 = jnp.dot(jnp.dot(q1, a_m[:], preferred_element_type=jnp.float32),
                 b_m[:], preferred_element_type=jnp.float32)
    bx_o[:] = jnp.tanh(q2) + inp[:, 1:5]
    w_full = we1[:]
    xr_o[:] = jnp.dot(x, w_full[0:D, :], preferred_element_type=jnp.float32)
    xc_o[:] = (jnp.dot(x, w_full[D:, :], preferred_element_type=jnp.float32)
               + be1[:][None, :])


def _t3(segp2, hs2, dis, inputs, b3, Wc1, bc1, Wc2, bc2, Wb1, bb1, A, B,
        We1, be1):
    f = inputs.shape[1]
    return pl.pallas_call(
        _t3_body,
        grid=N // _R,
        in_specs=[
            pl.BlockSpec((2, _R, D), lambda i: (0, i, 0)),
            pl.BlockSpec((_R, D), lambda i: (i, 0)),
            pl.BlockSpec((_R, 1), lambda i: (i, 0)),
            pl.BlockSpec((_R, f), lambda i: (i, 0)),
            _full(b3.shape), _full(Wc1.shape), _full(bc1.shape),
            _full(Wc2.shape), _full(bc2.shape), _full(Wb1.shape),
            _full(bb1.shape), _full(A.shape), _full(B.shape),
            _full(We1.shape), _full(be1.shape),
        ],
        out_specs=[
            pl.BlockSpec((_R, D), lambda i: (i, 0)),
            pl.BlockSpec((_R, 10), lambda i: (i, 0)),
            pl.BlockSpec((_R, 4), lambda i: (i, 0)),
            pl.BlockSpec((_R, D), lambda i: (i, 0)),
            pl.BlockSpec((_R, D), lambda i: (i, 0)),
        ],
        out_shape=[
            jax.ShapeDtypeStruct((N, D), jnp.float32),
            jax.ShapeDtypeStruct((N, 10), jnp.float32),
            jax.ShapeDtypeStruct((N, 4), jnp.float32),
            jax.ShapeDtypeStruct((N, D), jnp.float32),
            jax.ShapeDtypeStruct((N, D), jnp.float32),
        ],
    )(segp2, hs2, dis, inputs, b3, Wc1, bc1, Wc2, bc2, Wb1, bb1, A, B,
      We1, be1)


_R4 = 4000


def _t4_body(ga, gb, we2, be2, we3, be3, out):
    h1 = jnp.maximum(ga[:] + gb[:], 0.0)
    h2 = jnp.maximum(jnp.dot(h1, we2[:], preferred_element_type=jnp.float32)
                     + be2[:][None, :], 0.0)
    z = jnp.dot(h2, we3[:], preferred_element_type=jnp.float32) + be3[:][None, :]
    out[:] = 1.0 / (1.0 + jnp.exp(-z))


def _t4(ga, gb, We2, be2, We3, be3):
    return pl.pallas_call(
        _t4_body,
        grid=E // _R4,
        in_specs=[
            pl.BlockSpec((_R4, D), lambda i: (i, 0)),
            pl.BlockSpec((_R4, D), lambda i: (i, 0)),
            _full(We2.shape), _full(be2.shape), _full(We3.shape),
            _full(be3.shape),
        ],
        out_specs=[pl.BlockSpec((_R4, 1), lambda i: (i, 0))],
        out_shape=[jax.ShapeDtypeStruct((E, 1), jnp.float32)],
    )(ga, gb, We2, be2, We3, be3)[0]


def kernel(inputs, edge_index, Wa1, ba1, Wa2, ba2, W2, b2, W3, b3, Wc1, bc1,
           Wc2, bc2, Wb1, bb1, A, B, We1, be1, We2, be2, We3, be3):
    src = edge_index[0]
    dst = edge_index[1]
    pad0 = jnp.zeros((EP - E,), jnp.int32)
    srcm = jnp.concatenate([src, pad0])
    dst_scat = jnp.concatenate([dst, jnp.full((EP - E,), N, jnp.int32)])
    dst_gath = jnp.concatenate([dst, pad0])
    zin = jnp.zeros((NP, D), jnp.float32)
    ones_in = jnp.ones((2 * C, D), jnp.float32)

    deg_parts = _deg_sc(dst_scat, zin, ones_in)
    hs1, dis = _t1(deg_parts, inputs, Wa1, ba1, Wa2, ba2, W2)
    segp1 = _seg_sc(hs1, srcm, dst_scat, zin)
    hs2 = _t2(segp1, hs1, dis, b2, W3)
    segp2 = _seg_sc(hs2, srcm, dst_scat, zin)
    x, predict, box, xr, xc = _t3(segp2, hs2, dis, inputs, b3, Wc1, bc1,
                                  Wc2, bc2, Wb1, bb1, A, B, We1, be1)
    ga, gb = _edge_sc(xr, xc, srcm, dst_gath)
    edge = _t4(ga, gb, We2, be2, We3, be3)
    return predict, box, edge, x

# --- scband reference (transcript-rebuilt; emitter-appended) ---
"""Pipeline reference for scband-gcn-28664611733993 (READ-ONLY COPY).

The authoritative reference and input builder live on the scoring server;
editing this copy changes nothing except your own understanding.
"""

import jax, jax.numpy as jnp
import numpy as np

N = 10000
E = 320000
D = 128
ADD = 8
FTOT = D - 16 + ADD

def _lin_init(key, i, o):
    s = 1.0 / np.sqrt(i)
    kw, kb = jax.random.split(key)
    W = jax.random.uniform(kw, (i, o), minval=-s, maxval=s, dtype=jnp.float32)
    b = jax.random.uniform(kb, (o,), minval=-s, maxval=s, dtype=jnp.float32)
    return W, b

def gcn_conv(x, edge_index, W, b):
    n = x.shape[0]
    loop = jnp.arange(n, dtype=edge_index.dtype)
    src = jnp.concatenate([edge_index[0], loop])
    dst = jnp.concatenate([edge_index[1], loop])
    deg = jnp.zeros((n,), x.dtype).at[dst].add(1.0)
    dis = jnp.where(deg > 0, jax.lax.rsqrt(jnp.maximum(deg, 1e-12)), 0.0)
    norm = dis[src] * dis[dst]
    h = x @ W
    msg = h[src] * norm[:, None]
    out = jnp.zeros_like(h).at[dst].add(msg)
    return out + b

def _forward(inputs, edge_index, Wa1, ba1, Wa2, ba2, W2, b2, W3, b3, Wc1, bc1, Wc2, bc2, Wb1, bb1, A, B, We1, be1, We2, be2, We3, be3):
    ai = inputs[:, :ADD]
    mf = inputs[:, ADD:]
    af = jax.nn.relu(ai @ Wa1 + ba1) @ Wa2 + ba2
    x = jnp.concatenate([mf, af], axis=1)
    x = jax.nn.relu(gcn_conv(x, edge_index, W2, b2))
    x = gcn_conv(x, edge_index, W3, b3)
    predict = jax.nn.relu(x @ Wc1 + bc1) @ Wc2 + bc2
    box = jnp.tanh((jax.nn.relu(x @ Wb1 + bb1) @ A) @ B) + inputs[:, 1:5]
    row, col = edge_index[0], edge_index[1]
    ee = jnp.concatenate([x[row], x[col]], axis=1)
    h = jax.nn.relu(ee @ We1 + be1)
    h = jax.nn.relu(h @ We2 + be2)
    edge = jax.nn.sigmoid(h @ We3 + be3)
    return predict, box, edge, x

def setup_inputs(seed: int = 0):
    key = jax.random.key(seed)
    ks = jax.random.split(key, 16)
    p = {}
    p["inputs"] = jax.random.normal(ks[0], (N, FTOT), dtype=jnp.float32)
    p["edge_index"] = jax.random.randint(ks[1], (2, E), 0, N, dtype=jnp.int32)
    p["Wa1"], p["ba1"] = _lin_init(ks[2], ADD, ADD * 10)
    p["Wa2"], p["ba2"] = _lin_init(ks[3], ADD * 10, 16)
    p["W2"], p["b2"] = _lin_init(ks[4], D, D)
    p["W3"], p["b3"] = _lin_init(ks[5], D, D)
    p["Wc1"], p["bc1"] = _lin_init(ks[6], D, D // 2)
    p["Wc2"], p["bc2"] = _lin_init(ks[7], D // 2, 10)
    p["Wb1"], p["bb1"] = _lin_init(ks[8], D, D // 2)
    p["A"] = jax.random.normal(ks[9], (D // 2, 4), dtype=jnp.float32) * 0.5
    p["B"] = jax.random.normal(ks[10], (4, 4), dtype=jnp.float32) * 0.5
    p["We1"], p["be1"] = _lin_init(ks[11], 2 * D, D)
    p["We2"], p["be2"] = _lin_init(ks[12], D, D // 2)
    p["We3"], p["be3"] = _lin_init(ks[13], D // 2, 1)
    return p

def reference(inputs, edge_index, Wa1, ba1, Wa2, ba2, W2, b2, W3, b3, Wc1, bc1, Wc2, bc2, Wb1, bb1, A, B, We1, be1, We2, be2, We3, be3):
    return _forward(inputs, edge_index, Wa1, ba1, Wa2, ba2, W2, b2, W3, b3, Wc1, bc1, Wc2, bc2, Wb1, bb1, A, B, We1, be1, We2, be2, We3, be3)

if __name__ == "__main__":
    import jax
    _d = setup_inputs()
    print(jax.jit(kernel)(*tuple(_d.values())))

</pallas_src>

<mosaic_0001>
#map = affine_map<(d0, d1) -> (0, 0)>
#map1 = affine_map<(d0, d1) -> (0)>
#map2 = affine_map<(d0, d1) -> (0, 0, 0)>
module attributes {stable_mosaic.version = 14 : i64} {
  func.func @_seg_sc(%arg0: i32, %arg1: i32, %arg2: memref<10000x128xf32, #tpu.memory_space<hbm>>, %arg3: memref<327680xi32, #tpu.memory_space<hbm>>, %arg4: memref<327680xi32, #tpu.memory_space<hbm>>, %arg5: memref<10016x128xf32, #tpu.memory_space<hbm>>, %arg6: memref<2x10016x128xf32, #tpu.memory_space<hbm>>, %arg7: memref<128xi32, #tpu.memory_space<vmem>>, %arg8: memref<128xi32, #tpu.memory_space<vmem>>, %arg9: memref<128xi32, #tpu.memory_space<vmem>>, %arg10: memref<128xi32, #tpu.memory_space<vmem>>, %arg11: memref<128x128xf32, #tpu.memory_space<vmem>>, %arg12: memref<128x128xf32, #tpu.memory_space<vmem>>, %arg13: memref<10016x128xf32, #tpu.memory_space<vmem_shared>>, %arg14: memref<!tpu.dma_semaphore, #tpu.memory_space<semaphore_mem>>, %arg15: memref<!tpu.dma_semaphore, #tpu.memory_space<semaphore_mem>>) attributes {dimension_semantics = [#tpu.dimension_semantics<core_parallel>, #tpu.dimension_semantics<subcore_parallel>], iteration_bounds = array<i64: 2, 16>, scalar_prefetch = 0 : i64, scratch_operands = 9 : i64, tpu.core_type = #tpu.core_type<sc_vector_subcore>, window_params = [{transform_indices = #map}, {transform_indices = #map1}, {transform_indices = #map1}, {transform_indices = #map}, {transform_indices = #map2}]} {
    %mul3A = arith.constant 2 : i32
    %mul3A_0 = arith.muli %arg1, %mul3A : i32
    %add3A = arith.addi %mul3A_0, %arg0 : i32
    %mul3A_1 = arith.constant 10240 : i32
    %mul3A_2 = arith.muli %add3A, %mul3A_1 : i32
    %add3A_3 = arith.constant 10112 : i32
    %add3A_4 = arith.addi %mul3A_2, %add3A_3 : i32
    %eq3A = arith.constant 0 : i32
    %eq3A_5 = arith.cmpi eq, %arg1, %eq3A : i32
    %convert_element_type3A = arith.extui %eq3A_5 : i1 to i32
    %cond3A = arith.constant 0 : i32
    %cond3A_6 = arith.cmpi ne, %convert_element_type3A, %cond3A : i32
    scf.if %cond3A_6 {
      "tpu.region"() ({
        %run_scoped3A = tpu.sem_alloc : memref<!tpu.dma_semaphore, #tpu.memory_space<semaphore_mem>>
        tpu.enqueue_dma source(%arg5 : memref<10016x128xf32, #tpu.memory_space<hbm>>) target(%arg13 : memref<10016x128xf32, #tpu.memory_space<vmem_shared>>) target_semaphore(%run_scoped3A : memref<!tpu.dma_semaphore, #tpu.memory_space<semaphore_mem>>)
        tpu.wait_dma2 semaphore(%run_scoped3A : memref<!tpu.dma_semaphore, #tpu.memory_space<semaphore_mem>>) src(%arg5 : memref<10016x128xf32, #tpu.memory_space<hbm>>) dst(%arg13 : memref<10016x128xf32, #tpu.memory_space<vmem_shared>>)
        tpu.yield
      }) : () -> ()
    } else {
    }
    %barrier3A = arith.constant 0 : index
    tpu.barrier barrier_id(%barrier3A)
    "tpu.region"() ({
      %run_scoped3A = tpu.sem_alloc : memref<!tpu.dma_semaphore, #tpu.memory_space<semaphore_mem>>
      %dma_start3A_23 = tpu.memref_slice %arg3[%mul3A_2] : memref<327680xi32, #tpu.memory_space<hbm>> -> memref<128xi32, #tpu.memory_space<hbm>>
      %dma_start3A_24 = tpu.memref_slice %arg3[%mul3A_2] : memref<327680xi32, #tpu.memory_space<hbm>> -> memref<128xi32, #tpu.memory_space<hbm>>
      tpu.enqueue_dma source(%dma_start3A_24 : memref<128xi32, #tpu.memory_space<hbm>>) target(%arg7 : memref<128xi32, #tpu.memory_space<vmem>>) target_semaphore(%run_scoped3A : memref<!tpu.dma_semaphore, #tpu.memory_space<semaphore_mem>>)
      %dma_wait3A_25 = tpu.memref_slice %arg3[%mul3A_2] : memref<327680xi32, #tpu.memory_space<hbm>> -> memref<128xi32, #tpu.memory_space<hbm>>
      %dma_wait3A_26 = tpu.memref_slice %arg3[%mul3A_2] : memref<327680xi32, #tpu.memory_space<hbm>> -> memref<128xi32, #tpu.memory_space<hbm>>
      tpu.wait_dma2 semaphore(%run_scoped3A : memref<!tpu.dma_semaphore, #tpu.memory_space<semaphore_mem>>) src(%dma_wait3A_26 : memref<128xi32, #tpu.memory_space<hbm>>) dst(%arg7 : memref<128xi32, #tpu.memory_space<vmem>>)
      tpu.yield
    }) : () -> ()
    "tpu.region"() ({
      %run_scoped3A = tpu.sem_alloc : memref<!tpu.dma_semaphore, #tpu.memory_space<semaphore_mem>>
      %dma_start3A_23 = tpu.memref_slice %arg4[%mul3A_2] : memref<327680xi32, #tpu.memory_space<hbm>> -> memref<128xi32, #tpu.memory_space<hbm>>
      %dma_start3A_24 = tpu.memref_slice %arg4[%mul3A_2] : memref<327680xi32, #tpu.memory_space<hbm>> -> memref<128xi32, #tpu.memory_space<hbm>>
      tpu.enqueue_dma source(%dma_start3A_24 : memref<128xi32, #tpu.memory_space<hbm>>) target(%arg8 : memref<128xi32, #tpu.memory_space<vmem>>) target_semaphore(%run_scoped3A : memref<!tpu.dma_semaphore, #tpu.memory_space<semaphore_mem>>)
      %dma_wait3A_25 = tpu.memref_slice %arg4[%mul3A_2] : memref<327680xi32, #tpu.memory_space<hbm>> -> memref<128xi32, #tpu.memory_space<hbm>>
      %dma_wait3A_26 = tpu.memref_slice %arg4[%mul3A_2] : memref<327680xi32, #tpu.memory_space<hbm>> -> memref<128xi32, #tpu.memory_space<hbm>>
      tpu.wait_dma2 semaphore(%run_scoped3A : memref<!tpu.dma_semaphore, #tpu.memory_space<semaphore_mem>>) src(%dma_wait3A_26 : memref<128xi32, #tpu.memory_space<hbm>>) dst(%arg8 : memref<128xi32, #tpu.memory_space<vmem>>)
      tpu.yield
    }) : () -> ()
    %dma_start3A = arith.constant 0 : i32
    %dma_start3A_7 = arith.constant 0 : i32
    %dma_start3A_8 = tpu.memref_slice %arg2[%dma_start3A, %dma_start3A_7] : memref<10000x128xf32, #tpu.memory_space<hbm>> -> memref<10000x128xf32, #tpu.memory_space<hbm>>
    tpu.enqueue_indirect_dma source(%dma_start3A_8 : memref<10000x128xf32, #tpu.memory_space<hbm>>) target(%arg11 : memref<128x128xf32, #tpu.memory_space<vmem>>) offsets(%arg7 : memref<128xi32, #tpu.memory_space<vmem>>) semaphore(%arg14 : memref<!tpu.dma_semaphore, #tpu.memory_space<semaphore_mem>>)
    %scan3A = arith.constant 0 : i32
    %scan3A_9 = arith.constant 0 : i32
    %scan3A_10 = arith.constant 40 : i32
    %scan3A_11 = arith.addi %scan3A_9, %scan3A_10 : i32
    %scan3A_12 = arith.constant 1 : i32
    %scan3A_13 = scf.for %scan3A_23 = %scan3A_9 to %scan3A_11 step %scan3A_12 iter_args(%scan3A_24 = %scan3A) -> (i32)  : i32 {
      %mul3A_25 = arith.constant 2 : i32
      %mul3A_26 = arith.muli %mul3A_25, %scan3A_23 : i32
      %add3A_27 = arith.constant 1 : i32
      %add3A_28 = arith.addi %mul3A_26, %add3A_27 : i32
      %mul3A_29 = arith.constant 128 : i32
      %mul3A_30 = arith.muli %add3A_28, %mul3A_29 : i32
      %add3A_31 = arith.addi %mul3A_2, %mul3A_30 : i32
      %mul3A_32 = arith.constant 2 : i32
      %mul3A_33 = arith.muli %mul3A_32, %scan3A_23 : i32
      %add3A_34 = arith.constant 2 : i32
      %add3A_35 = arith.addi %mul3A_33, %add3A_34 : i32
      %mul3A_36 = arith.constant 128 : i32
      %mul3A_37 = arith.muli %add3A_35, %mul3A_36 : i32
      %add3A_38 = arith.addi %mul3A_2, %mul3A_37 : i32
      %min3A = arith.minsi %add3A_38, %add3A_4 : i32
      "tpu.region"() ({
        %run_scoped3A = tpu.sem_alloc : memref<!tpu.dma_semaphore, #tpu.memory_space<semaphore_mem>>
        %dma_start3A_52 = tpu.memref_slice %arg3[%add3A_31] : memref<327680xi32, #tpu.memory_space<hbm>> -> memref<128xi32, #tpu.memory_space<hbm>>
        %dma_start3A_53 = tpu.memref_slice %arg3[%add3A_31] : memref<327680xi32, #tpu.memory_space<hbm>> -> memref<128xi32, #tpu.memory_space<hbm>>
        tpu.enqueue_dma source(%dma_start3A_53 : memref<128xi32, #tpu.memory_space<hbm>>) target(%arg9 : memref<128xi32, #tpu.memory_space<vmem>>) target_semaphore(%run_scoped3A : memref<!tpu.dma_semaphore, #tpu.memory_space<semaphore_mem>>)
        %dma_wait3A_54 = tpu.memref_slice %arg3[%add3A_31] : memref<327680xi32, #tpu.memory_space<hbm>> -> memref<128xi32, #tpu.memory_space<hbm>>
        %dma_wait3A_55 = tpu.memref_slice %arg3[%add3A_31] : memref<327680xi32, #tpu.memory_space<hbm>> -> memref<128xi32, #tpu.memory_space<hbm>>
        tpu.wait_dma2 semaphore(%run_scoped3A : memref<!tpu.dma_semaphore, #tpu.memory_space<semaphore_mem>>) src(%dma_wait3A_55 : memref<128xi32, #tpu.memory_space<hbm>>) dst(%arg9 : memref<128xi32, #tpu.memory_space<vmem>>)
        tpu.yield
      }) : () -> ()
      "tpu.region"() ({
        %run_scoped3A = tpu.sem_alloc : memref<!tpu.dma_semaphore, #tpu.memory_space<semaphore_mem>>
        %dma_start3A_52 = tpu.memref_slice %arg4[%add3A_31] : memref<327680xi32, #tpu.memory_space<hbm>> -> memref<128xi32, #tpu.memory_space<hbm>>
        %dma_start3A_53 = tpu.memref_slice %arg4[%add3A_31] : memref<327680xi32, #tpu.memory_space<hbm>> -> memref<128xi32, #tpu.memory_space<hbm>>
        tpu.enqueue_dma source(%dma_start3A_53 : memref<128xi32, #tpu.memory_space<hbm>>) target(%arg10 : memref<128xi32, #tpu.memory_space<vmem>>) target_semaphore(%run_scoped3A : memref<!tpu.dma_semaphore, #tpu.memory_space<semaphore_mem>>)
        %dma_wait3A_54 = tpu.memref_slice %arg4[%add3A_31] : memref<327680xi32, #tpu.memory_space<hbm>> -> memref<128xi32, #tpu.memory_space<hbm>>
        %dma_wait3A_55 = tpu.memref_slice %arg4[%add3A_31] : memref<327680xi32, #tpu.memory_space<hbm>> -> memref<128xi32, #tpu.memory_space<hbm>>
        tpu.wait_dma2 semaphore(%run_scoped3A : memref<!tpu.dma_semaphore, #tpu.memory_space<semaphore_mem>>) src(%dma_wait3A_55 : memref<128xi32, #tpu.memory_space<hbm>>) dst(%arg10 : memref<128xi32, #tpu.memory_space<vmem>>)
        tpu.yield
      }) : () -> ()
      %dma_wait3A_39 = arith.constant 0 : i32
      %dma_wait3A_40 = arith.constant 0 : i32
      %dma_wait3A_41 = tpu.memref_slice %arg2[%dma_wait3A_39, %dma_wait3A_40] : memref<10000x128xf32, #tpu.memory_space<hbm>> -> memref<10000x128xf32, #tpu.memory_space<hbm>>
      tpu.wait_indirect_dma semaphore(%arg14 : memref<!tpu.dma_semaphore, #tpu.memory_space<semaphore_mem>>) src(%dma_wait3A_41 : memref<10000x128xf32, #tpu.memory_space<hbm>>) dst(%arg11 : memref<128x128xf32, #tpu.memory_space<vmem>>)
      %dma_start3A_42 = arith.constant 0 : i32
      %dma_start3A_43 = arith.constant 0 : i32
      %dma_start3A_44 = tpu.memref_slice %arg2[%dma_start3A_42, %dma_start3A_43] : memref<10000x128xf32, #tpu.memory_space<hbm>> -> memref<10000x128xf32, #tpu.memory_space<hbm>>
      tpu.enqueue_indirect_dma source(%dma_start3A_44 : memref<10000x128xf32, #tpu.memory_space<hbm>>) target(%arg12 : memref<128x128xf32, #tpu.memory_space<vmem>>) offsets(%arg9 : memref<128xi32, #tpu.memory_space<vmem>>) semaphore(%arg15 : memref<!tpu.dma_semaphore, #tpu.memory_space<semaphore_mem>>)
      "tpu.region"() ({
        %run_scoped3A = tpu.sem_alloc : memref<!tpu.dma_semaphore, #tpu.memory_space<semaphore_mem>>
        %dma_start3A_52 = arith.constant 0 : i32
        %dma_start3A_53 = arith.constant 0 : i32
        %dma_start3A_54 = tpu.memref_slice %arg13[%dma_start3A_52, %dma_start3A_53] : memref<10016x128xf32, #tpu.memory_space<vmem_shared>> -> memref<10016x128xf32, #tpu.memory_space<vmem_shared>>
        tpu.enqueue_indirect_dma source(%arg11 : memref<128x128xf32, #tpu.memory_space<vmem>>) target(%dma_start3A_54 : memref<10016x128xf32, #tpu.memory_space<vmem_shared>>) offsets(%arg8 : memref<128xi32, #tpu.memory_space<vmem>>) semaphore(%run_scoped3A : memref<!tpu.dma_semaphore, #tpu.memory_space<semaphore_mem>>) {add = true}
        %dma_wait3A_55 = arith.constant 0 : i32
        %dma_wait3A_56 = arith.constant 0 : i32
        %dma_wait3A_57 = tpu.memref_slice %arg13[%dma_wait3A_55, %dma_wait3A_56] : memref<10016x128xf32, #tpu.memory_space<vmem_shared>> -> memref<10016x128xf32, #tpu.memory_space<vmem_shared>>
        tpu.wait_indirect_dma semaphore(%run_scoped3A : memref<!tpu.dma_semaphore, #tpu.memory_space<semaphore_mem>>) src(%arg11 : memref<128x128xf32, #tpu.memory_space<vmem>>) dst(%dma_wait3A_57 : memref<10016x128xf32, #tpu.memory_space<vmem_shared>>)
        tpu.yield
      }) : () -> ()
      "tpu.region"() ({
        %run_scoped3A = tpu.sem_alloc : memref<!tpu.dma_semaphore, #tpu.memory_space<semaphore_mem>>
        %dma_start3A_52 = tpu.memref_slice %arg3[%min3A] : memref<327680xi32, #tpu.memory_space<hbm>> -> memref<128xi32, #tpu.memory_space<hbm>>
        %dma_start3A_53 = tpu.memref_slice %arg3[%min3A] : memref<327680xi32, #tpu.memory_space<hbm>> -> memref<128xi32, #tpu.memory_space<hbm>>
        tpu.enqueue_dma source(%dma_start3A_53 : memref<128xi32, #tpu.memory_space<hbm>>) target(%arg7 : memref<128xi32, #tpu.memory_space<vmem>>) target_semaphore(%run_scoped3A : memref<!tpu.dma_semaphore, #tpu.memory_space<semaphore_mem>>)
        %dma_wait3A_54 = tpu.memref_slice %arg3[%min3A] : memref<327680xi32, #tpu.memory_space<hbm>> -> memref<128xi32, #tpu.memory_space<hbm>>
        %dma_wait3A_55 = tpu.memref_slice %arg3[%min3A] : memref<327680xi32, #tpu.memory_space<hbm>> -> memref<128xi32, #tpu.memory_space<hbm>>
        tpu.wait_dma2 semaphore(%run_scoped3A : memref<!tpu.dma_semaphore, #tpu.memory_space<semaphore_mem>>) src(%dma_wait3A_55 : memref<128xi32, #tpu.memory_space<hbm>>) dst(%arg7 : memref<128xi32, #tpu.memory_space<vmem>>)
        tpu.yield
      }) : () -> ()
      "tpu.region"() ({
        %run_scoped3A = tpu.sem_alloc : memref<!tpu.dma_semaphore, #tpu.memory_space<semaphore_mem>>
        %dma_start3A_52 = tpu.memref_slice %arg4[%min3A] : memref<327680xi32, #tpu.memory_space<hbm>> -> memref<128xi32, #tpu.memory_space<hbm>>
        %dma_start3A_53 = tpu.memref_slice %arg4[%min3A] : memref<327680xi32, #tpu.memory_space<hbm>> -> memref<128xi32, #tpu.memory_space<hbm>>
        tpu.enqueue_dma source(%dma_start3A_53 : memref<128xi32, #tpu.memory_space<hbm>>) target(%arg8 : memref<128xi32, #tpu.memory_space<vmem>>) target_semaphore(%run_scoped3A : memref<!tpu.dma_semaphore, #tpu.memory_space<semaphore_mem>>)
        %dma_wait3A_54 = tpu.memref_slice %arg4[%min3A] : memref<327680xi32, #tpu.memory_space<hbm>> -> memref<128xi32, #tpu.memory_space<hbm>>
        %dma_wait3A_55 = tpu.memref_slice %arg4[%min3A] : memref<327680xi32, #tpu.memory_space<hbm>> -> memref<128xi32, #tpu.memory_space<hbm>>
        tpu.wait_dma2 semaphore(%run_scoped3A : memref<!tpu.dma_semaphore, #tpu.memory_space<semaphore_mem>>) src(%dma_wait3A_55 : memref<128xi32, #tpu.memory_space<hbm>>) dst(%arg8 : memref<128xi32, #tpu.memory_space<vmem>>)
        tpu.yield
      }) : () -> ()
      %dma_start3A_45 = arith.constant 0 : i32
      %dma_start3A_46 = arith.constant 0 : i32
      %dma_start3A_47 = tpu.memref_slice %arg2[%dma_start3A_45, %dma_start3A_46] : memref<10000x128xf32, #tpu.memory_space<hbm>> -> memref<10000x128xf32, #tpu.memory_space<hbm>>
      tpu.enqueue_indirect_dma source(%dma_start3A_47 : memref<10000x128xf32, #tpu.memory_space<hbm>>) target(%arg11 : memref<128x128xf32, #tpu.memory_space<vmem>>) offsets(%arg7 : memref<128xi32, #tpu.memory_space<vmem>>) semaphore(%arg14 : memref<!tpu.dma_semaphore, #tpu.memory_space<semaphore_mem>>)
      %dma_wait3A_48 = arith.constant 0 : i32
      %dma_wait3A_49 = arith.constant 0 : i32
      %dma_wait3A_50 = tpu.memref_slice %arg2[%dma_wait3A_48, %dma_wait3A_49] : memref<10000x128xf32, #tpu.memory_space<hbm>> -> memref<10000x128xf32, #tpu.memory_space<hbm>>
      tpu.wait_indirect_dma semaphore(%arg15 : memref<!tpu.dma_semaphore, #tpu.memory_space<semaphore_mem>>) src(%dma_wait3A_50 : memref<10000x128xf32, #tpu.memory_space<hbm>>) dst(%arg12 : memref<128x128xf32, #tpu.memory_space<vmem>>)
      "tpu.region"() ({
        %run_scoped3A = tpu.sem_alloc : memref<!tpu.dma_semaphore, #tpu.memory_space<semaphore_mem>>
        %dma_start3A_52 = arith.constant 0 : i32
        %dma_start3A_53 = arith.constant 0 : i32
        %dma_start3A_54 = tpu.memref_slice %arg13[%dma_start3A_52, %dma_start3A_53] : memref<10016x128xf32, #tpu.memory_space<vmem_shared>> -> memref<10016x128xf32, #tpu.memory_space<vmem_shared>>
        tpu.enqueue_indirect_dma source(%arg12 : memref<128x128xf32, #tpu.memory_space<vmem>>) target(%dma_start3A_54 : memref<10016x128xf32, #tpu.memory_space<vmem_shared>>) offsets(%arg10 : memref<128xi32, #tpu.memory_space<vmem>>) semaphore(%run_scoped3A : memref<!tpu.dma_semaphore, #tpu.memory_space<semaphore_mem>>) {add = true}
        %dma_wait3A_55 = arith.constant 0 : i32
        %dma_wait3A_56 = arith.constant 0 : i32
        %dma_wait3A_57 = tpu.memref_slice %arg13[%dma_wait3A_55, %dma_wait3A_56] : memref<10016x128xf32, #tpu.memory_space<vmem_shared>> -> memref<10016x128xf32, #tpu.memory_space<vmem_shared>>
        tpu.wait_indirect_dma semaphore(%run_scoped3A : memref<!tpu.dma_semaphore, #tpu.memory_space<semaphore_mem>>) src(%arg12 : memref<128x128xf32, #tpu.memory_space<vmem>>) dst(%dma_wait3A_57 : memref<10016x128xf32, #tpu.memory_space<vmem_shared>>)
        tpu.yield
      }) : () -> ()
      %scan3A_51 = arith.constant 0 : i32
      scf.yield %scan3A_51 : i32
    }
    %scan3A_14 = arith.constant 40 : i32
    %dma_wait3A = arith.constant 0 : i32
    %dma_wait3A_15 = arith.constant 0 : i32
    %dma_wait3A_16 = tpu.memref_slice %arg2[%dma_wait3A, %dma_wait3A_15] : memref<10000x128xf32, #tpu.memory_space<hbm>> -> memref<10000x128xf32, #tpu.memory_space<hbm>>
    tpu.wait_indirect_dma semaphore(%arg14 : memref<!tpu.dma_semaphore, #tpu.memory_space<semaphore_mem>>) src(%dma_wait3A_16 : memref<10000x128xf32, #tpu.memory_space<hbm>>) dst(%arg11 : memref<128x128xf32, #tpu.memory_space<vmem>>)
    %barrier3A_17 = arith.constant 0 : index
    tpu.barrier barrier_id(%barrier3A_17)
    %eq3A_18 = arith.constant 0 : i32
    %eq3A_19 = arith.cmpi eq, %arg1, %eq3A_18 : i32
    %convert_element_type3A_20 = arith.extui %eq3A_19 : i1 to i32
    %cond3A_21 = arith.constant 0 : i32
    %cond3A_22 = arith.cmpi ne, %convert_element_type3A_20, %cond3A_21 : i32
    scf.if %cond3A_22 {
      "tpu.region"() ({
        %run_scoped3A = tpu.sem_alloc : memref<!tpu.dma_semaphore, #tpu.memory_space<semaphore_mem>>
        %dma_start3A_23 = arith.constant 0 : i32
        %dma_start3A_24 = arith.constant 0 : i32
        %dma_start3A_25 = tpu.memref_slice %arg6[%arg0, %dma_start3A_23, %dma_start3A_24] : memref<2x10016x128xf32, #tpu.memory_space<hbm>> -> memref<1x10016x128xf32, #tpu.memory_space<hbm>>
        %dma_start3A_26 = tpu.memref_squeeze %dma_start3A_25 : memref<1x10016x128xf32, #tpu.memory_space<hbm>> -> memref<10016x128xf32, #tpu.memory_space<hbm>>
        tpu.enqueue_dma source(%arg13 : memref<10016x128xf32, #tpu.memory_space<vmem_shared>>) target(%dma_start3A_26 : memref<10016x128xf32, #tpu.memory_space<hbm>>) target_semaphore(%run_scoped3A : memref<!tpu.dma_semaphore, #tpu.memory_space<semaphore_mem>>)
        %dma_wait3A_27 = arith.constant 0 : i32
        %dma_wait3A_28 = arith.constant 0 : i32
        %dma_wait3A_29 = tpu.memref_slice %arg6[%arg0, %dma_wait3A_27, %dma_wait3A_28] : memref<2x10016x128xf32, #tpu.memory_space<hbm>> -> memref<1x10016x128xf32, #tpu.memory_space<hbm>>
        %dma_wait3A_30 = tpu.memref_squeeze %dma_wait3A_29 : memref<1x10016x128xf32, #tpu.memory_space<hbm>> -> memref<10016x128xf32, #tpu.memory_space<hbm>>
        tpu.wait_dma2 semaphore(%run_scoped3A : memref<!tpu.dma_semaphore, #tpu.memory_space<semaphore_mem>>) src(%arg13 : memref<10016x128xf32, #tpu.memory_space<vmem_shared>>) dst(%dma_wait3A_30 : memref<10016x128xf32, #tpu.memory_space<hbm>>)
        tpu.yield
      }) : () -> ()
    } else {
    }
    return
  }
}

#map = affine_map<(d0, d1) -> (0, 0)>
#map1 = affine_map<(d0, d1) -> (0)>
#map2 = affine_map<(d0, d1) -> (0, 0, 0)>
module attributes {stable_mosaic.version = 14 : i64} {
  func.func @_seg_sc(%arg0: i32, %arg1: i32, %arg2: memref<10000x128xf32, #tpu.memory_space<hbm>>, %arg3: memref<327680xi32, #tpu.memory_space<hbm>>, %arg4: memref<327680xi32, #tpu.memory_space<hbm>>, %arg5: memref<10016x128xf32, #tpu.memory_space<hbm>>, %arg6: memref<2x10016x128xf32, #tpu.memory_space<hbm>>, %arg7: memref<128xi32, #tpu.memory_space<vmem>>, %arg8: memref<128xi32, #tpu.memory_space<vmem>>, %arg9: memref<128xi32, #tpu.memory_space<vmem>>, %arg10: memref<128xi32, #tpu.memory_space<vmem>>, %arg11: memref<128x128xf32, #tpu.memory_space<vmem>>, %arg12: memref<128x128xf32, #tpu.memory_space<vmem>>, %arg13: memref<10016x128xf32, #tpu.memory_space<vmem_shared>>, %arg14: memref<!tpu.dma_semaphore, #tpu.memory_space<semaphore_mem>>, %arg15: memref<!tpu.dma_semaphore, #tpu.memory_space<semaphore_mem>>) attributes {dimension_semantics = [#tpu.dimension_semantics<core_parallel>, #tpu.dimension_semantics<subcore_parallel>], iteration_bounds = array<i64: 2, 16>, scalar_prefetch = 0 : i64, scratch_operands = 9 : i64, tpu.core_type = #tpu.core_type<sc_vector_subcore>, window_params = [{transform_indices = #map}, {transform_indices = #map1}, {transform_indices = #map1}, {transform_indices = #map}, {transform_indices = #map2}]} {
    %mul3A = arith.constant 2 : i32
    %mul3A_0 = arith.muli %arg1, %mul3A : i32
    %add3A = arith.addi %mul3A_0, %arg0 : i32
    %mul3A_1 = arith.constant 10240 : i32
    %mul3A_2 = arith.muli %add3A, %mul3A_1 : i32
    %add3A_3 = arith.constant 10112 : i32
    %add3A_4 = arith.addi %mul3A_2, %add3A_3 : i32
    %eq3A = arith.constant 0 : i32
    %eq3A_5 = arith.cmpi eq, %arg1, %eq3A : i32
    %convert_element_type3A = arith.extui %eq3A_5 : i1 to i32
    %cond3A = arith.constant 0 : i32
    %cond3A_6 = arith.cmpi ne, %convert_element_type3A, %cond3A : i32
    scf.if %cond3A_6 {
      "tpu.region"() ({
        %run_scoped3A = tpu.sem_alloc : memref<!tpu.dma_semaphore, #tpu.memory_space<semaphore_mem>>
        tpu.enqueue_dma source(%arg5 : memref<10016x128xf32, #tpu.memory_space<hbm>>) target(%arg13 : memref<10016x128xf32, #tpu.memory_space<vmem_shared>>) target_semaphore(%run_scoped3A : memref<!tpu.dma_semaphore, #tpu.memory_space<semaphore_mem>>)
        tpu.wait_dma2 semaphore(%run_scoped3A : memref<!tpu.dma_semaphore, #tpu.memory_space<semaphore_mem>>) src(%arg5 : memref<10016x128xf32, #tpu.memory_space<hbm>>) dst(%arg13 : memref<10016x128xf32, #tpu.memory_space<vmem_shared>>)
        tpu.yield
      }) : () -> ()
    } else {
    }
    %barrier3A = arith.constant 0 : index
    tpu.barrier barrier_id(%barrier3A)
    "tpu.region"() ({
      %run_scoped3A = tpu.sem_alloc : memref<!tpu.dma_semaphore, #tpu.memory_space<semaphore_mem>>
      %dma_start3A_23 = tpu.memref_slice %arg3[%mul3A_2] : memref<327680xi32, #tpu.memory_space<hbm>> -> memref<128xi32, #tpu.memory_space<hbm>>
      %dma_start3A_24 = tpu.memref_slice %arg3[%mul3A_2] : memref<327680xi32, #tpu.memory_space<hbm>> -> memref<128xi32, #tpu.memory_space<hbm>>
      tpu.enqueue_dma source(%dma_start3A_24 : memref<128xi32, #tpu.memory_space<hbm>>) target(%arg7 : memref<128xi32, #tpu.memory_space<vmem>>) target_semaphore(%run_scoped3A : memref<!tpu.dma_semaphore, #tpu.memory_space<semaphore_mem>>)
      %dma_wait3A_25 = tpu.memref_slice %arg3[%mul3A_2] : memref<327680xi32, #tpu.memory_space<hbm>> -> memref<128xi32, #tpu.memory_space<hbm>>
      %dma_wait3A_26 = tpu.memref_slice %arg3[%mul3A_2] : memref<327680xi32, #tpu.memory_space<hbm>> -> memref<128xi32, #tpu.memory_space<hbm>>
      tpu.wait_dma2 semaphore(%run_scoped3A : memref<!tpu.dma_semaphore, #tpu.memory_space<semaphore_mem>>) src(%dma_wait3A_26 : memref<128xi32, #tpu.memory_space<hbm>>) dst(%arg7 : memref<128xi32, #tpu.memory_space<vmem>>)
      tpu.yield
    }) : () -> ()
    "tpu.region"() ({
      %run_scoped3A = tpu.sem_alloc : memref<!tpu.dma_semaphore, #tpu.memory_space<semaphore_mem>>
      %dma_start3A_23 = tpu.memref_slice %arg4[%mul3A_2] : memref<327680xi32, #tpu.memory_space<hbm>> -> memref<128xi32, #tpu.memory_space<hbm>>
      %dma_start3A_24 = tpu.memref_slice %arg4[%mul3A_2] : memref<327680xi32, #tpu.memory_space<hbm>> -> memref<128xi32, #tpu.memory_space<hbm>>
      tpu.enqueue_dma source(%dma_start3A_24 : memref<128xi32, #tpu.memory_space<hbm>>) target(%arg8 : memref<128xi32, #tpu.memory_space<vmem>>) target_semaphore(%run_scoped3A : memref<!tpu.dma_semaphore, #tpu.memory_space<semaphore_mem>>)
      %dma_wait3A_25 = tpu.memref_slice %arg4[%mul3A_2] : memref<327680xi32, #tpu.memory_space<hbm>> -> memref<128xi32, #tpu.memory_space<hbm>>
      %dma_wait3A_26 = tpu.memref_slice %arg4[%mul3A_2] : memref<327680xi32, #tpu.memory_space<hbm>> -> memref<128xi32, #tpu.memory_space<hbm>>
      tpu.wait_dma2 semaphore(%run_scoped3A : memref<!tpu.dma_semaphore, #tpu.memory_space<semaphore_mem>>) src(%dma_wait3A_26 : memref<128xi32, #tpu.memory_space<hbm>>) dst(%arg8 : memref<128xi32, #tpu.memory_space<vmem>>)
      tpu.yield
    }) : () -> ()
    %dma_start3A = arith.constant 0 : i32
    %dma_start3A_7 = arith.constant 0 : i32
    %dma_start3A_8 = tpu.memref_slice %arg2[%dma_start3A, %dma_start3A_7] : memref<10000x128xf32, #tpu.memory_space<hbm>> -> memref<10000x128xf32, #tpu.memory_space<hbm>>
    tpu.enqueue_indirect_dma source(%dma_start3A_8 : memref<10000x128xf32, #tpu.memory_space<hbm>>) target(%arg11 : memref<128x128xf32, #tpu.memory_space<vmem>>) offsets(%arg7 : memref<128xi32, #tpu.memory_space<vmem>>) semaphore(%arg14 : memref<!tpu.dma_semaphore, #tpu.memory_space<semaphore_mem>>)
    %scan3A = arith.constant 0 : i32
    %scan3A_9 = arith.constant 0 : i32
    %scan3A_10 = arith.constant 40 : i32
    %scan3A_11 = arith.addi %scan3A_9, %scan3A_10 : i32
    %scan3A_12 = arith.constant 1 : i32
    %scan3A_13 = scf.for %scan3A_23 = %scan3A_9 to %scan3A_11 step %scan3A_12 iter_args(%scan3A_24 = %scan3A) -> (i32)  : i32 {
      %mul3A_25 = arith.constant 2 : i32
      %mul3A_26 = arith.muli %mul3A_25, %scan3A_23 : i32
      %add3A_27 = arith.constant 1 : i32
      %add3A_28 = arith.addi %mul3A_26, %add3A_27 : i32
      %mul3A_29 = arith.constant 128 : i32
      %mul3A_30 = arith.muli %add3A_28, %mul3A_29 : i32
      %add3A_31 = arith.addi %mul3A_2, %mul3A_30 : i32
      %mul3A_32 = arith.constant 2 : i32
      %mul3A_33 = arith.muli %mul3A_32, %scan3A_23 : i32
      %add3A_34 = arith.constant 2 : i32
      %add3A_35 = arith.addi %mul3A_33, %add3A_34 : i32
      %mul3A_36 = arith.constant 128 : i32
      %mul3A_37 = arith.muli %add3A_35, %mul3A_36 : i32
      %add3A_38 = arith.addi %mul3A_2, %mul3A_37 : i32
      %min3A = arith.minsi %add3A_38, %add3A_4 : i32
      "tpu.region"() ({
        %run_scoped3A = tpu.sem_alloc : memref<!tpu.dma_semaphore, #tpu.memory_space<semaphore_mem>>
        %dma_start3A_52 = tpu.memref_slice %arg3[%add3A_31] : memref<327680xi32, #tpu.memory_space<hbm>> -> memref<128xi32, #tpu.memory_space<hbm>>
        %dma_start3A_53 = tpu.memref_slice %arg3[%add3A_31] : memref<327680xi32, #tpu.memory_space<hbm>> -> memref<128xi32, #tpu.memory_space<hbm>>
        tpu.enqueue_dma source(%dma_start3A_53 : memref<128xi32, #tpu.memory_space<hbm>>) target(%arg9 : memref<128xi32, #tpu.memory_space<vmem>>) target_semaphore(%run_scoped3A : memref<!tpu.dma_semaphore, #tpu.memory_space<semaphore_mem>>)
        %dma_wait3A_54 = tpu.memref_slice %arg3[%add3A_31] : memref<327680xi32, #tpu.memory_space<hbm>> -> memref<128xi32, #tpu.memory_space<hbm>>
        %dma_wait3A_55 = tpu.memref_slice %arg3[%add3A_31] : memref<327680xi32, #tpu.memory_space<hbm>> -> memref<128xi32, #tpu.memory_space<hbm>>
        tpu.wait_dma2 semaphore(%run_scoped3A : memref<!tpu.dma_semaphore, #tpu.memory_space<semaphore_mem>>) src(%dma_wait3A_55 : memref<128xi32, #tpu.memory_space<hbm>>) dst(%arg9 : memref<128xi32, #tpu.memory_space<vmem>>)
        tpu.yield
      }) : () -> ()
      "tpu.region"() ({
        %run_scoped3A = tpu.sem_alloc : memref<!tpu.dma_semaphore, #tpu.memory_space<semaphore_mem>>
        %dma_start3A_52 = tpu.memref_slice %arg4[%add3A_31] : memref<327680xi32, #tpu.memory_space<hbm>> -> memref<128xi32, #tpu.memory_space<hbm>>
        %dma_start3A_53 = tpu.memref_slice %arg4[%add3A_31] : memref<327680xi32, #tpu.memory_space<hbm>> -> memref<128xi32, #tpu.memory_space<hbm>>
        tpu.enqueue_dma source(%dma_start3A_53 : memref<128xi32, #tpu.memory_space<hbm>>) target(%arg10 : memref<128xi32, #tpu.memory_space<vmem>>) target_semaphore(%run_scoped3A : memref<!tpu.dma_semaphore, #tpu.memory_space<semaphore_mem>>)
        %dma_wait3A_54 = tpu.memref_slice %arg4[%add3A_31] : memref<327680xi32, #tpu.memory_space<hbm>> -> memref<128xi32, #tpu.memory_space<hbm>>
        %dma_wait3A_55 = tpu.memref_slice %arg4[%add3A_31] : memref<327680xi32, #tpu.memory_space<hbm>> -> memref<128xi32, #tpu.memory_space<hbm>>
        tpu.wait_dma2 semaphore(%run_scoped3A : memref<!tpu.dma_semaphore, #tpu.memory_space<semaphore_mem>>) src(%dma_wait3A_55 : memref<128xi32, #tpu.memory_space<hbm>>) dst(%arg10 : memref<128xi32, #tpu.memory_space<vmem>>)
        tpu.yield
      }) : () -> ()
      %dma_wait3A_39 = arith.constant 0 : i32
      %dma_wait3A_40 = arith.constant 0 : i32
      %dma_wait3A_41 = tpu.memref_slice %arg2[%dma_wait3A_39, %dma_wait3A_40] : memref<10000x128xf32, #tpu.memory_space<hbm>> -> memref<10000x128xf32, #tpu.memory_space<hbm>>
      tpu.wait_indirect_dma semaphore(%arg14 : memref<!tpu.dma_semaphore, #tpu.memory_space<semaphore_mem>>) src(%dma_wait3A_41 : memref<10000x128xf32, #tpu.memory_space<hbm>>) dst(%arg11 : memref<128x128xf32, #tpu.memory_space<vmem>>)
      %dma_start3A_42 = arith.constant 0 : i32
      %dma_start3A_43 = arith.constant 0 : i32
      %dma_start3A_44 = tpu.memref_slice %arg2[%dma_start3A_42, %dma_start3A_43] : memref<10000x128xf32, #tpu.memory_space<hbm>> -> memref<10000x128xf32, #tpu.memory_space<hbm>>
      tpu.enqueue_indirect_dma source(%dma_start3A_44 : memref<10000x128xf32, #tpu.memory_space<hbm>>) target(%arg12 : memref<128x128xf32, #tpu.memory_space<vmem>>) offsets(%arg9 : memref<128xi32, #tpu.memory_space<vmem>>) semaphore(%arg15 : memref<!tpu.dma_semaphore, #tpu.memory_space<semaphore_mem>>)
      "tpu.region"() ({
        %run_scoped3A = tpu.sem_alloc : memref<!tpu.dma_semaphore, #tpu.memory_space<semaphore_mem>>
        %dma_start3A_52 = arith.constant 0 : i32
        %dma_start3A_53 = arith.constant 0 : i32
        %dma_start3A_54 = tpu.memref_slice %arg13[%dma_start3A_52, %dma_start3A_53] : memref<10016x128xf32, #tpu.memory_space<vmem_shared>> -> memref<10016x128xf32, #tpu.memory_space<vmem_shared>>
        tpu.enqueue_indirect_dma source(%arg11 : memref<128x128xf32, #tpu.memory_space<vmem>>) target(%dma_start3A_54 : memref<10016x128xf32, #tpu.memory_space<vmem_shared>>) offsets(%arg8 : memref<128xi32, #tpu.memory_space<vmem>>) semaphore(%run_scoped3A : memref<!tpu.dma_semaphore, #tpu.memory_space<semaphore_mem>>) {add = true}
        %dma_wait3A_55 = arith.constant 0 : i32
        %dma_wait3A_56 = arith.constant 0 : i32
        %dma_wait3A_57 = tpu.memref_slice %arg13[%dma_wait3A_55, %dma_wait3A_56] : memref<10016x128xf32, #tpu.memory_space<vmem_shared>> -> memref<10016x128xf32, #tpu.memory_space<vmem_shared>>
        tpu.wait_indirect_dma semaphore(%run_scoped3A : memref<!tpu.dma_semaphore, #tpu.memory_space<semaphore_mem>>) src(%arg11 : memref<128x128xf32, #tpu.memory_space<vmem>>) dst(%dma_wait3A_57 : memref<10016x128xf32, #tpu.memory_space<vmem_shared>>)
        tpu.yield
      }) : () -> ()
      "tpu.region"() ({
        %run_scoped3A = tpu.sem_alloc : memref<!tpu.dma_semaphore, #tpu.memory_space<semaphore_mem>>
        %dma_start3A_52 = tpu.memref_slice %arg3[%min3A] : memref<327680xi32, #tpu.memory_space<hbm>> -> memref<128xi32, #tpu.memory_space<hbm>>
        %dma_start3A_53 = tpu.memref_slice %arg3[%min3A] : memref<327680xi32, #tpu.memory_space<hbm>> -> memref<128xi32, #tpu.memory_space<hbm>>
        tpu.enqueue_dma source(%dma_start3A_53 : memref<128xi32, #tpu.memory_space<hbm>>) target(%arg7 : memref<128xi32, #tpu.memory_space<vmem>>) target_semaphore(%run_scoped3A : memref<!tpu.dma_semaphore, #tpu.memory_space<semaphore_mem>>)
        %dma_wait3A_54 = tpu.memref_slice %arg3[%min3A] : memref<327680xi32, #tpu.memory_space<hbm>> -> memref<128xi32, #tpu.memory_space<hbm>>
        %dma_wait3A_55 = tpu.memref_slice %arg3[%min3A] : memref<327680xi32, #tpu.memory_space<hbm>> -> memref<128xi32, #tpu.memory_space<hbm>>
        tpu.wait_dma2 semaphore(%run_scoped3A : memref<!tpu.dma_semaphore, #tpu.memory_space<semaphore_mem>>) src(%dma_wait3A_55 : memref<128xi32, #tpu.memory_space<hbm>>) dst(%arg7 : memref<128xi32, #tpu.memory_space<vmem>>)
        tpu.yield
      }) : () -> ()
      "tpu.region"() ({
        %run_scoped3A = tpu.sem_alloc : memref<!tpu.dma_semaphore, #tpu.memory_space<semaphore_mem>>
        %dma_start3A_52 = tpu.memref_slice %arg4[%min3A] : memref<327680xi32, #tpu.memory_space<hbm>> -> memref<128xi32, #tpu.memory_space<hbm>>
        %dma_start3A_53 = tpu.memref_slice %arg4[%min3A] : memref<327680xi32, #tpu.memory_space<hbm>> -> memref<128xi32, #tpu.memory_space<hbm>>
        tpu.enqueue_dma source(%dma_start3A_53 : memref<128xi32, #tpu.memory_space<hbm>>) target(%arg8 : memref<128xi32, #tpu.memory_space<vmem>>) target_semaphore(%run_scoped3A : memref<!tpu.dma_semaphore, #tpu.memory_space<semaphore_mem>>)
        %dma_wait3A_54 = tpu.memref_slice %arg4[%min3A] : memref<327680xi32, #tpu.memory_space<hbm>> -> memref<128xi32, #tpu.memory_space<hbm>>
        %dma_wait3A_55 = tpu.memref_slice %arg4[%min3A] : memref<327680xi32, #tpu.memory_space<hbm>> -> memref<128xi32, #tpu.memory_space<hbm>>
        tpu.wait_dma2 semaphore(%run_scoped3A : memref<!tpu.dma_semaphore, #tpu.memory_space<semaphore_mem>>) src(%dma_wait3A_55 : memref<128xi32, #tpu.memory_space<hbm>>) dst(%arg8 : memref<128xi32, #tpu.memory_space<vmem>>)
        tpu.yield
      }) : () -> ()
      %dma_start3A_45 = arith.constant 0 : i32
      %dma_start3A_46 = arith.constant 0 : i32
      %dma_start3A_47 = tpu.memref_slice %arg2[%dma_start3A_45, %dma_start3A_46] : memref<10000x128xf32, #tpu.memory_space<hbm>> -> memref<10000x128xf32, #tpu.memory_space<hbm>>
      tpu.enqueue_indirect_dma source(%dma_start3A_47 : memref<10000x128xf32, #tpu.memory_space<hbm>>) target(%arg11 : memref<128x128xf32, #tpu.memory_space<vmem>>) offsets(%arg7 : memref<128xi32, #tpu.memory_space<vmem>>) semaphore(%arg14 : memref<!tpu.dma_semaphore, #tpu.memory_space<semaphore_mem>>)
      %dma_wait3A_48 = arith.constant 0 : i32
      %dma_wait3A_49 = arith.constant 0 : i32
      %dma_wait3A_50 = tpu.memref_slice %arg2[%dma_wait3A_48, %dma_wait3A_49] : memref<10000x128xf32, #tpu.memory_space<hbm>> -> memref<10000x128xf32, #tpu.memory_space<hbm>>
      tpu.wait_indirect_dma semaphore(%arg15 : memref<!tpu.dma_semaphore, #tpu.memory_space<semaphore_mem>>) src(%dma_wait3A_50 : memref<10000x128xf32, #tpu.memory_space<hbm>>) dst(%arg12 : memref<128x128xf32, #tpu.memory_space<vmem>>)
      "tpu.region"() ({
        %run_scoped3A = tpu.sem_alloc : memref<!tpu.dma_semaphore, #tpu.memory_space<semaphore_mem>>
        %dma_start3A_52 = arith.constant 0 : i32
        %dma_start3A_53 = arith.constant 0 : i32
        %dma_start3A_54 = tpu.memref_slice %arg13[%dma_start3A_52, %dma_start3A_53] : memref<10016x128xf32, #tpu.memory_space<vmem_shared>> -> memref<10016x128xf32, #tpu.memory_space<vmem_shared>>
        tpu.enqueue_indirect_dma source(%arg12 : memref<128x128xf32, #tpu.memory_space<vmem>>) target(%dma_start3A_54 : memref<10016x128xf32, #tpu.memory_space<vmem_shared>>) offsets(%arg10 : memref<128xi32, #tpu.memory_space<vmem>>) semaphore(%run_scoped3A : memref<!tpu.dma_semaphore, #tpu.memory_space<semaphore_mem>>) {add = true}
        %dma_wait3A_55 = arith.constant 0 : i32
        %dma_wait3A_56 = arith.constant 0 : i32
        %dma_wait3A_57 = tpu.memref_slice %arg13[%dma_wait3A_55, %dma_wait3A_56] : memref<10016x128xf32, #tpu.memory_space<vmem_shared>> -> memref<10016x128xf32, #tpu.memory_space<vmem_shared>>
        tpu.wait_indirect_dma semaphore(%run_scoped3A : memref<!tpu.dma_semaphore, #tpu.memory_space<semaphore_mem>>) src(%arg12 : memref<128x128xf32, #tpu.memory_space<vmem>>) dst(%dma_wait3A_57 : memref<10016x128xf32, #tpu.memory_space<vmem_shared>>)
        tpu.yield
      }) : () -> ()
      %scan3A_51 = arith.constant 0 : i32
      scf.yield %scan3A_51 : i32
    }
    %scan3A_14 = arith.constant 40 : i32
    %dma_wait3A = arith.constant 0 : i32
    %dma_wait3A_15 = arith.constant 0 : i32
    %dma_wait3A_16 = tpu.memref_slice %arg2[%dma_wait3A, %dma_wait3A_15] : memref<10000x128xf32, #tpu.memory_space<hbm>> -> memref<10000x128xf32, #tpu.memory_space<hbm>>
    tpu.wait_indirect_dma semaphore(%arg14 : memref<!tpu.dma_semaphore, #tpu.memory_space<semaphore_mem>>) src(%dma_wait3A_16 : memref<10000x128xf32, #tpu.memory_space<hbm>>) dst(%arg11 : memref<128x128xf32, #tpu.memory_space<vmem>>)
    %barrier3A_17 = arith.constant 0 : index
    tpu.barrier barrier_id(%barrier3A_17)
    %eq3A_18 = arith.constant 0 : i32
    %eq3A_19 = arith.cmpi eq, %arg1, %eq3A_18 : i32
    %convert_element_type3A_20 = arith.extui %eq3A_19 : i1 to i32
    %cond3A_21 = arith.constant 0 : i32
    %cond3A_22 = arith.cmpi ne, %convert_element_type3A_20, %cond3A_21 : i32
    scf.if %cond3A_22 {
      "tpu.region"() ({
        %run_scoped3A = tpu.sem_alloc : memref<!tpu.dma_semaphore, #tpu.memory_space<semaphore_mem>>
        %dma_start3A_23 = arith.constant 0 : i32
        %dma_start3A_24 = arith.constant 0 : i32
        %dma_start3A_25 = tpu.memref_slice %arg6[%arg0, %dma_start3A_23, %dma_start3A_24] : memref<2x10016x128xf32, #tpu.memory_space<hbm>> -> memref<1x10016x128xf32, #tpu.memory_space<hbm>>
        %dma_start3A_26 = tpu.memref_squeeze %dma_start3A_25 : memref<1x10016x128xf32, #tpu.memory_space<hbm>> -> memref<10016x128xf32, #tpu.memory_space<hbm>>
        tpu.enqueue_dma source(%arg13 : memref<10016x128xf32, #tpu.memory_space<vmem_shared>>) target(%dma_start3A_26 : memref<10016x128xf32, #tpu.memory_space<hbm>>) target_semaphore(%run_scoped3A : memref<!tpu.dma_semaphore, #tpu.memory_space<semaphore_mem>>)
        %dma_wait3A_27 = arith.constant 0 : i32
        %dma_wait3A_28 = arith.constant 0 : i32
        %dma_wait3A_29 = tpu.memref_slice %arg6[%arg0, %dma_wait3A_27, %dma_wait3A_28] : memref<2x10016x128xf32, #tpu.memory_space<hbm>> -> memref<1x10016x128xf32, #tpu.memory_space<hbm>>
        %dma_wait3A_30 = tpu.memref_squeeze %dma_wait3A_29 : memref<1x10016x128xf32, #tpu.memory_space<hbm>> -> memref<10016x128xf32, #tpu.memory_space<hbm>>
        tpu.wait_dma2 semaphore(%run_scoped3A : memref<!tpu.dma_semaphore, #tpu.memory_space<semaphore_mem>>) src(%arg13 : memref<10016x128xf32, #tpu.memory_space<vmem_shared>>) dst(%dma_wait3A_30 : memref<10016x128xf32, #tpu.memory_space<hbm>>)
        tpu.yield
      }) : () -> ()
    } else {
    }
    return
  }
}

#map = affine_map<(d0, d1) -> (0)>
#map1 = affine_map<(d0, d1) -> (0, 0)>
#map2 = affine_map<(d0, d1) -> (0, 0, 0)>
module attributes {stable_mosaic.version = 14 : i64} {
  func.func @_deg_sc(%arg0: i32, %arg1: i32, %arg2: memref<327680xi32, #tpu.memory_space<hbm>>, %arg3: memref<10016x128xf32, #tpu.memory_space<hbm>>, %arg4: memref<256x128xf32, #tpu.memory_space<hbm>>, %arg5: memref<2x10016x128xf32, #tpu.memory_space<hbm>>, %arg6: memref<256xi32, #tpu.memory_space<vmem>>, %arg7: memref<256x128xf32, #tpu.memory_space<vmem>>, %arg8: memref<10016x128xf32, #tpu.memory_space<vmem_shared>>) attributes {dimension_semantics = [#tpu.dimension_semantics<core_parallel>, #tpu.dimension_semantics<subcore_parallel>], iteration_bounds = array<i64: 2, 16>, scalar_prefetch = 0 : i64, scratch_operands = 3 : i64, tpu.core_type = #tpu.core_type<sc_vector_subcore>, window_params = [{transform_indices = #map}, {transform_indices = #map1}, {transform_indices = #map1}, {transform_indices = #map2}]} {
    %mul3A = arith.constant 2 : i32
    %mul3A_0 = arith.muli %arg1, %mul3A : i32
    %add3A = arith.addi %mul3A_0, %arg0 : i32
    %eq3A = arith.constant 0 : i32
    %eq3A_1 = arith.cmpi eq, %arg1, %eq3A : i32
    %convert_element_type3A = arith.extui %eq3A_1 : i1 to i32
    %cond3A = arith.constant 0 : i32
    %cond3A_2 = arith.cmpi ne, %convert_element_type3A, %cond3A : i32
    scf.if %cond3A_2 {
      "tpu.region"() ({
        %run_scoped3A = tpu.sem_alloc : memref<!tpu.dma_semaphore, #tpu.memory_space<semaphore_mem>>
        tpu.enqueue_dma source(%arg3 : memref<10016x128xf32, #tpu.memory_space<hbm>>) target(%arg8 : memref<10016x128xf32, #tpu.memory_space<vmem_shared>>) target_semaphore(%run_scoped3A : memref<!tpu.dma_semaphore, #tpu.memory_space<semaphore_mem>>)
        tpu.wait_dma2 semaphore(%run_scoped3A : memref<!tpu.dma_semaphore, #tpu.memory_space<semaphore_mem>>) src(%arg3 : memref<10016x128xf32, #tpu.memory_space<hbm>>) dst(%arg8 : memref<10016x128xf32, #tpu.memory_space<vmem_shared>>)
        tpu.yield
      }) : () -> ()
    } else {
    }
    "tpu.region"() ({
      %run_scoped3A = tpu.sem_alloc : memref<!tpu.dma_semaphore, #tpu.memory_space<semaphore_mem>>
      tpu.enqueue_dma source(%arg4 : memref<256x128xf32, #tpu.memory_space<hbm>>) target(%arg7 : memref<256x128xf32, #tpu.memory_space<vmem>>) target_semaphore(%run_scoped3A : memref<!tpu.dma_semaphore, #tpu.memory_space<semaphore_mem>>)
      tpu.wait_dma2 semaphore(%run_scoped3A : memref<!tpu.dma_semaphore, #tpu.memory_space<semaphore_mem>>) src(%arg4 : memref<256x128xf32, #tpu.memory_space<hbm>>) dst(%arg7 : memref<256x128xf32, #tpu.memory_space<vmem>>)
      tpu.yield
    }) : () -> ()
    %barrier3A = arith.constant 0 : index
    tpu.barrier barrier_id(%barrier3A)
    %scan3A = arith.constant 0 : i32
    %scan3A_3 = arith.constant 0 : i32
    %scan3A_4 = arith.constant 40 : i32
    %scan3A_5 = arith.addi %scan3A_3, %scan3A_4 : i32
    %scan3A_6 = arith.constant 1 : i32
    %scan3A_7 = scf.for %scan3A_15 = %scan3A_3 to %scan3A_5 step %scan3A_6 iter_args(%scan3A_16 = %scan3A) -> (i32)  : i32 {
      %mul3A_17 = arith.constant 10240 : i32
      %mul3A_18 = arith.muli %add3A, %mul3A_17 : i32
      %mul3A_19 = arith.constant 256 : i32
      %mul3A_20 = arith.muli %scan3A_15, %mul3A_19 : i32
      %add3A_21 = arith.addi %mul3A_18, %mul3A_20 : i32
      "tpu.region"() ({
        %run_scoped3A = tpu.sem_alloc : memref<!tpu.dma_semaphore, #tpu.memory_space<semaphore_mem>>
        %dma_start3A = tpu.memref_slice %arg2[%add3A_21] : memref<327680xi32, #tpu.memory_space<hbm>> -> memref<256xi32, #tpu.memory_space<hbm>>
        %dma_start3A_23 = tpu.memref_slice %arg2[%add3A_21] : memref<327680xi32, #tpu.memory_space<hbm>> -> memref<256xi32, #tpu.memory_space<hbm>>
        tpu.enqueue_dma source(%dma_start3A_23 : memref<256xi32, #tpu.memory_space<hbm>>) target(%arg6 : memref<256xi32, #tpu.memory_space<vmem>>) target_semaphore(%run_scoped3A : memref<!tpu.dma_semaphore, #tpu.memory_space<semaphore_mem>>)
        %dma_wait3A = tpu.memref_slice %arg2[%add3A_21] : memref<327680xi32, #tpu.memory_space<hbm>> -> memref<256xi32, #tpu.memory_space<hbm>>
        %dma_wait3A_24 = tpu.memref_slice %arg2[%add3A_21] : memref<327680xi32, #tpu.memory_space<hbm>> -> memref<256xi32, #tpu.memory_space<hbm>>
        tpu.wait_dma2 semaphore(%run_scoped3A : memref<!tpu.dma_semaphore, #tpu.memory_space<semaphore_mem>>) src(%dma_wait3A_24 : memref<256xi32, #tpu.memory_space<hbm>>) dst(%arg6 : memref<256xi32, #tpu.memory_space<vmem>>)
        tpu.yield
      }) : () -> ()
      "tpu.region"() ({
        %run_scoped3A = tpu.sem_alloc : memref<!tpu.dma_semaphore, #tpu.memory_space<semaphore_mem>>
        %dma_start3A = arith.constant 0 : i32
        %dma_start3A_23 = arith.constant 0 : i32
        %dma_start3A_24 = tpu.memref_slice %arg8[%dma_start3A, %dma_start3A_23] : memref<10016x128xf32, #tpu.memory_space<vmem_shared>> -> memref<10016x128xf32, #tpu.memory_space<vmem_shared>>
        tpu.enqueue_indirect_dma source(%arg7 : memref<256x128xf32, #tpu.memory_space<vmem>>) target(%dma_start3A_24 : memref<10016x128xf32, #tpu.memory_space<vmem_shared>>) offsets(%arg6 : memref<256xi32, #tpu.memory_space<vmem>>) semaphore(%run_scoped3A : memref<!tpu.dma_semaphore, #tpu.memory_space<semaphore_mem>>) {add = true}
        %dma_wait3A = arith.constant 0 : i32
        %dma_wait3A_25 = arith.constant 0 : i32
        %dma_wait3A_26 = tpu.memref_slice %arg8[%dma_wait3A, %dma_wait3A_25] : memref<10016x128xf32, #tpu.memory_space<vmem_shared>> -> memref<10016x128xf32, #tpu.memory_space<vmem_shared>>
        tpu.wait_indirect_dma semaphore(%run_scoped3A : memref<!tpu.dma_semaphore, #tpu.memory_space<semaphore_mem>>) src(%arg7 : memref<256x128xf32, #tpu.memory_space<vmem>>) dst(%dma_wait3A_26 : memref<10016x128xf32, #tpu.memory_space<vmem_shared>>)
        tpu.yield
      }) : () -> ()
      %scan3A_22 = arith.constant 0 : i32
      scf.yield %scan3A_22 : i32
    }
    %scan3A_8 = arith.constant 40 : i32
    %barrier3A_9 = arith.constant 0 : index
    tpu.barrier barrier_id(%barrier3A_9)
    %eq3A_10 = arith.constant 0 : i32
    %eq3A_11 = arith.cmpi eq, %arg1, %eq3A_10 : i32
    %convert_element_type3A_12 = arith.extui %eq3A_11 : i1 to i32
    %cond3A_13 = arith.constant 0 : i32
    %cond3A_14 = arith.cmpi ne, %convert_element_type3A_12, %cond3A_13 : i32
    scf.if %cond3A_14 {
      "tpu.region"() ({
        %run_scoped3A = tpu.sem_alloc : memref<!tpu.dma_semaphore, #tpu.memory_space<semaphore_mem>>
        %dma_start3A = arith.constant 0 : i32
        %dma_start3A_15 = arith.constant 0 : i32
        %dma_start3A_16 = tpu.memref_slice %arg5[%arg0, %dma_start3A, %dma_start3A_15] : memref<2x10016x128xf32, #tpu.memory_space<hbm>> -> memref<1x10016x128xf32, #tpu.memory_space<hbm>>
        %dma_start3A_17 = tpu.memref_squeeze %dma_start3A_16 : memref<1x10016x128xf32, #tpu.memory_space<hbm>> -> memref<10016x128xf32, #tpu.memory_space<hbm>>
        tpu.enqueue_dma source(%arg8 : memref<10016x128xf32, #tpu.memory_space<vmem_shared>>) target(%dma_start3A_17 : memref<10016x128xf32, #tpu.memory_space<hbm>>) target_semaphore(%run_scoped3A : memref<!tpu.dma_semaphore, #tpu.memory_space<semaphore_mem>>)
        %dma_wait3A = arith.constant 0 : i32
        %dma_wait3A_18 = arith.constant 0 : i32
        %dma_wait3A_19 = tpu.memref_slice %arg5[%arg0, %dma_wait3A, %dma_wait3A_18] : memref<2x10016x128xf32, #tpu.memory_space<hbm>> -> memref<1x10016x128xf32, #tpu.memory_space<hbm>>
        %dma_wait3A_20 = tpu.memref_squeeze %dma_wait3A_19 : memref<1x10016x128xf32, #tpu.memory_space<hbm>> -> memref<10016x128xf32, #tpu.memory_space<hbm>>
        tpu.wait_dma2 semaphore(%run_scoped3A : memref<!tpu.dma_semaphore, #tpu.memory_space<semaphore_mem>>) src(%arg8 : memref<10016x128xf32, #tpu.memory_space<vmem_shared>>) dst(%dma_wait3A_20 : memref<10016x128xf32, #tpu.memory_space<hbm>>)
        tpu.yield
      }) : () -> ()
    } else {
    }
    return
  }
}

#map = affine_map<(d0, d1) -> (0, 0)>
#map1 = affine_map<(d0, d1) -> (0)>
module attributes {stable_mosaic.version = 14 : i64} {
  func.func @_edge_sc(%arg0: i32, %arg1: i32, %arg2: memref<10000x128xf32, #tpu.memory_space<hbm>>, %arg3: memref<10000x128xf32, #tpu.memory_space<hbm>>, %arg4: memref<327680xi32, #tpu.memory_space<hbm>>, %arg5: memref<327680xi32, #tpu.memory_space<hbm>>, %arg6: memref<327680x128xf32, #tpu.memory_space<hbm>>, %arg7: memref<327680x128xf32, #tpu.memory_space<hbm>>, %arg8: memref<128xi32, #tpu.memory_space<vmem>>, %arg9: memref<128xi32, #tpu.memory_space<vmem>>, %arg10: memref<128xi32, #tpu.memory_space<vmem>>, %arg11: memref<128xi32, #tpu.memory_space<vmem>>, %arg12: memref<128x128xf32, #tpu.memory_space<vmem>>, %arg13: memref<128x128xf32, #tpu.memory_space<vmem>>, %arg14: memref<128x128xf32, #tpu.memory_space<vmem>>, %arg15: memref<128x128xf32, #tpu.memory_space<vmem>>, %arg16: memref<!tpu.dma_semaphore, #tpu.memory_space<semaphore_mem>>, %arg17: memref<!tpu.dma_semaphore, #tpu.memory_space<semaphore_mem>>, %arg18: memref<!tpu.dma_semaphore, #tpu.memory_space<semaphore_mem>>, %arg19: memref<!tpu.dma_semaphore, #tpu.memory_space<semaphore_mem>>, %arg20: memref<!tpu.dma_semaphore, #tpu.memory_space<semaphore_mem>>, %arg21: memref<!tpu.dma_semaphore, #tpu.memory_space<semaphore_mem>>) attributes {dimension_semantics = [#tpu.dimension_semantics<core_parallel>, #tpu.dimension_semantics<subcore_parallel>], iteration_bounds = array<i64: 2, 16>, scalar_prefetch = 0 : i64, scratch_operands = 14 : i64, tpu.core_type = #tpu.core_type<sc_vector_subcore>, window_params = [{transform_indices = #map}, {transform_indices = #map}, {transform_indices = #map1}, {transform_indices = #map1}, {transform_indices = #map}, {transform_indices = #map}]} {
    %mul3A = arith.constant 2 : i32
    %mul3A_0 = arith.muli %arg1, %mul3A : i32
    %add3A = arith.addi %mul3A_0, %arg0 : i32
    %mul3A_1 = arith.constant 10240 : i32
    %mul3A_2 = arith.muli %add3A, %mul3A_1 : i32
    %add3A_3 = arith.constant 10112 : i32
    %add3A_4 = arith.addi %mul3A_2, %add3A_3 : i32
    "tpu.region"() ({
      %run_scoped3A = tpu.sem_alloc : memref<!tpu.dma_semaphore, #tpu.memory_space<semaphore_mem>>
      %dma_start3A_21 = tpu.memref_slice %arg4[%mul3A_2] : memref<327680xi32, #tpu.memory_space<hbm>> -> memref<128xi32, #tpu.memory_space<hbm>>
      %dma_start3A_22 = tpu.memref_slice %arg4[%mul3A_2] : memref<327680xi32, #tpu.memory_space<hbm>> -> memref<128xi32, #tpu.memory_space<hbm>>
      tpu.enqueue_dma source(%dma_start3A_22 : memref<128xi32, #tpu.memory_space<hbm>>) target(%arg8 : memref<128xi32, #tpu.memory_space<vmem>>) target_semaphore(%run_scoped3A : memref<!tpu.dma_semaphore, #tpu.memory_space<semaphore_mem>>)
      %dma_wait3A_23 = tpu.memref_slice %arg4[%mul3A_2] : memref<327680xi32, #tpu.memory_space<hbm>> -> memref<128xi32, #tpu.memory_space<hbm>>
      %dma_wait3A_24 = tpu.memref_slice %arg4[%mul3A_2] : memref<327680xi32, #tpu.memory_space<hbm>> -> memref<128xi32, #tpu.memory_space<hbm>>
      tpu.wait_dma2 semaphore(%run_scoped3A : memref<!tpu.dma_semaphore, #tpu.memory_space<semaphore_mem>>) src(%dma_wait3A_24 : memref<128xi32, #tpu.memory_space<hbm>>) dst(%arg8 : memref<128xi32, #tpu.memory_space<vmem>>)
      tpu.yield
    }) : () -> ()
    "tpu.region"() ({
      %run_scoped3A = tpu.sem_alloc : memref<!tpu.dma_semaphore, #tpu.memory_space<semaphore_mem>>
      %dma_start3A_21 = tpu.memref_slice %arg5[%mul3A_2] : memref<327680xi32, #tpu.memory_space<hbm>> -> memref<128xi32, #tpu.memory_space<hbm>>
      %dma_start3A_22 = tpu.memref_slice %arg5[%mul3A_2] : memref<327680xi32, #tpu.memory_space<hbm>> -> memref<128xi32, #tpu.memory_space<hbm>>
      tpu.enqueue_dma source(%dma_start3A_22 : memref<128xi32, #tpu.memory_space<hbm>>) target(%arg9 : memref<128xi32, #tpu.memory_space<vmem>>) target_semaphore(%run_scoped3A : memref<!tpu.dma_semaphore, #tpu.memory_space<semaphore_mem>>)
      %dma_wait3A_23 = tpu.memref_slice %arg5[%mul3A_2] : memref<327680xi32, #tpu.memory_space<hbm>> -> memref<128xi32, #tpu.memory_space<hbm>>
      %dma_wait3A_24 = tpu.memref_slice %arg5[%mul3A_2] : memref<327680xi32, #tpu.memory_space<hbm>> -> memref<128xi32, #tpu.memory_space<hbm>>
      tpu.wait_dma2 semaphore(%run_scoped3A : memref<!tpu.dma_semaphore, #tpu.memory_space<semaphore_mem>>) src(%dma_wait3A_24 : memref<128xi32, #tpu.memory_space<hbm>>) dst(%arg9 : memref<128xi32, #tpu.memory_space<vmem>>)
      tpu.yield
    }) : () -> ()
    %dma_start3A = arith.constant 0 : i32
    %dma_start3A_5 = arith.constant 0 : i32
    %dma_start3A_6 = tpu.memref_slice %arg2[%dma_start3A, %dma_start3A_5] : memref<10000x128xf32, #tpu.memory_space<hbm>> -> memref<10000x128xf32, #tpu.memory_space<hbm>>
    tpu.enqueue_indirect_dma source(%dma_start3A_6 : memref<10000x128xf32, #tpu.memory_space<hbm>>) target(%arg12 : memref<128x128xf32, #tpu.memory_space<vmem>>) offsets(%arg8 : memref<128xi32, #tpu.memory_space<vmem>>) semaphore(%arg16 : memref<!tpu.dma_semaphore, #tpu.memory_space<semaphore_mem>>)
    %dma_start3A_7 = arith.constant 0 : i32
    %dma_start3A_8 = arith.constant 0 : i32
    %dma_start3A_9 = tpu.memref_slice %arg3[%dma_start3A_7, %dma_start3A_8] : memref<10000x128xf32, #tpu.memory_space<hbm>> -> memref<10000x128xf32, #tpu.memory_space<hbm>>
    tpu.enqueue_indirect_dma source(%dma_start3A_9 : memref<10000x128xf32, #tpu.memory_space<hbm>>) target(%arg13 : memref<128x128xf32, #tpu.memory_space<vmem>>) offsets(%arg9 : memref<128xi32, #tpu.memory_space<vmem>>) semaphore(%arg17 : memref<!tpu.dma_semaphore, #tpu.memory_space<semaphore_mem>>)
    %scan3A = arith.constant 0 : i32
    %scan3A_10 = arith.constant 0 : i32
    %scan3A_11 = arith.constant 40 : i32
    %scan3A_12 = arith.addi %scan3A_10, %scan3A_11 : i32
    %scan3A_13 = arith.constant 1 : i32
    %scan3A_14 = scf.for %scan3A_21 = %scan3A_10 to %scan3A_12 step %scan3A_13 iter_args(%scan3A_22 = %scan3A) -> (i32)  : i32 {
      %mul3A_23 = arith.constant 2 : i32
      %mul3A_24 = arith.muli %mul3A_23, %scan3A_21 : i32
      %mul3A_25 = arith.constant 128 : i32
      %mul3A_26 = arith.muli %mul3A_24, %mul3A_25 : i32
      %add3A_27 = arith.addi %mul3A_2, %mul3A_26 : i32
      %add3A_28 = arith.constant 128 : i32
      %add3A_29 = arith.addi %add3A_27, %add3A_28 : i32
      %add3A_30 = arith.constant 128 : i32
      %add3A_31 = arith.addi %add3A_29, %add3A_30 : i32
      %min3A = arith.minsi %add3A_31, %add3A_4 : i32
      "tpu.region"() ({
        %run_scoped3A = tpu.sem_alloc : memref<!tpu.dma_semaphore, #tpu.memory_space<semaphore_mem>>
        %dma_start3A_73 = tpu.memref_slice %arg4[%add3A_29] : memref<327680xi32, #tpu.memory_space<hbm>> -> memref<128xi32, #tpu.memory_space<hbm>>
        %dma_start3A_74 = tpu.memref_slice %arg4[%add3A_29] : memref<327680xi32, #tpu.memory_space<hbm>> -> memref<128xi32, #tpu.memory_space<hbm>>
        tpu.enqueue_dma source(%dma_start3A_74 : memref<128xi32, #tpu.memory_space<hbm>>) target(%arg10 : memref<128xi32, #tpu.memory_space<vmem>>) target_semaphore(%run_scoped3A : memref<!tpu.dma_semaphore, #tpu.memory_space<semaphore_mem>>)
        %dma_wait3A_75 = tpu.memref_slice %arg4[%add3A_29] : memref<327680xi32, #tpu.memory_space<hbm>> -> memref<128xi32, #tpu.memory_space<hbm>>
        %dma_wait3A_76 = tpu.memref_slice %arg4[%add3A_29] : memref<327680xi32, #tpu.memory_space<hbm>> -> memref<128xi32, #tpu.memory_space<hbm>>
        tpu.wait_dma2 semaphore(%run_scoped3A : memref<!tpu.dma_semaphore, #tpu.memory_space<semaphore_mem>>) src(%dma_wait3A_76 : memref<128xi32, #tpu.memory_space<hbm>>) dst(%arg10 : memref<128xi32, #tpu.memory_space<vmem>>)
        tpu.yield
      }) : () -> ()
      "tpu.region"() ({
        %run_scoped3A = tpu.sem_alloc : memref<!tpu.dma_semaphore, #tpu.memory_space<semaphore_mem>>
        %dma_start3A_73 = tpu.memref_slice %arg5[%add3A_29] : memref<327680xi32, #tpu.memory_space<hbm>> -> memref<128xi32, #tpu.memory_space<hbm>>
        %dma_start3A_74 = tpu.memref_slice %arg5[%add3A_29] : memref<327680xi32, #tpu.memory_space<hbm>> -> memref<128xi32, #tpu.memory_space<hbm>>
        tpu.enqueue_dma source(%dma_start3A_74 : memref<128xi32, #tpu.memory_space<hbm>>) target(%arg11 : memref<128xi32, #tpu.memory_space<vmem>>) target_semaphore(%run_scoped3A : memref<!tpu.dma_semaphore, #tpu.memory_space<semaphore_mem>>)
        %dma_wait3A_75 = tpu.memref_slice %arg5[%add3A_29] : memref<327680xi32, #tpu.memory_space<hbm>> -> memref<128xi32, #tpu.memory_space<hbm>>
        %dma_wait3A_76 = tpu.memref_slice %arg5[%add3A_29] : memref<327680xi32, #tpu.memory_space<hbm>> -> memref<128xi32, #tpu.memory_space<hbm>>
        tpu.wait_dma2 semaphore(%run_scoped3A : memref<!tpu.dma_semaphore, #tpu.memory_space<semaphore_mem>>) src(%dma_wait3A_76 : memref<128xi32, #tpu.memory_space<hbm>>) dst(%arg11 : memref<128xi32, #tpu.memory_space<vmem>>)
        tpu.yield
      }) : () -> ()
      %dma_wait3A_32 = arith.constant 0 : i32
      %dma_wait3A_33 = arith.constant 0 : i32
      %dma_wait3A_34 = tpu.memref_slice %arg2[%dma_wait3A_32, %dma_wait3A_33] : memref<10000x128xf32, #tpu.memory_space<hbm>> -> memref<10000x128xf32, #tpu.memory_space<hbm>>
      tpu.wait_indirect_dma semaphore(%arg16 : memref<!tpu.dma_semaphore, #tpu.memory_space<semaphore_mem>>) src(%dma_wait3A_34 : memref<10000x128xf32, #tpu.memory_space<hbm>>) dst(%arg12 : memref<128x128xf32, #tpu.memory_space<vmem>>)
      %dma_wait3A_35 = arith.constant 0 : i32
      %dma_wait3A_36 = arith.constant 0 : i32
      %dma_wait3A_37 = tpu.memref_slice %arg3[%dma_wait3A_35, %dma_wait3A_36] : memref<10000x128xf32, #tpu.memory_space<hbm>> -> memref<10000x128xf32, #tpu.memory_space<hbm>>
      tpu.wait_indirect_dma semaphore(%arg17 : memref<!tpu.dma_semaphore, #tpu.memory_space<semaphore_mem>>) src(%dma_wait3A_37 : memref<10000x128xf32, #tpu.memory_space<hbm>>) dst(%arg13 : memref<128x128xf32, #tpu.memory_space<vmem>>)
      %dma_start3A_38 = arith.constant 0 : i32
      %dma_start3A_39 = arith.constant 0 : i32
      %dma_start3A_40 = tpu.memref_slice %arg2[%dma_start3A_38, %dma_start3A_39] : memref<10000x128xf32, #tpu.memory_space<hbm>> -> memref<10000x128xf32, #tpu.memory_space<hbm>>
      tpu.enqueue_indirect_dma source(%dma_start3A_40 : memref<10000x128xf32, #tpu.memory_space<hbm>>) target(%arg14 : memref<128x128xf32, #tpu.memory_space<vmem>>) offsets(%arg10 : memref<128xi32, #tpu.memory_space<vmem>>) semaphore(%arg18 : memref<!tpu.dma_semaphore, #tpu.memory_space<semaphore_mem>>)
      %dma_start3A_41 = arith.constant 0 : i32
      %dma_start3A_42 = arith.constant 0 : i32
      %dma_start3A_43 = tpu.memref_slice %arg3[%dma_start3A_41, %dma_start3A_42] : memref<10000x128xf32, #tpu.memory_space<hbm>> -> memref<10000x128xf32, #tpu.memory_space<hbm>>
      tpu.enqueue_indirect_dma source(%dma_start3A_43 : memref<10000x128xf32, #tpu.memory_space<hbm>>) target(%arg15 : memref<128x128xf32, #tpu.memory_space<vmem>>) offsets(%arg11 : memref<128xi32, #tpu.memory_space<vmem>>) semaphore(%arg19 : memref<!tpu.dma_semaphore, #tpu.memory_space<semaphore_mem>>)
      %dma_start3A_44 = arith.constant 0 : i32
      %dma_start3A_45 = tpu.memref_slice %arg6[%add3A_27, %dma_start3A_44] : memref<327680x128xf32, #tpu.memory_space<hbm>> -> memref<128x128xf32, #tpu.memory_space<hbm>>
      %dma_start3A_46 = arith.constant 0 : i32
      %dma_start3A_47 = tpu.memref_slice %arg6[%add3A_27, %dma_start3A_46] : memref<327680x128xf32, #tpu.memory_space<hbm>> -> memref<128x128xf32, #tpu.memory_space<hbm>>
      tpu.enqueue_dma source(%arg12 : memref<128x128xf32, #tpu.memory_space<vmem>>) target(%dma_start3A_47 : memref<128x128xf32, #tpu.memory_space<hbm>>) target_semaphore(%arg20 : memref<!tpu.dma_semaphore, #tpu.memory_space<semaphore_mem>>)
      %dma_start3A_48 = arith.constant 0 : i32
      %dma_start3A_49 = tpu.memref_slice %arg7[%add3A_27, %dma_start3A_48] : memref<327680x128xf32, #tpu.memory_space<hbm>> -> memref<128x128xf32, #tpu.memory_space<hbm>>
      %dma_start3A_50 = arith.constant 0 : i32
      %dma_start3A_51 = tpu.memref_slice %arg7[%add3A_27, %dma_start3A_50] : memref<327680x128xf32, #tpu.memory_space<hbm>> -> memref<128x128xf32, #tpu.memory_space<hbm>>
      tpu.enqueue_dma source(%arg13 : memref<128x128xf32, #tpu.memory_space<vmem>>) target(%dma_start3A_51 : memref<128x128xf32, #tpu.memory_space<hbm>>) target_semaphore(%arg21 : memref<!tpu.dma_semaphore, #tpu.memory_space<semaphore_mem>>)
      %dma_wait3A_52 = arith.constant 0 : i32
      %dma_wait3A_53 = tpu.memref_slice %arg6[%add3A_27, %dma_wait3A_52] : memref<327680x128xf32, #tpu.memory_space<hbm>> -> memref<128x128xf32, #tpu.memory_space<hbm>>
      %dma_wait3A_54 = arith.constant 0 : i32
      %dma_wait3A_55 = tpu.memref_slice %arg6[%add3A_27, %dma_wait3A_54] : memref<327680x128xf32, #tpu.memory_space<hbm>> -> memref<128x128xf32, #tpu.memory_space<hbm>>
      tpu.wait_dma2 semaphore(%arg20 : memref<!tpu.dma_semaphore, #tpu.memory_space<semaphore_mem>>) src(%arg12 : memref<128x128xf32, #tpu.memory_space<vmem>>) dst(%dma_wait3A_55 : memref<128x128xf32, #tpu.memory_space<hbm>>)
      %dma_wait3A_56 = arith.constant 0 : i32
      %dma_wait3A_57 = tpu.memref_slice %arg7[%add3A_27, %dma_wait3A_56] : memref<327680x128xf32, #tpu.memory_space<hbm>> -> memref<128x128xf32, #tpu.memory_space<hbm>>
      %dma_wait3A_58 = arith.constant 0 : i32
      %dma_wait3A_59 = tpu.memref_slice %arg7[%add3A_27, %dma_wait3A_58] : memref<327680x128xf32, #tpu.memory_space<hbm>> -> memref<128x128xf32, #tpu.memory_space<hbm>>
      tpu.wait_dma2 semaphore(%arg21 : memref<!tpu.dma_semaphore, #tpu.memory_space<semaphore_mem>>) src(%arg13 : memref<128x128xf32, #tpu.memory_space<vmem>>) dst(%dma_wait3A_59 : memref<128x128xf32, #tpu.memory_space<hbm>>)
      "tpu.region"() ({
        %run_scoped3A = tpu.sem_alloc : memref<!tpu.dma_semaphore, #tpu.memory_space<semaphore_mem>>
        %dma_start3A_73 = tpu.memref_slice %arg4[%min3A] : memref<327680xi32, #tpu.memory_space<hbm>> -> memref<128xi32, #tpu.memory_space<hbm>>
        %dma_start3A_74 = tpu.memref_slice %arg4[%min3A] : memref<327680xi32, #tpu.memory_space<hbm>> -> memref<128xi32, #tpu.memory_space<hbm>>
        tpu.enqueue_dma source(%dma_start3A_74 : memref<128xi32, #tpu.memory_space<hbm>>) target(%arg8 : memref<128xi32, #tpu.memory_space<vmem>>) target_semaphore(%run_scoped3A : memref<!tpu.dma_semaphore, #tpu.memory_space<semaphore_mem>>)
        %dma_wait3A_75 = tpu.memref_slice %arg4[%min3A] : memref<327680xi32, #tpu.memory_space<hbm>> -> memref<128xi32, #tpu.memory_space<hbm>>
        %dma_wait3A_76 = tpu.memref_slice %arg4[%min3A] : memref<327680xi32, #tpu.memory_space<hbm>> -> memref<128xi32, #tpu.memory_space<hbm>>
        tpu.wait_dma2 semaphore(%run_scoped3A : memref<!tpu.dma_semaphore, #tpu.memory_space<semaphore_mem>>) src(%dma_wait3A_76 : memref<128xi32, #tpu.memory_space<hbm>>) dst(%arg8 : memref<128xi32, #tpu.memory_space<vmem>>)
        tpu.yield
      }) : () -> ()
      "tpu.region"() ({
        %run_scoped3A = tpu.sem_alloc : memref<!tpu.dma_semaphore, #tpu.memory_space<semaphore_mem>>
        %dma_start3A_73 = tpu.memref_slice %arg5[%min3A] : memref<327680xi32, #tpu.memory_space<hbm>> -> memref<128xi32, #tpu.memory_space<hbm>>
        %dma_start3A_74 = tpu.memref_slice %arg5[%min3A] : memref<327680xi32, #tpu.memory_space<hbm>> -> memref<128xi32, #tpu.memory_space<hbm>>
        tpu.enqueue_dma source(%dma_start3A_74 : memref<128xi32, #tpu.memory_space<hbm>>) target(%arg9 : memref<128xi32, #tpu.memory_space<vmem>>) target_semaphore(%run_scoped3A : memref<!tpu.dma_semaphore, #tpu.memory_space<semaphore_mem>>)
        %dma_wait3A_75 = tpu.memref_slice %arg5[%min3A] : memref<327680xi32, #tpu.memory_space<hbm>> -> memref<128xi32, #tpu.memory_space<hbm>>
        %dma_wait3A_76 = tpu.memref_slice %arg5[%min3A] : memref<327680xi32, #tpu.memory_space<hbm>> -> memref<128xi32, #tpu.memory_space<hbm>>
        tpu.wait_dma2 semaphore(%run_scoped3A : memref<!tpu.dma_semaphore, #tpu.memory_space<semaphore_mem>>) src(%dma_wait3A_76 : memref<128xi32, #tpu.memory_space<hbm>>) dst(%arg9 : memref<128xi32, #tpu.memory_space<vmem>>)
        tpu.yield
      }) : () -> ()
      %dma_start3A_60 = arith.constant 0 : i32
      %dma_start3A_61 = arith.constant 0 : i32
      %dma_start3A_62 = tpu.memref_slice %arg2[%dma_start3A_60, %dma_start3A_61] : memref<10000x128xf32, #tpu.memory_space<hbm>> -> memref<10000x128xf32, #tpu.memory_space<hbm>>
      tpu.enqueue_indirect_dma source(%dma_start3A_62 : memref<10000x128xf32, #tpu.memory_space<hbm>>) target(%arg12 : memref<128x128xf32, #tpu.memory_space<vmem>>) offsets(%arg8 : memref<128xi32, #tpu.memory_space<vmem>>) semaphore(%arg16 : memref<!tpu.dma_semaphore, #tpu.memory_space<semaphore_mem>>)
      %dma_start3A_63 = arith.constant 0 : i32
      %dma_start3A_64 = arith.constant 0 : i32
      %dma_start3A_65 = tpu.memref_slice %arg3[%dma_start3A_63, %dma_start3A_64] : memref<10000x128xf32, #tpu.memory_space<hbm>> -> memref<10000x128xf32, #tpu.memory_space<hbm>>
      tpu.enqueue_indirect_dma source(%dma_start3A_65 : memref<10000x128xf32, #tpu.memory_space<hbm>>) target(%arg13 : memref<128x128xf32, #tpu.memory_space<vmem>>) offsets(%arg9 : memref<128xi32, #tpu.memory_space<vmem>>) semaphore(%arg17 : memref<!tpu.dma_semaphore, #tpu.memory_space<semaphore_mem>>)
      %dma_wait3A_66 = arith.constant 0 : i32
      %dma_wait3A_67 = arith.constant 0 : i32
      %dma_wait3A_68 = tpu.memref_slice %arg2[%dma_wait3A_66, %dma_wait3A_67] : memref<10000x128xf32, #tpu.memory_space<hbm>> -> memref<10000x128xf32, #tpu.memory_space<hbm>>
      tpu.wait_indirect_dma semaphore(%arg18 : memref<!tpu.dma_semaphore, #tpu.memory_space<semaphore_mem>>) src(%dma_wait3A_68 : memref<10000x128xf32, #tpu.memory_space<hbm>>) dst(%arg14 : memref<128x128xf32, #tpu.memory_space<vmem>>)
      %dma_wait3A_69 = arith.constant 0 : i32
      %dma_wait3A_70 = arith.constant 0 : i32
      %dma_wait3A_71 = tpu.memref_slice %arg3[%dma_wait3A_69, %dma_wait3A_70] : memref<10000x128xf32, #tpu.memory_space<hbm>> -> memref<10000x128xf32, #tpu.memory_space<hbm>>
      tpu.wait_indirect_dma semaphore(%arg19 : memref<!tpu.dma_semaphore, #tpu.memory_space<semaphore_mem>>) src(%dma_wait3A_71 : memref<10000x128xf32, #tpu.memory_space<hbm>>) dst(%arg15 : memref<128x128xf32, #tpu.memory_space<vmem>>)
      "tpu.region"() ({
        %run_scoped3A = tpu.sem_alloc : memref<!tpu.dma_semaphore, #tpu.memory_space<semaphore_mem>>
        %dma_start3A_73 = arith.constant 0 : i32
        %dma_start3A_74 = tpu.memref_slice %arg6[%add3A_29, %dma_start3A_73] : memref<327680x128xf32, #tpu.memory_space<hbm>> -> memref<128x128xf32, #tpu.memory_space<hbm>>
        %dma_start3A_75 = arith.constant 0 : i32
        %dma_start3A_76 = tpu.memref_slice %arg6[%add3A_29, %dma_start3A_75] : memref<327680x128xf32, #tpu.memory_space<hbm>> -> memref<128x128xf32, #tpu.memory_space<hbm>>
        tpu.enqueue_dma source(%arg14 : memref<128x128xf32, #tpu.memory_space<vmem>>) target(%dma_start3A_76 : memref<128x128xf32, #tpu.memory_space<hbm>>) target_semaphore(%run_scoped3A : memref<!tpu.dma_semaphore, #tpu.memory_space<semaphore_mem>>)
        %dma_wait3A_77 = arith.constant 0 : i32
        %dma_wait3A_78 = tpu.memref_slice %arg6[%add3A_29, %dma_wait3A_77] : memref<327680x128xf32, #tpu.memory_space<hbm>> -> memref<128x128xf32, #tpu.memory_space<hbm>>
        %dma_wait3A_79 = arith.constant 0 : i32
        %dma_wait3A_80 = tpu.memref_slice %arg6[%add3A_29, %dma_wait3A_79] : memref<327680x128xf32, #tpu.memory_space<hbm>> -> memref<128x128xf32, #tpu.memory_space<hbm>>
        tpu.wait_dma2 semaphore(%run_scoped3A : memref<!tpu.dma_semaphore, #tpu.memory_space<semaphore_mem>>) src(%arg14 : memref<128x128xf32, #tpu.memory_space<vmem>>) dst(%dma_wait3A_80 : memref<128x128xf32, #tpu.memory_space<hbm>>)
        tpu.yield
      }) : () -> ()
      "tpu.region"() ({
        %run_scoped3A = tpu.sem_alloc : memref<!tpu.dma_semaphore, #tpu.memory_space<semaphore_mem>>
        %dma_start3A_73 = arith.constant 0 : i32
        %dma_start3A_74 = tpu.memref_slice %arg7[%add3A_29, %dma_start3A_73] : memref<327680x128xf32, #tpu.memory_space<hbm>> -> memref<128x128xf32, #tpu.memory_space<hbm>>
        %dma_start3A_75 = arith.constant 0 : i32
        %dma_start3A_76 = tpu.memref_slice %arg7[%add3A_29, %dma_start3A_75] : memref<327680x128xf32, #tpu.memory_space<hbm>> -> memref<128x128xf32, #tpu.memory_space<hbm>>
        tpu.enqueue_dma source(%arg15 : memref<128x128xf32, #tpu.memory_space<vmem>>) target(%dma_start3A_76 : memref<128x128xf32, #tpu.memory_space<hbm>>) target_semaphore(%run_scoped3A : memref<!tpu.dma_semaphore, #tpu.memory_space<semaphore_mem>>)
        %dma_wait3A_77 = arith.constant 0 : i32
        %dma_wait3A_78 = tpu.memref_slice %arg7[%add3A_29, %dma_wait3A_77] : memref<327680x128xf32, #tpu.memory_space<hbm>> -> memref<128x128xf32, #tpu.memory_space<hbm>>
        %dma_wait3A_79 = arith.constant 0 : i32
        %dma_wait3A_80 = tpu.memref_slice %arg7[%add3A_29, %dma_wait3A_79] : memref<327680x128xf32, #tpu.memory_space<hbm>> -> memref<128x128xf32, #tpu.memory_space<hbm>>
        tpu.wait_dma2 semaphore(%run_scoped3A : memref<!tpu.dma_semaphore, #tpu.memory_space<semaphore_mem>>) src(%arg15 : memref<128x128xf32, #tpu.memory_space<vmem>>) dst(%dma_wait3A_80 : memref<128x128xf32, #tpu.memory_space<hbm>>)
        tpu.yield
      }) : () -> ()
      %scan3A_72 = arith.constant 0 : i32
      scf.yield %scan3A_72 : i32
    }
    %scan3A_15 = arith.constant 40 : i32
    %dma_wait3A = arith.constant 0 : i32
    %dma_wait3A_16 = arith.constant 0 : i32
    %dma_wait3A_17 = tpu.memref_slice %arg2[%dma_wait3A, %dma_wait3A_16] : memref<10000x128xf32, #tpu.memory_space<hbm>> -> memref<10000x128xf32, #tpu.memory_space<hbm>>
    tpu.wait_indirect_dma semaphore(%arg16 : memref<!tpu.dma_semaphore, #tpu.memory_space<semaphore_mem>>) src(%dma_wait3A_17 : memref<10000x128xf32, #tpu.memory_space<hbm>>) dst(%arg12 : memref<128x128xf32, #tpu.memory_space<vmem>>)
    %dma_wait3A_18 = arith.constant 0 : i32
    %dma_wait3A_19 = arith.constant 0 : i32
    %dma_wait3A_20 = tpu.memref_slice %arg3[%dma_wait3A_18, %dma_wait3A_19] : memref<10000x128xf32, #tpu.memory_space<hbm>> -> memref<10000x128xf32, #tpu.memory_space<hbm>>
    tpu.wait_indirect_dma semaphore(%arg17 : memref<!tpu.dma_semaphore, #tpu.memory_space<semaphore_mem>>) src(%dma_wait3A_20 : memref<10000x128xf32, #tpu.memory_space<hbm>>) dst(%arg13 : memref<128x128xf32, #tpu.memory_space<vmem>>)
    return
  }
}

module attributes {stable_mosaic.version = 14 : i64} {
  func.func @_t1_body(%arg0: i32, %arg1: memref<2x2000x128xf32, #tpu.memory_space<vmem>>, %arg2: memref<2000x120xf32, #tpu.memory_space<vmem>>, %arg3: memref<8x80xf32, #tpu.memory_space<vmem>>, %arg4: memref<80xf32, #tpu.memory_space<vmem>>, %arg5: memref<80x16xf32, #tpu.memory_space<vmem>>, %arg6: memref<16xf32, #tpu.memory_space<vmem>>, %arg7: memref<128x128xf32, #tpu.memory_space<vmem>>, %arg8: memref<2000x128xf32, #tpu.memory_space<vmem>>, %arg9: memref<2000x1xf32, #tpu.memory_space<vmem>>) attributes {dimension_semantics = [#tpu.dimension_semantics<arbitrary>], iteration_bounds = array<i64: 5>, scalar_prefetch = 0 : i64, scratch_operands = 0 : i64, tpu.core_type = #tpu.core_type<tc>, window_params = [{transform_indices = @transform_0, window_bounds = array<i64: 2, 2000, 128>}, {transform_indices = @transform_1, window_bounds = array<i64: 2000, 120>}, {pipeline_mode = #tpu.pipeline_mode<synchronous>, transform_indices = @transform_2, window_bounds = array<i64: 8, 80>}, {pipeline_mode = #tpu.pipeline_mode<synchronous>, transform_indices = @transform_3, window_bounds = array<i64: 80>}, {pipeline_mode = #tpu.pipeline_mode<synchronous>, transform_indices = @transform_4, window_bounds = array<i64: 80, 16>}, {pipeline_mode = #tpu.pipeline_mode<synchronous>, transform_indices = @transform_5, window_bounds = array<i64: 16>}, {pipeline_mode = #tpu.pipeline_mode<synchronous>, transform_indices = @transform_6, window_bounds = array<i64: 128, 128>}, {transform_indices = @transform_7, window_bounds = array<i64: 2000, 128>}, {transform_indices = @transform_8, window_bounds = array<i64: 2000, 1>}]} {
    %get3A = arith.constant 0 : index
    %get3A_0 = arith.constant 0 : index
    %get3A_1 = arith.constant 0 : index
    %get3A_2 = vector.load %arg1[%get3A, %get3A_0, %get3A_1] : memref<2x2000x128xf32, #tpu.memory_space<vmem>>, vector<1x2000x1xf32>
    %get3A_3 = vector.shape_cast %get3A_2 : vector<1x2000x1xf32> to vector<2000x1xf32>
    %get3A_4 = arith.constant 1 : index
    %get3A_5 = arith.constant 0 : index
    %get3A_6 = arith.constant 0 : index
    %get3A_7 = vector.load %arg1[%get3A_4, %get3A_5, %get3A_6] : memref<2x2000x128xf32, #tpu.memory_space<vmem>>, vector<1x2000x1xf32>
    %get3A_8 = vector.shape_cast %get3A_7 : vector<1x2000x1xf32> to vector<2000x1xf32>
    %add3A = arith.addf %get3A_3, %get3A_8 : vector<2000x1xf32>
    %add3A_9 = arith.constant 1.000000e+00 : f32
    %add3A_10 = vector.broadcast %add3A_9 : f32 to vector<2000x1xf32>
    %add3A_11 = arith.addf %add3A, %add3A_10 : vector<2000x1xf32>
    %rsqrt3A = math.rsqrt %add3A_11 : vector<2000x1xf32>
    %get3A_12 = arith.constant 0 : index
    %get3A_13 = arith.constant 0 : index
    %get3A_14 = vector.load %arg2[%get3A_12, %get3A_13] : memref<2000x120xf32, #tpu.memory_space<vmem>>, vector<2000x8xf32>
    %get3A_15 = arith.constant 0 : index
    %get3A_16 = arith.constant 8 : index
    %get3A_17 = vector.load %arg2[%get3A_15, %get3A_16] : memref<2000x120xf32, #tpu.memory_space<vmem>>, vector<2000x112xf32>
    %get3A_18 = arith.constant 0 : index
    %get3A_19 = arith.constant 0 : index
    %get3A_20 = vector.load %arg3[%get3A_18, %get3A_19] : memref<8x80xf32, #tpu.memory_space<vmem>>, vector<8x80xf32>
    %dot_general3A = arith.constant dense<0.000000e+00> : vector<2000x80xf32>
    %dot_general3A_21 = tpu.matmul %get3A_14, %get3A_20, %dot_general3A {dimension_numbers = #tpu.dot_dimension_numbers<[1], [0], [0], [1], [0, 0, 1, 1], [], []>, transpose_lhs_hint = false} : vector<2000x8xf32>, vector<8x80xf32>, vector<2000x80xf32> -> vector<2000x80xf32>
    %get3A_22 = arith.constant 0 : index
    %get3A_23 = vector.load %arg4[%get3A_22] : memref<80xf32, #tpu.memory_space<vmem>>, vector<80xf32>
    %broadcast_in_dim3A = vector.shape_cast %get3A_23 : vector<80xf32> to vector<1x80xf32>
    %add3A_24 = vector.broadcast %broadcast_in_dim3A : vector<1x80xf32> to vector<2000x80xf32>
    %add3A_25 = arith.addf %dot_general3A_21, %add3A_24 : vector<2000x80xf32>
    %max3A = arith.constant 0.000000e+00 : f32
    %max3A_26 = vector.broadcast %max3A : f32 to vector<2000x80xf32>
    %max3A_27 = arith.maximumf %add3A_25, %max3A_26 : vector<2000x80xf32>
    %get3A_28 = arith.constant 0 : index
    %get3A_29 = arith.constant 0 : index
    %get3A_30 = vector.load %arg5[%get3A_28, %get3A_29] : memref<80x16xf32, #tpu.memory_space<vmem>>, vector<80x16xf32>
    %dot_general3A_31 = arith.constant dense<0.000000e+00> : vector<2000x16xf32>
    %dot_general3A_32 = tpu.matmul %max3A_27, %get3A_30, %dot_general3A_31 {dimension_numbers = #tpu.dot_dimension_numbers<[1], [0], [0], [1], [0, 0, 1, 1], [], []>, transpose_lhs_hint = false} : vector<2000x80xf32>, vector<80x16xf32>, vector<2000x16xf32> -> vector<2000x16xf32>
    %get3A_33 = arith.constant 0 : index
    %get3A_34 = vector.load %arg6[%get3A_33] : memref<16xf32, #tpu.memory_space<vmem>>, vector<16xf32>
    %broadcast_in_dim3A_35 = vector.shape_cast %get3A_34 : vector<16xf32> to vector<1x16xf32>
    %add3A_36 = vector.broadcast %broadcast_in_dim3A_35 : vector<1x16xf32> to vector<2000x16xf32>
    %add3A_37 = arith.addf %dot_general3A_32, %add3A_36 : vector<2000x16xf32>
    %concatenate3A = tpu.concatenate %get3A_17, %add3A_37 in 1 : vector<2000x112xf32>, vector<2000x16xf32> -> vector<2000x128xf32>
    %get3A_38 = arith.constant 0 : index
    %get3A_39 = arith.constant 0 : index
    %get3A_40 = vector.load %arg7[%get3A_38, %get3A_39] : memref<128x128xf32, #tpu.memory_space<vmem>>, vector<128x128xf32>
    %dot_general3A_41 = arith.constant dense<0.000000e+00> : vector<2000x128xf32>
    %dot_general3A_42 = tpu.matmul %concatenate3A, %get3A_40, %dot_general3A_41 {dimension_numbers = #tpu.dot_dimension_numbers<[1], [0], [0], [1], [0, 0, 1, 1], [], []>, transpose_lhs_hint = false} : vector<2000x128xf32>, vector<128x128xf32>, vector<2000x128xf32> -> vector<2000x128xf32>
    %mul3A = vector.broadcast %rsqrt3A : vector<2000x1xf32> to vector<2000x128xf32>
    %mul3A_43 = arith.mulf %dot_general3A_42, %mul3A : vector<2000x128xf32>
    %swap3A = arith.constant 0 : index
    %swap3A_44 = arith.constant 0 : index
    %swap3A_45 = vector.load %arg8[%swap3A, %swap3A_44] : memref<2000x128xf32, #tpu.memory_space<vmem>>, vector<2000x128xf32>
    tpu.vector_store %arg8[%swap3A, %swap3A_44], %mul3A_43 {strides = array<i32>} : memref<2000x128xf32, #tpu.memory_space<vmem>>, vector<2000x128xf32>,
    %swap3A_46 = arith.constant 0 : index
    %swap3A_47 = arith.constant 0 : index
    %swap3A_48 = vector.load %arg9[%swap3A_46, %swap3A_47] : memref<2000x1xf32, #tpu.memory_space<vmem>>, vector<2000x1xf32>
    tpu.vector_store %arg9[%swap3A_46, %swap3A_47], %rsqrt3A {strides = array<i32>} : memref<2000x1xf32, #tpu.memory_space<vmem>>, vector<2000x1xf32>,
    return
  }
  func.func @transform_0(%arg0: i32) -> (i32, i32, i32) {
    %c0_i32 = arith.constant 0 : i32
    %c0_i32_0 = arith.constant 0 : i32
    %c0_i32_1 = arith.constant 0 : i32
    return %c0_i32, %arg0, %c0_i32_0 : i32, i32, i32
  }
  func.func @transform_1(%arg0: i32) -> (i32, i32) {
    %c0_i32 = arith.constant 0 : i32
    %c0_i32_0 = arith.constant 0 : i32
    return %arg0, %c0_i32 : i32, i32
  }
  func.func @transform_2(%arg0: i32) -> (i32, i32) {
    %c0_i32 = arith.constant 0 : i32
    %c0_i32_0 = arith.constant 0 : i32
    %c0_i32_1 = arith.constant 0 : i32
    return %c0_i32, %c0_i32_0 : i32, i32
  }
  func.func @transform_3(%arg0: i32) -> i32 {
    %c0_i32 = arith.constant 0 : i32
    %c0_i32_0 = arith.constant 0 : i32
    return %c0_i32 : i32
  }
  func.func @transform_4(%arg0: i32) -> (i32, i32) {
    %c0_i32 = arith.constant 0 : i32
    %c0_i32_0 = arith.constant 0 : i32
    %c0_i32_1 = arith.constant 0 : i32
    return %c0_i32, %c0_i32_0 : i32, i32
  }
  func.func @transform_5(%arg0: i32) -> i32 {
    %c0_i32 = arith.constant 0 : i32
    %c0_i32_0 = arith.constant 0 : i32
    return %c0_i32 : i32
  }
  func.func @transform_6(%arg0: i32) -> (i32, i32) {
    %c0_i32 = arith.constant 0 : i32
    %c0_i32_0 = arith.constant 0 : i32
    %c0_i32_1 = arith.constant 0 : i32
    return %c0_i32, %c0_i32_0 : i32, i32
  }
  func.func @transform_7(%arg0: i32) -> (i32, i32) {
    %c0_i32 = arith.constant 0 : i32
    %c0_i32_0 = arith.constant 0 : i32
    return %arg0, %c0_i32 : i32, i32
  }
  func.func @transform_8(%arg0: i32) -> (i32, i32) {
    %c0_i32 = arith.constant 0 : i32
    %c0_i32_0 = arith.constant 0 : i32
    return %arg0, %c0_i32 : i32, i32
  }
}

module attributes {stable_mosaic.version = 14 : i64} {
  func.func @_t2_body(%arg0: i32, %arg1: memref<2x2000x128xf32, #tpu.memory_space<vmem>>, %arg2: memref<2000x128xf32, #tpu.memory_space<vmem>>, %arg3: memref<2000x1xf32, #tpu.memory_space<vmem>>, %arg4: memref<128xf32, #tpu.memory_space<vmem>>, %arg5: memref<128x128xf32, #tpu.memory_space<vmem>>, %arg6: memref<2000x128xf32, #tpu.memory_space<vmem>>) attributes {dimension_semantics = [#tpu.dimension_semantics<arbitrary>], iteration_bounds = array<i64: 5>, scalar_prefetch = 0 : i64, scratch_operands = 0 : i64, tpu.core_type = #tpu.core_type<tc>, window_params = [{transform_indices = @transform_0, window_bounds = array<i64: 2, 2000, 128>}, {transform_indices = @transform_1, window_bounds = array<i64: 2000, 128>}, {transform_indices = @transform_2, window_bounds = array<i64: 2000, 1>}, {pipeline_mode = #tpu.pipeline_mode<synchronous>, transform_indices = @transform_3, window_bounds = array<i64: 128>}, {pipeline_mode = #tpu.pipeline_mode<synchronous>, transform_indices = @transform_4, window_bounds = array<i64: 128, 128>}, {transform_indices = @transform_5, window_bounds = array<i64: 2000, 128>}]} {
    %get3A = arith.constant 0 : index
    %get3A_0 = arith.constant 0 : index
    %get3A_1 = arith.constant 0 : index
    %get3A_2 = vector.load %arg1[%get3A, %get3A_0, %get3A_1] : memref<2x2000x128xf32, #tpu.memory_space<vmem>>, vector<1x2000x128xf32>
    %get3A_3 = vector.shape_cast %get3A_2 : vector<1x2000x128xf32> to vector<2000x128xf32>
    %get3A_4 = arith.constant 1 : index
    %get3A_5 = arith.constant 0 : index
    %get3A_6 = arith.constant 0 : index
    %get3A_7 = vector.load %arg1[%get3A_4, %get3A_5, %get3A_6] : memref<2x2000x128xf32, #tpu.memory_space<vmem>>, vector<1x2000x128xf32>
    %get3A_8 = vector.shape_cast %get3A_7 : vector<1x2000x128xf32> to vector<2000x128xf32>
    %add3A = arith.addf %get3A_3, %get3A_8 : vector<2000x128xf32>
    %get3A_9 = arith.constant 0 : index
    %get3A_10 = arith.constant 0 : index
    %get3A_11 = vector.load %arg3[%get3A_9, %get3A_10] : memref<2000x1xf32, #tpu.memory_space<vmem>>, vector<2000x1xf32>
    %get3A_12 = arith.constant 0 : index
    %get3A_13 = arith.constant 0 : index
    %get3A_14 = vector.load %arg2[%get3A_12, %get3A_13] : memref<2000x128xf32, #tpu.memory_space<vmem>>, vector<2000x128xf32>
    %add3A_15 = arith.addf %add3A, %get3A_14 : vector<2000x128xf32>
    %mul3A = vector.broadcast %get3A_11 : vector<2000x1xf32> to vector<2000x128xf32>
    %mul3A_16 = arith.mulf %mul3A, %add3A_15 : vector<2000x128xf32>
    %get3A_17 = arith.constant 0 : index
    %get3A_18 = vector.load %arg4[%get3A_17] : memref<128xf32, #tpu.memory_space<vmem>>, vector<128xf32>
    %broadcast_in_dim3A = vector.shape_cast %get3A_18 : vector<128xf32> to vector<1x128xf32>
    %add3A_19 = vector.broadcast %broadcast_in_dim3A : vector<1x128xf32> to vector<2000x128xf32>
    %add3A_20 = arith.addf %mul3A_16, %add3A_19 : vector<2000x128xf32>
    %max3A = arith.constant 0.000000e+00 : f32
    %max3A_21 = vector.broadcast %max3A : f32 to vector<2000x128xf32>
    %max3A_22 = arith.maximumf %add3A_20, %max3A_21 : vector<2000x128xf32>
    %get3A_23 = arith.constant 0 : index
    %get3A_24 = arith.constant 0 : index
    %get3A_25 = vector.load %arg5[%get3A_23, %get3A_24] : memref<128x128xf32, #tpu.memory_space<vmem>>, vector<128x128xf32>
    %dot_general3A = arith.constant dense<0.000000e+00> : vector<2000x128xf32>
    %dot_general3A_26 = tpu.matmul %max3A_22, %get3A_25, %dot_general3A {dimension_numbers = #tpu.dot_dimension_numbers<[1], [0], [0], [1], [0, 0, 1, 1], [], []>, transpose_lhs_hint = false} : vector<2000x128xf32>, vector<128x128xf32>, vector<2000x128xf32> -> vector<2000x128xf32>
    %get3A_27 = arith.constant 0 : index
    %get3A_28 = arith.constant 0 : index
    %get3A_29 = vector.load %arg3[%get3A_27, %get3A_28] : memref<2000x1xf32, #tpu.memory_space<vmem>>, vector<2000x1xf32>
    %mul3A_30 = vector.broadcast %get3A_29 : vector<2000x1xf32> to vector<2000x128xf32>
    %mul3A_31 = arith.mulf %dot_general3A_26, %mul3A_30 : vector<2000x128xf32>
    %swap3A = arith.constant 0 : index
    %swap3A_32 = arith.constant 0 : index
    %swap3A_33 = vector.load %arg6[%swap3A, %swap3A_32] : memref<2000x128xf32, #tpu.memory_space<vmem>>, vector<2000x128xf32>
    tpu.vector_store %arg6[%swap3A, %swap3A_32], %mul3A_31 {strides = array<i32>} : memref<2000x128xf32, #tpu.memory_space<vmem>>, vector<2000x128xf32>,
    return
  }
  func.func @transform_0(%arg0: i32) -> (i32, i32, i32) {
    %c0_i32 = arith.constant 0 : i32
    %c0_i32_0 = arith.constant 0 : i32
    %c0_i32_1 = arith.constant 0 : i32
    return %c0_i32, %arg0, %c0_i32_0 : i32, i32, i32
  }
  func.func @transform_1(%arg0: i32) -> (i32, i32) {
    %c0_i32 = arith.constant 0 : i32
    %c0_i32_0 = arith.constant 0 : i32
    return %arg0, %c0_i32 : i32, i32
  }
  func.func @transform_2(%arg0: i32) -> (i32, i32) {
    %c0_i32 = arith.constant 0 : i32
    %c0_i32_0 = arith.constant 0 : i32
    return %arg0, %c0_i32 : i32, i32
  }
  func.func @transform_3(%arg0: i32) -> i32 {
    %c0_i32 = arith.constant 0 : i32
    %c0_i32_0 = arith.constant 0 : i32
    return %c0_i32 : i32
  }
  func.func @transform_4(%arg0: i32) -> (i32, i32) {
    %c0_i32 = arith.constant 0 : i32
    %c0_i32_0 = arith.constant 0 : i32
    %c0_i32_1 = arith.constant 0 : i32
    return %c0_i32, %c0_i32_0 : i32, i32
  }
  func.func @transform_5(%arg0: i32) -> (i32, i32) {
    %c0_i32 = arith.constant 0 : i32
    %c0_i32_0 = arith.constant 0 : i32
    return %arg0, %c0_i32 : i32, i32
  }
}

module attributes {stable_mosaic.version = 14 : i64} {
  func.func @_t3_body(%arg0: i32, %arg1: memref<2x2000x128xf32, #tpu.memory_space<vmem>>, %arg2: memref<2000x128xf32, #tpu.memory_space<vmem>>, %arg3: memref<2000x1xf32, #tpu.memory_space<vmem>>, %arg4: memref<2000x120xf32, #tpu.memory_space<vmem>>, %arg5: memref<128xf32, #tpu.memory_space<vmem>>, %arg6: memref<128x64xf32, #tpu.memory_space<vmem>>, %arg7: memref<64xf32, #tpu.memory_space<vmem>>, %arg8: memref<64x10xf32, #tpu.memory_space<vmem>>, %arg9: memref<10xf32, #tpu.memory_space<vmem>>, %arg10: memref<128x64xf32, #tpu.memory_space<vmem>>, %arg11: memref<64xf32, #tpu.memory_space<vmem>>, %arg12: memref<64x4xf32, #tpu.memory_space<vmem>>, %arg13: memref<4x4xf32, #tpu.memory_space<vmem>>, %arg14: memref<256x128xf32, #tpu.memory_space<vmem>>, %arg15: memref<128xf32, #tpu.memory_space<vmem>>, %arg16: memref<2000x128xf32, #tpu.memory_space<vmem>>, %arg17: memref<2000x10xf32, #tpu.memory_space<vmem>>, %arg18: memref<2000x4xf32, #tpu.memory_space<vmem>>, %arg19: memref<2000x128xf32, #tpu.memory_space<vmem>>, %arg20: memref<2000x128xf32, #tpu.memory_space<vmem>>) attributes {dimension_semantics = [#tpu.dimension_semantics<arbitrary>], iteration_bounds = array<i64: 5>, scalar_prefetch = 0 : i64, scratch_operands = 0 : i64, tpu.core_type = #tpu.core_type<tc>, window_params = [{transform_indices = @transform_0, window_bounds = array<i64: 2, 2000, 128>}, {transform_indices = @transform_1, window_bounds = array<i64: 2000, 128>}, {transform_indices = @transform_2, window_bounds = array<i64: 2000, 1>}, {transform_indices = @transform_3, window_bounds = array<i64: 2000, 120>}, {pipeline_mode = #tpu.pipeline_mode<synchronous>, transform_indices = @transform_4, window_bounds = array<i64: 128>}, {pipeline_mode = #tpu.pipeline_mode<synchronous>, transform_indices = @transform_5, window_bounds = array<i64: 128, 64>}, {pipeline_mode = #tpu.pipeline_mode<synchronous>, transform_indices = @transform_6, window_bounds = array<i64: 64>}, {pipeline_mode = #tpu.pipeline_mode<synchronous>, transform_indices = @transform_7, window_bounds = array<i64: 64, 10>}, {pipeline_mode = #tpu.pipeline_mode<synchronous>, transform_indices = @transform_8, window_bounds = array<i64: 10>}, {pipeline_mode = #tpu.pipeline_mode<synchronous>, transform_indices = @transform_9, window_bounds = array<i64: 128, 64>}, {pipeline_mode = #tpu.pipeline_mode<synchronous>, transform_indices = @transform_10, window_bounds = array<i64: 64>}, {pipeline_mode = #tpu.pipeline_mode<synchronous>, transform_indices = @transform_11, window_bounds = array<i64: 64, 4>}, {pipeline_mode = #tpu.pipeline_mode<synchronous>, transform_indices = @transform_12, window_bounds = array<i64: 4, 4>}, {pipeline_mode = #tpu.pipeline_mode<synchronous>, transform_indices = @transform_13, window_bounds = array<i64: 256, 128>}, {pipeline_mode = #tpu.pipeline_mode<synchronous>, transform_indices = @transform_14, window_bounds = array<i64: 128>}, {transform_indices = @transform_15, window_bounds = array<i64: 2000, 128>}, {transform_indices = @transform_16, window_bounds = array<i64: 2000, 10>}, {transform_indices = @transform_17, window_bounds = array<i64: 2000, 4>}, {transform_indices = @transform_18, window_bounds = array<i64: 2000, 128>}, {transform_indices = @transform_19, window_bounds = array<i64: 2000, 128>}]} {
    %get3A = arith.constant 0 : index
    %get3A_0 = arith.constant 0 : index
    %get3A_1 = arith.constant 0 : index
    %get3A_2 = vector.load %arg1[%get3A, %get3A_0, %get3A_1] : memref<2x2000x128xf32, #tpu.memory_space<vmem>>, vector<1x2000x128xf32>
    %get3A_3 = vector.shape_cast %get3A_2 : vector<1x2000x128xf32> to vector<2000x128xf32>
    %get3A_4 = arith.constant 1 : index
    %get3A_5 = arith.constant 0 : index
    %get3A_6 = arith.constant 0 : index
    %get3A_7 = vector.load %arg1[%get3A_4, %get3A_5, %get3A_6] : memref<2x2000x128xf32, #tpu.memory_space<vmem>>, vector<1x2000x128xf32>
    %get3A_8 = vector.shape_cast %get3A_7 : vector<1x2000x128xf32> to vector<2000x128xf32>
    %add3A = arith.addf %get3A_3, %get3A_8 : vector<2000x128xf32>
    %get3A_9 = arith.constant 0 : index
    %get3A_10 = arith.constant 0 : index
    %get3A_11 = vector.load %arg3[%get3A_9, %get3A_10] : memref<2000x1xf32, #tpu.memory_space<vmem>>, vector<2000x1xf32>
    %get3A_12 = arith.constant 0 : index
    %get3A_13 = arith.constant 0 : index
    %get3A_14 = vector.load %arg2[%get3A_12, %get3A_13] : memref<2000x128xf32, #tpu.memory_space<vmem>>, vector<2000x128xf32>
    %add3A_15 = arith.addf %add3A, %get3A_14 : vector<2000x128xf32>
    %mul3A = vector.broadcast %get3A_11 : vector<2000x1xf32> to vector<2000x128xf32>
    %mul3A_16 = arith.mulf %mul3A, %add3A_15 : vector<2000x128xf32>
    %get3A_17 = arith.constant 0 : index
    %get3A_18 = vector.load %arg5[%get3A_17] : memref<128xf32, #tpu.memory_space<vmem>>, vector<128xf32>
    %broadcast_in_dim3A = vector.shape_cast %get3A_18 : vector<128xf32> to vector<1x128xf32>
    %add3A_19 = vector.broadcast %broadcast_in_dim3A : vector<1x128xf32> to vector<2000x128xf32>
    %add3A_20 = arith.addf %mul3A_16, %add3A_19 : vector<2000x128xf32>
    %swap3A = arith.constant 0 : index
    %swap3A_21 = arith.constant 0 : index
    %swap3A_22 = vector.load %arg16[%swap3A, %swap3A_21] : memref<2000x128xf32, #tpu.memory_space<vmem>>, vector<2000x128xf32>
    tpu.vector_store %arg16[%swap3A, %swap3A_21], %add3A_20 {strides = array<i32>} : memref<2000x128xf32, #tpu.memory_space<vmem>>, vector<2000x128xf32>,
    %get3A_23 = arith.constant 0 : index
    %get3A_24 = arith.constant 0 : index
    %get3A_25 = vector.load %arg6[%get3A_23, %get3A_24] : memref<128x64xf32, #tpu.memory_space<vmem>>, vector<128x64xf32>
    %dot_general3A = arith.constant dense<0.000000e+00> : vector<2000x64xf32>
    %dot_general3A_26 = tpu.matmul %add3A_20, %get3A_25, %dot_general3A {dimension_numbers = #tpu.dot_dimension_numbers<[1], [0], [0], [1], [0, 0, 1, 1], [], []>, transpose_lhs_hint = false} : vector<2000x128xf32>, vector<128x64xf32>, vector<2000x64xf32> -> vector<2000x64xf32>
    %get3A_27 = arith.constant 0 : index
    %get3A_28 = vector.load %arg7[%get3A_27] : memref<64xf32, #tpu.memory_space<vmem>>, vector<64xf32>
    %broadcast_in_dim3A_29 = vector.shape_cast %get3A_28 : vector<64xf32> to vector<1x64xf32>
    %add3A_30 = vector.broadcast %broadcast_in_dim3A_29 : vector<1x64xf32> to vector<2000x64xf32>
    %add3A_31 = arith.addf %dot_general3A_26, %add3A_30 : vector<2000x64xf32>
    %max3A = arith.constant 0.000000e+00 : f32
    %max3A_32 = vector.broadcast %max3A : f32 to vector<2000x64xf32>
    %max3A_33 = arith.maximumf %add3A_31, %max3A_32 : vector<2000x64xf32>
    %get3A_34 = arith.constant 0 : index
    %get3A_35 = arith.constant 0 : index
    %get3A_36 = vector.load %arg8[%get3A_34, %get3A_35] : memref<64x10xf32, #tpu.memory_space<vmem>>, vector<64x10xf32>
    %dot_general3A_37 = arith.constant dense<0.000000e+00> : vector<2000x10xf32>
    %dot_general3A_38 = tpu.matmul %max3A_33, %get3A_36, %dot_general3A_37 {dimension_numbers = #tpu.dot_dimension_numbers<[1], [0], [0], [1], [0, 0, 1, 1], [], []>, transpose_lhs_hint = false} : vector<2000x64xf32>, vector<64x10xf32>, vector<2000x10xf32> -> vector<2000x10xf32>
    %get3A_39 = arith.constant 0 : index
    %get3A_40 = vector.load %arg9[%get3A_39] : memref<10xf32, #tpu.memory_space<vmem>>, vector<10xf32>
    %broadcast_in_dim3A_41 = vector.shape_cast %get3A_40 : vector<10xf32> to vector<1x10xf32>
    %add3A_42 = vector.broadcast %broadcast_in_dim3A_41 : vector<1x10xf32> to vector<2000x10xf32>
    %add3A_43 = arith.addf %dot_general3A_38, %add3A_42 : vector<2000x10xf32>
    %swap3A_44 = arith.constant 0 : index
    %swap3A_45 = arith.constant 0 : index
    %swap3A_46 = vector.load %arg17[%swap3A_44, %swap3A_45] : memref<2000x10xf32, #tpu.memory_space<vmem>>, vector<2000x10xf32>
    tpu.vector_store %arg17[%swap3A_44, %swap3A_45], %add3A_43 {strides = array<i32>} : memref<2000x10xf32, #tpu.memory_space<vmem>>, vector<2000x10xf32>,
    %get3A_47 = arith.constant 0 : index
    %get3A_48 = arith.constant 0 : index
    %get3A_49 = vector.load %arg10[%get3A_47, %get3A_48] : memref<128x64xf32, #tpu.memory_space<vmem>>, vector<128x64xf32>
    %dot_general3A_50 = arith.constant dense<0.000000e+00> : vector<2000x64xf32>
    %dot_general3A_51 = tpu.matmul %add3A_20, %get3A_49, %dot_general3A_50 {dimension_numbers = #tpu.dot_dimension_numbers<[1], [0], [0], [1], [0, 0, 1, 1], [], []>, transpose_lhs_hint = false} : vector<2000x128xf32>, vector<128x64xf32>, vector<2000x64xf32> -> vector<2000x64xf32>
    %get3A_52 = arith.constant 0 : index
    %get3A_53 = vector.load %arg11[%get3A_52] : memref<64xf32, #tpu.memory_space<vmem>>, vector<64xf32>
    %broadcast_in_dim3A_54 = vector.shape_cast %get3A_53 : vector<64xf32> to vector<1x64xf32>
    %add3A_55 = vector.broadcast %broadcast_in_dim3A_54 : vector<1x64xf32> to vector<2000x64xf32>
    %add3A_56 = arith.addf %dot_general3A_51, %add3A_55 : vector<2000x64xf32>
    %max3A_57 = arith.constant 0.000000e+00 : f32
    %max3A_58 = vector.broadcast %max3A_57 : f32 to vector<2000x64xf32>
    %max3A_59 = arith.maximumf %add3A_56, %max3A_58 : vector<2000x64xf32>
    %get3A_60 = arith.constant 0 : index
    %get3A_61 = arith.constant 0 : index
    %get3A_62 = vector.load %arg12[%get3A_60, %get3A_61] : memref<64x4xf32, #tpu.memory_space<vmem>>, vector<64x4xf32>
    %dot_general3A_63 = arith.constant dense<0.000000e+00> : vector<2000x4xf32>
    %dot_general3A_64 = tpu.matmul %max3A_59, %get3A_62, %dot_general3A_63 {dimension_numbers = #tpu.dot_dimension_numbers<[1], [0], [0], [1], [0, 0, 1, 1], [], []>, transpose_lhs_hint = false} : vector<2000x64xf32>, vector<64x4xf32>, vector<2000x4xf32> -> vector<2000x4xf32>
    %get3A_65 = arith.constant 0 : index
    %get3A_66 = arith.constant 0 : index
    %get3A_67 = vector.load %arg13[%get3A_65, %get3A_66] : memref<4x4xf32, #tpu.memory_space<vmem>>, vector<4x4xf32>
    %dot_general3A_68 = arith.constant dense<0.000000e+00> : vector<2000x4xf32>
    %dot_general3A_69 = tpu.matmul %dot_general3A_64, %get3A_67, %dot_general3A_68 {dimension_numbers = #tpu.dot_dimension_numbers<[1], [0], [0], [1], [0, 0, 1, 1], [], []>, transpose_lhs_hint = false} : vector<2000x4xf32>, vector<4x4xf32>, vector<2000x4xf32> -> vector<2000x4xf32>
    %tanh3A = math.tanh %dot_general3A_69 : vector<2000x4xf32>
    %get3A_70 = arith.constant 0 : index
    %get3A_71 = arith.constant 1 : index
    %get3A_72 = vector.load %arg4[%get3A_70, %get3A_71] : memref<2000x120xf32, #tpu.memory_space<vmem>>, vector<2000x4xf32>
    %add3A_73 = arith.addf %tanh3A, %get3A_72 : vector<2000x4xf32>
    %swap3A_74 = arith.constant 0 : index
    %swap3A_75 = arith.constant 0 : index
    %swap3A_76 = vector.load %arg18[%swap3A_74, %swap3A_75] : memref<2000x4xf32, #tpu.memory_space<vmem>>, vector<2000x4xf32>
    tpu.vector_store %arg18[%swap3A_74, %swap3A_75], %add3A_73 {strides = array<i32>} : memref<2000x4xf32, #tpu.memory_space<vmem>>, vector<2000x4xf32>,
    %get3A_77 = arith.constant 0 : index
    %get3A_78 = arith.constant 0 : index
    %get3A_79 = vector.load %arg14[%get3A_77, %get3A_78] : memref<256x128xf32, #tpu.memory_space<vmem>>, vector<256x128xf32>
    %slice3A = vector.extract_strided_slice %get3A_79 {offsets = [0, 0], sizes = [128, 128], strides = [1, 1]} : vector<256x128xf32> to vector<128x128xf32>
    %dot_general3A_80 = arith.constant dense<0.000000e+00> : vector<2000x128xf32>
    %dot_general3A_81 = tpu.matmul %add3A_20, %slice3A, %dot_general3A_80 {dimension_numbers = #tpu.dot_dimension_numbers<[1], [0], [0], [1], [0, 0, 1, 1], [], []>, transpose_lhs_hint = false} : vector<2000x128xf32>, vector<128x128xf32>, vector<2000x128xf32> -> vector<2000x128xf32>
    %swap3A_82 = arith.constant 0 : index
    %swap3A_83 = arith.constant 0 : index
    %swap3A_84 = vector.load %arg19[%swap3A_82, %swap3A_83] : memref<2000x128xf32, #tpu.memory_space<vmem>>, vector<2000x128xf32>
    tpu.vector_store %arg19[%swap3A_82, %swap3A_83], %dot_general3A_81 {strides = array<i32>} : memref<2000x128xf32, #tpu.memory_space<vmem>>, vector<2000x128xf32>,
    %slice3A_85 = vector.extract_strided_slice %get3A_79 {offsets = [128, 0], sizes = [128, 128], strides = [1, 1]} : vector<256x128xf32> to vector<128x128xf32>
    %dot_general3A_86 = arith.constant dense<0.000000e+00> : vector<2000x128xf32>
    %dot_general3A_87 = tpu.matmul %add3A_20, %slice3A_85, %dot_general3A_86 {dimension_numbers = #tpu.dot_dimension_numbers<[1], [0], [0], [1], [0, 0, 1, 1], [], []>, transpose_lhs_hint = false} : vector<2000x128xf32>, vector<128x128xf32>, vector<2000x128xf32> -> vector<2000x128xf32>
    %get3A_88 = arith.constant 0 : index
    %get3A_89 = vector.load %arg15[%get3A_88] : memref<128xf32, #tpu.memory_space<vmem>>, vector<128xf32>
    %broadcast_in_dim3A_90 = vector.shape_cast %get3A_89 : vector<128xf32> to vector<1x128xf32>
    %add3A_91 = vector.broadcast %broadcast_in_dim3A_90 : vector<1x128xf32> to vector<2000x128xf32>
    %add3A_92 = arith.addf %dot_general3A_87, %add3A_91 : vector<2000x128xf32>
    %swap3A_93 = arith.constant 0 : index
    %swap3A_94 = arith.constant 0 : index
    %swap3A_95 = vector.load %arg20[%swap3A_93, %swap3A_94] : memref<2000x128xf32, #tpu.memory_space<vmem>>, vector<2000x128xf32>
    tpu.vector_store %arg20[%swap3A_93, %swap3A_94], %add3A_92 {strides = array<i32>} : memref<2000x128xf32, #tpu.memory_space<vmem>>, vector<2000x128xf32>,
    return
  }
  func.func @transform_0(%arg0: i32) -> (i32, i32, i32) {
    %c0_i32 = arith.constant 0 : i32
    %c0_i32_0 = arith.constant 0 : i32
    %c0_i32_1 = arith.constant 0 : i32
    return %c0_i32, %arg0, %c0_i32_0 : i32, i32, i32
  }
  func.func @transform_1(%arg0: i32) -> (i32, i32) {
    %c0_i32 = arith.constant 0 : i32
    %c0_i32_0 = arith.constant 0 : i32
    return %arg0, %c0_i32 : i32, i32
  }
  func.func @transform_2(%arg0: i32) -> (i32, i32) {
    %c0_i32 = arith.constant 0 : i32
    %c0_i32_0 = arith.constant 0 : i32
    return %arg0, %c0_i32 : i32, i32
  }
  func.func @transform_3(%arg0: i32) -> (i32, i32) {
    %c0_i32 = arith.constant 0 : i32
    %c0_i32_0 = arith.constant 0 : i32
    return %arg0, %c0_i32 : i32, i32
  }
  func.func @transform_4(%arg0: i32) -> i32 {
    %c0_i32 = arith.constant 0 : i32
    %c0_i32_0 = arith.constant 0 : i32
    return %c0_i32 : i32
  }
  func.func @transform_5(%arg0: i32) -> (i32, i32) {
    %c0_i32 = arith.constant 0 : i32
    %c0_i32_0 = arith.constant 0 : i32
    %c0_i32_1 = arith.constant 0 : i32
    return %c0_i32, %c0_i32_0 : i32, i32
  }
  func.func @transform_6(%arg0: i32) -> i32 {
    %c0_i32 = arith.constant 0 : i32
    %c0_i32_0 = arith.constant 0 : i32
    return %c0_i32 : i32
  }
  func.func @transform_7(%arg0: i32) -> (i32, i32) {
    %c0_i32 = arith.constant 0 : i32
    %c0_i32_0 = arith.constant 0 : i32
    %c0_i32_1 = arith.constant 0 : i32
    return %c0_i32, %c0_i32_0 : i32, i32
  }
  func.func @transform_8(%arg0: i32) -> i32 {
    %c0_i32 = arith.constant 0 : i32
    %c0_i32_0 = arith.constant 0 : i32
    return %c0_i32 : i32
  }
  func.func @transform_9(%arg0: i32) -> (i32, i32) {
    %c0_i32 = arith.constant 0 : i32
    %c0_i32_0 = arith.constant 0 : i32
    %c0_i32_1 = arith.constant 0 : i32
    return %c0_i32, %c0_i32_0 : i32, i32
  }
  func.func @transform_10(%arg0: i32) -> i32 {
    %c0_i32 = arith.constant 0 : i32
    %c0_i32_0 = arith.constant 0 : i32
    return %c0_i32 : i32
  }
  func.func @transform_11(%arg0: i32) -> (i32, i32) {
    %c0_i32 = arith.constant 0 : i32
    %c0_i32_0 = arith.constant 0 : i32
    %c0_i32_1 = arith.constant 0 : i32
    return %c0_i32, %c0_i32_0 : i32, i32
  }
  func.func @transform_12(%arg0: i32) -> (i32, i32) {
    %c0_i32 = arith.constant 0 : i32
    %c0_i32_0 = arith.constant 0 : i32
    %c0_i32_1 = arith.constant 0 : i32
    return %c0_i32, %c0_i32_0 : i32, i32
  }
  func.func @transform_13(%arg0: i32) -> (i32, i32) {
    %c0_i32 = arith.constant 0 : i32
    %c0_i32_0 = arith.constant 0 : i32
    %c0_i32_1 = arith.constant 0 : i32
    return %c0_i32, %c0_i32_0 : i32, i32
  }
  func.func @transform_14(%arg0: i32) -> i32 {
    %c0_i32 = arith.constant 0 : i32
    %c0_i32_0 = arith.constant 0 : i32
    return %c0_i32 : i32
  }
  func.func @transform_15(%arg0: i32) -> (i32, i32) {
    %c0_i32 = arith.constant 0 : i32
    %c0_i32_0 = arith.constant 0 : i32
    return %arg0, %c0_i32 : i32, i32
  }
  func.func @transform_16(%arg0: i32) -> (i32, i32) {
    %c0_i32 = arith.constant 0 : i32
    %c0_i32_0 = arith.constant 0 : i32
    return %arg0, %c0_i32 : i32, i32
  }
  func.func @transform_17(%arg0: i32) -> (i32, i32) {
    %c0_i32 = arith.constant 0 : i32
    %c0_i32_0 = arith.constant 0 : i32
    return %arg0, %c0_i32 : i32, i32
  }
  func.func @transform_18(%arg0: i32) -> (i32, i32) {
    %c0_i32 = arith.constant 0 : i32
    %c0_i32_0 = arith.constant 0 : i32
    return %arg0, %c0_i32 : i32, i32
  }
  func.func @transform_19(%arg0: i32) -> (i32, i32) {
    %c0_i32 = arith.constant 0 : i32
    %c0_i32_0 = arith.constant 0 : i32
    return %arg0, %c0_i32 : i32, i32
  }
}

module attributes {stable_mosaic.version = 14 : i64} {
  func.func @_t4_body(%arg0: i32, %arg1: memref<4000x128xf32, #tpu.memory_space<vmem>>, %arg2: memref<4000x128xf32, #tpu.memory_space<vmem>>, %arg3: memref<128x64xf32, #tpu.memory_space<vmem>>, %arg4: memref<64xf32, #tpu.memory_space<vmem>>, %arg5: memref<64x1xf32, #tpu.memory_space<vmem>>, %arg6: memref<1xf32, #tpu.memory_space<vmem>>, %arg7: memref<4000x1xf32, #tpu.memory_space<vmem>>) attributes {dimension_semantics = [#tpu.dimension_semantics<arbitrary>], iteration_bounds = array<i64: 80>, scalar_prefetch = 0 : i64, scratch_operands = 0 : i64, tpu.core_type = #tpu.core_type<tc>, window_params = [{transform_indices = @transform_0, window_bounds = array<i64: 4000, 128>}, {transform_indices = @transform_1, window_bounds = array<i64: 4000, 128>}, {pipeline_mode = #tpu.pipeline_mode<synchronous>, transform_indices = @transform_2, window_bounds = array<i64: 128, 64>}, {pipeline_mode = #tpu.pipeline_mode<synchronous>, transform_indices = @transform_3, window_bounds = array<i64: 64>}, {pipeline_mode = #tpu.pipeline_mode<synchronous>, transform_indices = @transform_4, window_bounds = array<i64: 64, 1>}, {pipeline_mode = #tpu.pipeline_mode<synchronous>, transform_indices = @transform_5, window_bounds = array<i64: 1>}, {transform_indices = @transform_6, window_bounds = array<i64: 4000, 1>}]} {
    %get3A = arith.constant 0 : index
    %get3A_0 = arith.constant 0 : index
    %get3A_1 = vector.load %arg1[%get3A, %get3A_0] : memref<4000x128xf32, #tpu.memory_space<vmem>>, vector<4000x128xf32>
    %get3A_2 = arith.constant 0 : index
    %get3A_3 = arith.constant 0 : index
    %get3A_4 = vector.load %arg2[%get3A_2, %get3A_3] : memref<4000x128xf32, #tpu.memory_space<vmem>>, vector<4000x128xf32>
    %add3A = arith.addf %get3A_1, %get3A_4 : vector<4000x128xf32>
    %max3A = arith.constant 0.000000e+00 : f32
    %max3A_5 = vector.broadcast %max3A : f32 to vector<4000x128xf32>
    %max3A_6 = arith.maximumf %add3A, %max3A_5 : vector<4000x128xf32>
    %get3A_7 = arith.constant 0 : index
    %get3A_8 = arith.constant 0 : index
    %get3A_9 = vector.load %arg3[%get3A_7, %get3A_8] : memref<128x64xf32, #tpu.memory_space<vmem>>, vector<128x64xf32>
    %dot_general3A = arith.constant dense<0.000000e+00> : vector<4000x64xf32>
    %dot_general3A_10 = tpu.matmul %max3A_6, %get3A_9, %dot_general3A {dimension_numbers = #tpu.dot_dimension_numbers<[1], [0], [0], [1], [0, 0, 1, 1], [], []>, transpose_lhs_hint = false} : vector<4000x128xf32>, vector<128x64xf32>, vector<4000x64xf32> -> vector<4000x64xf32>
    %get3A_11 = arith.constant 0 : index
    %get3A_12 = vector.load %arg4[%get3A_11] : memref<64xf32, #tpu.memory_space<vmem>>, vector<64xf32>
    %broadcast_in_dim3A = vector.shape_cast %get3A_12 : vector<64xf32> to vector<1x64xf32>
    %add3A_13 = vector.broadcast %broadcast_in_dim3A : vector<1x64xf32> to vector<4000x64xf32>
    %add3A_14 = arith.addf %dot_general3A_10, %add3A_13 : vector<4000x64xf32>
    %max3A_15 = arith.constant 0.000000e+00 : f32
    %max3A_16 = vector.broadcast %max3A_15 : f32 to vector<4000x64xf32>
    %max3A_17 = arith.maximumf %add3A_14, %max3A_16 : vector<4000x64xf32>
    %get3A_18 = arith.constant 0 : index
    %get3A_19 = arith.constant 0 : index
    %get3A_20 = vector.load %arg5[%get3A_18, %get3A_19] : memref<64x1xf32, #tpu.memory_space<vmem>>, vector<64x1xf32>
    %dot_general3A_21 = arith.constant dense<0.000000e+00> : vector<4000x1xf32>
    %dot_general3A_22 = tpu.matmul %max3A_17, %get3A_20, %dot_general3A_21 {dimension_numbers = #tpu.dot_dimension_numbers<[1], [0], [0], [1], [0, 0, 1, 1], [], []>, transpose_lhs_hint = false} : vector<4000x64xf32>, vector<64x1xf32>, vector<4000x1xf32> -> vector<4000x1xf32>
    %get3A_23 = arith.constant 0 : index
    %get3A_24 = vector.load %arg6[%get3A_23] : memref<1xf32, #tpu.memory_space<vmem>>, vector<1xf32>
    %broadcast_in_dim3A_25 = vector.shape_cast %get3A_24 : vector<1xf32> to vector<1x1xf32>
    %add3A_26 = vector.broadcast %broadcast_in_dim3A_25 : vector<1x1xf32> to vector<4000x1xf32>
    %add3A_27 = arith.addf %dot_general3A_22, %add3A_26 : vector<4000x1xf32>
    %neg3A = arith.constant 0.000000e+00 : f32
    %neg3A_28 = vector.broadcast %neg3A : f32 to vector<4000x1xf32>
    %neg3A_29 = arith.subf %neg3A_28, %add3A_27 : vector<4000x1xf32>
    %exp3A = math.exp %neg3A_29 : vector<4000x1xf32>
    %add3A_30 = arith.constant 1.000000e+00 : f32
    %add3A_31 = vector.broadcast %add3A_30 : f32 to vector<4000x1xf32>
    %add3A_32 = arith.addf %add3A_31, %exp3A : vector<4000x1xf32>
    %div3A = arith.constant 1.000000e+00 : f32
    %div3A_33 = vector.broadcast %div3A : f32 to vector<4000x1xf32>
    %div3A_34 = arith.divf %div3A_33, %add3A_32 : vector<4000x1xf32>
    %swap3A = arith.constant 0 : index
    %swap3A_35 = arith.constant 0 : index
    %swap3A_36 = vector.load %arg7[%swap3A, %swap3A_35] : memref<4000x1xf32, #tpu.memory_space<vmem>>, vector<4000x1xf32>
    tpu.vector_store %arg7[%swap3A, %swap3A_35], %div3A_34 {strides = array<i32>} : memref<4000x1xf32, #tpu.memory_space<vmem>>, vector<4000x1xf32>,
    return
  }
  func.func @transform_0(%arg0: i32) -> (i32, i32) {
    %c0_i32 = arith.constant 0 : i32
    %c0_i32_0 = arith.constant 0 : i32
    return %arg0, %c0_i32 : i32, i32
  }
  func.func @transform_1(%arg0: i32) -> (i32, i32) {
    %c0_i32 = arith.constant 0 : i32
    %c0_i32_0 = arith.constant 0 : i32
    return %arg0, %c0_i32 : i32, i32
  }
  func.func @transform_2(%arg0: i32) -> (i32, i32) {
    %c0_i32 = arith.constant 0 : i32
    %c0_i32_0 = arith.constant 0 : i32
    %c0_i32_1 = arith.constant 0 : i32
    return %c0_i32, %c0_i32_0 : i32, i32
  }
  func.func @transform_3(%arg0: i32) -> i32 {
    %c0_i32 = arith.constant 0 : i32
    %c0_i32_0 = arith.constant 0 : i32
    return %c0_i32 : i32
  }
  func.func @transform_4(%arg0: i32) -> (i32, i32) {
    %c0_i32 = arith.constant 0 : i32
    %c0_i32_0 = arith.constant 0 : i32
    %c0_i32_1 = arith.constant 0 : i32
    return %c0_i32, %c0_i32_0 : i32, i32
  }
  func.func @transform_5(%arg0: i32) -> i32 {
    %c0_i32 = arith.constant 0 : i32
    %c0_i32_0 = arith.constant 0 : i32
    return %c0_i32 : i32
  }
  func.func @transform_6(%arg0: i32) -> (i32, i32) {
    %c0_i32 = arith.constant 0 : i32
    %c0_i32_0 = arith.constant 0 : i32
    return %arg0, %c0_i32 : i32, i32
  }
}

</mosaic_0001>

<sc_bundles>
// kernel: kernel.10.cloned.1.call-start
scs
__scs_entry_jumppad:
0x0: {  	(pc) =	sbr.rel $0x88, $3  }
0x1: {  	(tag) =	ssettag $0x0;
	lr =	simm.s32 $0x1  }
0x2: {  	[smem:$0x3F89] =	sst lr;
	_ =	strace $0xD0000000  }
0x3: {  	_ = 	snop  }
0x4: {  	_ = 	snop  }
0x5: {  	_ = 	snop  }
0x6: {  	_ = 	snop  }
0x7: {  	_ = 	snop  }
__scs_overlays_trampoline_lowered:
0x8: {  	[smem:$0x3F98] =	sst s0  }
0x9: {  	[smem:$0x3F99] =	sst s1  }
0xa: {  	[smem:$0x3F9A] =	sst s2  }
0xb: {  	[smem:$0x3F9B] =	sst s3  }
0xc: {  	[smem:$0x3F9C] =	sst s4  }
0xd: {  	[smem:$0x3F9D] =	sst s5  }
0xe: {  	[smem:$0x3F9E] =	sst s6  }
0xf: {  	[smem:$0x3F9F] =	sst s7  }
0x10: {  	[smem:$0x3FA0] =	sst s8  }
0x11: {  	[smem:$0x3FA1] =	sst s9;
	s0 =	simm.s32 @!p0 $0x0  }
0x12: {  	s1 =	sld [smem:$0x3F87];
	s0 =	simm.s32 @p0 $0x1  }
0x13: {  	[smem:$0x3FA2] =	sst s0;
	s0 =	simm.s32 @!p1 $0x0  }
0x14: {  	s2 =	sld [smem:$0x3F86];
	s0 =	simm.s32 @p1 $0x1  }
0x15: {  	[smem:$0x3FA3] =	sst s0;
	s0 =	simm.s32 @!p2 $0x0  }
0x16: {  	s3 =	sld [smem:$0x3FDB];
	s0 =	simm.s32 @p2 $0x1  }
0x17: {  	s4 =	simm.s32 $0x1BF5;
	[smem:$0x3FA5] =	sst s0  }
0x18: {  	s0 =	sld [smem:$0x3F88];
	_ =	swait.ge [sflag:s4], $0x0  }
0x19: {  	s7 =	sld [smem:$0x3F89]  }
0x1a: {  	s8 =	sadd.s32 $0xFFFFE003, lr  }
0x1b: {  	s9 =	sadd.s32 $0xFFFFFEF7, lr;
	s5 =	simm.s32 $0xFFFFFFFF;
	p2 =	slt.u32 s8, $0xFFFFF086  }
0x1c: {  	p1 =	slt.u32 s9, $0xF7A;
	s5 =	simm.s32 @!p2 $0x0  }
0x1d: {  	s5 =	simm.s32 @p1 $0x1;
	p0 =	seq.s32 s7, s2  }
0x1e: {  	s7 =	smul.u32 @!p0 $0xF7A, s2;
	p2 =	seq.s32 @!p0 s5, $0x0  }
0x1f: {  	s9 =	smul.u32 $0xF7A, s1;
	s8 =	simm.s32 @!p0 $0x1BF5;
	p2 =	por !p2, p0  }
0x20: {  	[sflag:s8] =	ssyncset.s32 @!p0 $0xFFFFF086;
	s6 =	sadd.s32 @!p0 s3, s7;
	s7 =	simm.s32 @!p0 $0x108  }
0x21: {  	s3 =	sadd.s32 s3, s9;
	s6 =	sadd.s32 @!p0 $0x88, s6;
	s7 =	simm.s32 @p2 $0x1082  }
0x22: {  	[simem:s7], [sflag:s8] =	dma.local @!p0 [hbm:s6], $0xF7A  }
0x23: {  	s9 =	sor.u32 $0xD0000000, s2;
	s6 =	simm.s32 $0x108;
	_ =	swait.ge @!p0 [sflag:s8], $0x0  }
0x24: {  	s3 =	sadd.s32 $0x88, s3;
	s6 =	simm.s32 @!p1 $0x1082;
	[sflag:s4] =	ssyncset.s32 $0xFFFFF086  }
0x25: {  	[simem:s6], [sflag:s4] =	dma.local [hbm:s3], $0xF7A  }
0x26: {  	[smem:$0x3F89] =	sst s1;
	(tag) =	ssettag s2;
	_ =	strace s9  }
0x27: {  	s1 =	sld [smem:$0x3F99]  }
0x28: {  	s2 =	sld [smem:$0x3F9A]  }
0x29: {  	s4 =	sld [smem:$0x3F9C]  }
0x2a: {  	p0 =	seq.s32 s5, $0x0;
	s5 =	sld [smem:$0x3F9D]  }
0x2b: {  	s6 =	sld [smem:$0x3F9E]  }
0x2c: {  	s7 =	sld [smem:$0x3F9F]  }
0x2d: {  	s3 =	simm.s32 $0x108;
	s8 =	sld [smem:$0x3FA0]  }
0x2e: {  	s3 =	simm.s32 @!p0 $0x1082;
	s9 =	sld [smem:$0x3FA1]  }
0x2f: {  	lr =	sadd.s32 s0, s3;
	s0 =	sld [smem:$0x3F98]  }
0x30: {  	s3 =	sld [smem:$0x3F9B]  }
0x31: {  	[smem:$0x3FA4] =	sst s10  }
0x32: {  	s10 =	sld [smem:$0x3FA2];
	_ =	sdelay $0x3  }
0x33: {  	p0 =	seq.s32 s10, $0x1;
	s10 =	sld [smem:$0x3FA4];
	_ =	sdelay $0x3  }
0x34: {  	[smem:$0x3FA4] =	sst s10  }
0x35: {  	s10 =	sld [smem:$0x3FA3];
	_ =	sdelay $0x3  }
0x36: {  	p1 =	seq.s32 s10, $0x1;
	s10 =	sld [smem:$0x3FA4];
	_ =	sdelay $0x3  }
0x37: {  	[smem:$0x3FA4] =	sst s10  }
0x38: {  	s10 =	sld [smem:$0x3FA5]  }
0x39: {  	_ = 	snop;
	(pc) =	sbr.ind lr, $3  }
0x3a: {  	_ = 	snop  }
0x3b: {  	_ = 	snop  }
0x3c: {  	p2 =	seq.s32 s10, $0x1;
	s10 =	sld [smem:$0x3FA4]  }
0x3d: {  	_ =	shalt  }
0x3e: {  	_ =	shalt  }
0x3f: {  	_ =	shalt  }
0x40: {  	_ =	shalt  }
0x41: {  	_ =	shalt  }
0x42: {  	_ =	shalt  }
0x43: {  	_ =	shalt  }
0x44: {  	_ =	shalt  }
0x45: {  	_ =	shalt  }
0x46: {  	_ =	shalt  }
0x47: {  	_ =	shalt  }
0x48: {  	_ =	shalt  }
0x49: {  	_ =	shalt  }
0x4a: {  	_ =	shalt  }
0x4b: {  	_ =	shalt  }
0x4c: {  	_ =	shalt  }
0x4d: {  	_ =	shalt  }
0x4e: {  	_ =	shalt  }
0x4f: {  	_ =	shalt  }
0x50: {  	_ =	shalt  }
0x51: {  	_ =	shalt  }
0x52: {  	_ =	shalt  }
0x53: {  	_ =	shalt  }
0x54: {  	_ =	shalt  }
0x55: {  	_ =	shalt  }
0x56: {  	_ =	shalt  }
0x57: {  	_ =	shalt  }
0x58: {  	_ =	shalt  }
0x59: {  	_ =	shalt  }
0x5a: {  	_ =	shalt  }
0x5b: {  	_ =	shalt  }
0x5c: {  	_ =	shalt  }
0x5d: {  	_ =	shalt  }
0x5e: {  	_ =	shalt  }
0x5f: {  	_ =	shalt  }
0x60: {  	_ =	shalt  }
0x61: {  	_ =	shalt  }
0x62: {  	_ =	shalt  }
0x63: {  	_ =	shalt  }
0x64: {  	_ =	shalt  }
0x65: {  	_ =	shalt  }
0x66: {  	_ =	shalt  }
0x67: {  	_ =	shalt  }
0x68: {  	_ =	shalt  }
0x69: {  	_ =	shalt  }
0x6a: {  	_ =	shalt  }
0x6b: {  	_ =	shalt  }
0x6c: {  	_ =	shalt  }
0x6d: {  	_ =	shalt  }
0x6e: {  	_ =	shalt  }
0x6f: {  	_ =	shalt  }
0x70: {  	_ =	shalt  }
0x71: {  	_ =	shalt  }
0x72: {  	_ =	shalt  }
0x73: {  	_ =	shalt  }
0x74: {  	_ =	shalt  }
0x75: {  	_ =	shalt  }
0x76: {  	_ =	shalt  }
0x77: {  	_ =	shalt  }
0x78: {  	_ =	shalt  }
0x79: {  	_ =	shalt  }
0x7a: {  	_ =	shalt  }
0x7b: {  	_ =	shalt  }
0x7c: {  	_ =	shalt  }
0x7d: {  	_ =	shalt  }
0x7e: {  	_ =	shalt  }
0x7f: {  	_ =	shalt  }
0x80: {  	_ =	shalt  }
0x81: {  	_ =	shalt  }
0x82: {  	_ =	shalt  }
0x83: {  	_ =	shalt  }
0x84: {  	_ =	shalt  }
0x85: {  	_ =	shalt  }
0x86: {  	_ =	shalt  }
0x87: {  	_ =	shalt  }
.Lfunc_end0:
.L_simem_size_0:
called_computation_lowered:
.L_overlay_start_0:
0x88: {  	s2 =	sld [smem:$0x3FD9]  }
0x89: {  	s3 =	sld [smem:$0x3FFE];
	_ =	sdelay $0x1  }
0x8a: {  	s1 =	srdreg.scid  }
0x8b: {  	s0 =	sand.u32 $0x1, s1  }
0x8c: {  	s14 =	sshll.u32 s0, $0xA;
	s2 =	sadd.s32 s3, s2  }
0x8d: {  	s2 =	sadd.s32 s2, s14  }
0x8e: {  	[smem:$0x3FB0] =	sst s2  }
0x8f: {  	_ = 	snop  }
0x90: {  	s2 =	sld [smem:$0x3FD0];
	_ =	sdelay $0x2  }
0x91: {  	s15 =	simm.s32 $0xA;
	s4 =	simm.s32 $0x10  }
0x92: {  	[smem:s4], [sflag:s15] =	dma.local [hbm:s2], $0x1  }
0x93: {  	_ =	swait.eq [sflag:s15], $0x1  }
0x94: {  	[sflag:s15] =	ssyncset.done $0x0  }
0x95: {  	[sflag:s15] =	ssyncadd.s32 $0xFFFFFFFF  }
0x96: {  	s16 =	sld [smem:$0x11];
	(tm) =	ssettm $0x1  }
0x97: {  	s17 =	sld [smem:$0x3FFB];
	_ =	sdelay $0x3  }
0x98: {  	_ =	strace s17  }
0x99: {  	s3 =	sld [smem:$0x3FFC];
	_ =	sdelay $0x3  }
0x9a: {  	_ =	strace s3  }
0x9b: {  	s3 =	sld [smem:$0x3FFD];
	_ =	sdelay $0x3  }
0x9c: {  	_ =	strace s3  }
0x9d: {  	_ =	strace $0x8FFFFFFF  }
0x9e: {  	s18 =	sld [smem:$0x3FDB];
	_ =	sdelay $0x1  }
0x9f: {  	s19 =	simm.s32 $_scs_section_size  }
0xa0: {  	s5 =	simm.s32 $_size__tile_overlayer_lowered;
	s6 =	simm.s32 $_tile_overlayer_lowered  }
0xa1: {  	s22 =	simm.s32 $0x1BFF;
	s21 =	sshll.u32 s6, $0x1;
	s3 =	sadd.s32 s19, s18  }
0xa2: {  	s7 =	simm.s32 $0x0;
	s20 =	sshll.u32 s5, $0x1;
	s5 =	sadd.s32 s21, s3  }
0xa3: {  	[timem:s7], [sflag:s22] =	dma.local [hbm:s5], s20  }
0xa4: {  	_ =	swait.ge [sflag:s22], s20  }
0xa5: {  	s4 =	ssub.s32 $0x0, s20;
	[sflag:s22] =	ssyncset.done $0x0  }
0xa6: {  	[sflag:s22] =	ssyncadd.s32 s4;
	_ =	sdelay $0x1  }
0xa7: {  	s23 =	simm.s32 $0x1B8B  }
0xa8: {  	_ =	swait.ge [sflag:s23], $0x1  }
0xa9: {  	[sflag:s23] =	ssyncset.done $0x0  }
0xaa: {  	s25 =	simm.s32 $0x1B8E;
	s24 =	sld [smem:$0x3FFE];
	[sflag:s23] =	ssyncadd.s32 $0xFFFFFFFF  }
0xab: {  	s26 =	simm.s32 $execute0_lowered;
	[smem:$0x3FD2] =	sst s25  }
0xac: {  	s5 =	sshll.u32 s26, $0x1;
	_ =	strace $0x80000046;
	[dreg:$0x1] =	wrdreg $0xFFFFFFFF  }
0xad: {  	s28 =	simm.s32 $_size_execute0_lowered;
	s3 =	sadd.s32 s3, s5;
	[dreg:$0x0] =	wrdreg $0x0  }
0xae: {  	s5 =	sshll.u32 s28, $0x1;
	[dreg:$0x2] =	wrdreg s3  }
0xaf: {  	[dreg:$0x3] =	wrdreg s5  }
0xb0: {  	[dreg:$0x4] =	wrdreg $0xC0  }
0xb1: {  	_ =	task [dreg:s7], $0x5FFFF  }
0xb2: {  	[dreg:$0x1] =	wrdreg $0xFFFFFFFF  }
0xb3: {  	[dreg:$0x0] =	wrdreg $0x60  }
0xb4: {  	[dreg:$0x2] =	wrdreg s24  }
0xb5: {  	[dreg:$0x3] =	wrdreg s16  }
0xb6: {  	[dreg:$0x4] =	wrdreg $0x81000  }
0xb7: {  	[dreg:$0x5] =	wrdreg $0x9  }
0xb8: {  	_ =	task.clear_ibuf [dreg:s7], $0x6FFFF;
	_ =	strace $0x90000046  }
0xb9: {  	s29 =	simm.s32 $0x9;
	_ =	strace $0x80000048  }
0xba: {  	_ =	swait.ge [sflag:s29], $0x1  }
0xbb: {  	[sflag:s29] =	ssyncadd.s32 $0xFFFFFFFF  }
0xbc: {  	_ =	strace $0x90000048  }
0xbd: {  	_ =	sfence  }
0xbe: {  	s30 =	sld [smem:$0x0];
	_ =	sdelay $0x2  }
0xbf: {  	s31 =	sshll.u32 s1, $0xD;
	s1 =	sshrl.u32 s1, $0x2  }
0xc0: {  	s3 =	sand.u32 $0x4000, s31;
	s1 =	sadd.s32 s1, s30  }
0xc1: {  	s0 =	sor.u32 s3, s0;
	s1 =	sshll.u32 s1, $0x11  }
0xc2: {  	s0 =	sor.u32 s1, s0  }
0xc3: {  	s0 =	sadd.s32 $0x8F2B, s0  }
0xc4: {  	[sflag:s0] =	ssyncadd.remote.s32 $0x1  }
0xc5: {  	_ =	sfence.sel $0xFFFF  }
0xc6: {  	[dreg:$0x0] =	wrdreg $0xFFFFFFFF;
	(pc) =	sbr.abs _section_cstart, $3  }
0xc7: {  	[dreg:$0x1] =	wrdreg $0xFFFFFFFF  }
0xc8: {  	_ =	task.clear_ibuf [dreg:s7], $0x2FFFF;
	_ =	strace $0x9FFFFFFF  }
0xc9: {  	(tm) =	ssettm $0x7FFFFFFF  }
tec
execute0_lowered:
.L_overlay_start_1:
0x0: {  	(tag) =	ssettag $0x1  }
0x1: {  	s5 =	rddreg [dreg:$0x0]  }
0x2: {  	s0 =	srdreg.scid;
	s1 =	rddreg [dreg:$0x1]  }
0x3: {  	s6 =	stileid.u32;
	s2 =	rddreg [dreg:$0x2]  }
0x4: {  	s3 =	simm.s32 $0x0;
	s10 =	simm.s32 $0x1;
	s11 =	simm.s32 $0x0  }
0x5: {  	s4 =	sand.u32 $0x1, s0;
	s7 =	smul.u32 $0x5000, s6;
	s0 =	rddreg [dreg:$0x3]  }
0x6: {  	[smem:$0x7FF] =	sst s3;
	p0 =	sne.s32 s6, $0x0;
	s8 =	smul.u32 $0x2800, s4  }
0x7: {  	s30 =	smul.u32 $0x27200, s4;
	_ =	strace $0x80000047;
	s9 =	ssub.s32 $0x2, s4  }
0x8: {  	s4 =	sadd.s32 $0x19200, s5;
	s31 =	sshrl.u32 s9, $0x1;
	s7 =	sadd.s32 s8, s7  }
0x9: {  	s8 =	ssub.s32 s9, s31;
	s9 =	simm.s32 $0x100;
	s7 =	sshrl.u32 s7, $0x3  }
0xa: {  	s6 =	smax.u32 s8, $0x1;
	s7 =	sadd.s32 s7, s5;
	s5 =	sadd.s32 s30, s5  }
0xb: {  	s8 =	sshrl.u32 @!p0 s2, $0x3;
	s5 =	sadd.s32 $0x40400, s5;
	s7 =	sadd.s32 $0x5200, s7  }
.LBB2_1:
0xc: {  	s12 =	simm.s32 @!p0 $0x1C01  }
0xd: {  	[spmem:s8], [sflag:s12] =	dma.local @!p0 [hbm:s4], $0x27200  }
0xe: {  	s12 =	simm.s32 @!p0 $0x1  }
0xf: {  	_ =	swait.ge @!p0 [sflag:s12], $0x27200  }
0x10: {  	[sflag:s12] =	ssyncset.done @!p0 $0x0  }
0x11: {  	[sflag:s12] =	ssyncadd.s32 @!p0 $0xFFFD8E00  }
0x12: {  	[tilespmem:s9], [sflag:$0x1] =	stream.linear.gather [hbm4b:s1+s3], $0x8000, $0x38;
	[tilespmem:$0x1BA00] =	vst v63  }
0x13: {  	_ =	swait.ge [sflag:s10], $0x8000  }
0x14: {  	[sflag:s10] =	ssyncset.done $0x0  }
0x15: {  	[sflag:s10] =	ssyncadd.s32 $0xFFFF8000  }
0x16: {  	s31 =	sadd.s32 $0x0, s7;
	[bflag:$0x0] =	sbarrier.arrive $0xFFFF  }
0x17: {  	[tilespmem:s3], [sflag:$0x1] =	stream.linear.gather [hbm4b:s31+s3], $0x100, $0x38;
	[tilespmem:$0x1BA00] =	vst v63  }
0x18: {  	_ =	swait.ge [sflag:s10], $0x100  }
0x19: {  	[sflag:s10] =	ssyncset.done $0x0  }
0x1a: {  	[sflag:s10] =	ssyncadd.s32 $0xFFFFFF00  }
0x1b: {  	[spmem:s2] =	stream.indirect.scatter.add.f32 [tilespmem:s9], [sflag:$0x1], $0x80, s3, s9, $0xb8;
	[tilespmem:$0x1BA00] =	vst v63  }
0x1c: {  	_ =	swait.ge [sflag:s10], $0x8000  }
0x1d: {  	s13 =	simm.s32 $0x40;
	s12 =	simm.s32 $0x20;
	[sflag:s10] =	ssyncset.done $0x0  }
.LBB2_2:
0x1e: {  	s14 =	sadd.s32 s12, s7  }
0x1f: {  	[sflag:s10] =	ssyncadd.s32 $0xFFFF8000;
	s12 =	smov.u32 s13;
	s15 =	sadd.s32 $0x20, s13  }
0x20: {  	[tilespmem:s3], [sflag:$0x1] =	stream.linear.gather [hbm4b:s14+s3], $0x100, $0x38;
	[tilespmem:$0x1BA00] =	vst v63  }
0x21: {  	p1 =	sne.s32 s13, $0x4E0;
	_ =	swait.ge [sflag:s10], $0x100  }
.Ltmp0:
0x22: {  	[sflag:s10] =	ssyncset.done $0x0;
	(pc) =	sbr.rel @p1 .LBB2_2-.Ltmp0, $4  }
0x23: {  	[sflag:s10] =	ssyncadd.s32 $0xFFFFFF00  }
0x24: {  	[spmem:s2] =	stream.indirect.scatter.add.f32 [tilespmem:s9], [sflag:$0x1], $0x80, s3, s9, $0xb8;
	[tilespmem:$0x1BA00] =	vst v63  }
0x25: {  	_ =	swait.ge [sflag:s10], $0x8000  }
0x26: {  	s13 =	smov.u32 s15;
	[sflag:s10] =	ssyncset.done $0x0  }
0x27: {  	s12 =	sadd.s32 s12, s7;
	[sflag:s10] =	ssyncadd.s32 $0xFFFF8000  }
0x28: {  	[tilespmem:s3], [sflag:$0x1] =	stream.linear.gather [hbm4b:s12+s3], $0x100, $0x38;
	[tilespmem:$0x1BA00] =	vst v63  }
0x29: {  	_ =	swait.ge [sflag:s10], $0x100  }
0x2a: {  	[sflag:s10] =	ssyncset.done $0x0  }
0x2b: {  	[sflag:s10] =	ssyncadd.s32 $0xFFFFFF00  }
0x2c: {  	[spmem:s2] =	stream.indirect.scatter.add.f32 [tilespmem:s9], [sflag:$0x1], $0x80, s3, s9, $0xb8;
	[tilespmem:$0x1BA00] =	vst v63  }
0x2d: {  	_ =	swait.ge [sflag:s10], $0x8000  }
0x2e: {  	[sflag:s10] =	ssyncset.done $0x0  }
0x2f: {  	s11 =	sadd.s32 $0x1, s11;
	[sflag:s10] =	ssyncadd.s32 $0xFFFF8000  }
0x30: {  	s12 =	simm.s32 @!p0 $0x1C01;
	p1 =	sne.s32 s11, s6;
	[bflag:$0x0] =	sbarrier.arrive $0xFFFF  }
0x31: {  	[hbm:s5], [sflag:s12] =	dma.local @!p0 [spmem:s8], $0x27200  }
.Ltmp1:
0x32: {  	_ = 	snop;
	(pc) =	sbr.rel @p1 .LBB2_1-.Ltmp1, $4  }
0x33: {  	s12 =	simm.s32 @!p0 $0x1  }
0x34: {  	_ =	swait.ge @!p0 [sflag:s12], $0x27200  }
0x35: {  	[sflag:s12] =	ssyncset.done @!p0 $0x0  }
0x36: {  	[sflag:s12] =	ssyncadd.s32 @!p0 $0xFFFD8E00  }
0x37: {  	_ =	sfence.sel $0x180000  }
0x38: {  	[bflag:$0x0] =	sbarrier.arrive $0xFFFF  }
0x39: {  	_ =	strace $0x90000047  }
0x3a: {  	s0 =	sadd.s32 @!p0 $0x100000, s0;
	[bflag:$0x2] =	sbarrier.arrive $0xFFFF  }
0x3b: {  	[sflag:s0] =	ssyncadd.tile.s32 @!p0 $0x1;
	_ =	shalt  }
.Lfunc_end2:
_tile_overlayer_lowered:
.L_overlay_start_2:
0x3c: {  	(tag) =	ssettag $0x2  }
0x3d: {  	s0 =	rddreg [dreg:$0x0];
	s2 =	stileid.u32  }
0x3e: {  	s1 =	rddreg [dreg:$0x1];
	p0 =	sne.s32 s2, $0x0  }
0x3f: {  	s3 =	rddreg [dreg:$0x2];
	[bflag:$0x3] =	sbarrier.arrive $0xFFFF;
	s2 =	simm.s32 @!p0 $0x1C01  }
0x40: {  	[timem:s3], [sflag:s2] =	dma.local @!p0 [hbm:s0], s1  }
0x41: {  	s0 =	simm.s32 @!p0 $0x1  }
0x42: {  	_ =	swait.ge @!p0 [sflag:s0], s1  }
0x43: {  	s1 =	ssub.s32 @!p0 $0x0, s1;
	[sflag:s0] =	ssyncset.done @!p0 $0x0  }
0x44: {  	[sflag:s0] =	ssyncadd.s32 @!p0 s1  }
0x45: {  	[bflag:$0x3] =	sbarrier.arrive $0xFFFF  }
0x46: {  	_ =	shalt  }

// kernel: kernel.13.cloned.1.call-start
scs
__scs_entry_jumppad:
0x0: {  	(pc) =	sbr.rel $0x88, $3  }
0x1: {  	(tag) =	ssettag $0x0;
	lr =	simm.s32 $0x1  }
0x2: {  	[smem:$0x3F89] =	sst lr;
	_ =	strace $0xD0000000  }
0x3: {  	_ = 	snop  }
0x4: {  	_ = 	snop  }
0x5: {  	_ = 	snop  }
0x6: {  	_ = 	snop  }
0x7: {  	_ = 	snop  }
__scs_overlays_trampoline_lowered:
0x8: {  	[smem:$0x3F98] =	sst s0  }
0x9: {  	[smem:$0x3F99] =	sst s1  }
0xa: {  	[smem:$0x3F9A] =	sst s2  }
0xb: {  	[smem:$0x3F9B] =	sst s3  }
0xc: {  	[smem:$0x3F9C] =	sst s4  }
0xd: {  	[smem:$0x3F9D] =	sst s5  }
0xe: {  	[smem:$0x3F9E] =	sst s6  }
0xf: {  	[smem:$0x3F9F] =	sst s7  }
0x10: {  	[smem:$0x3FA0] =	sst s8  }
0x11: {  	[smem:$0x3FA1] =	sst s9;
	s0 =	simm.s32 @!p0 $0x0  }
0x12: {  	s1 =	sld [smem:$0x3F87];
	s0 =	simm.s32 @p0 $0x1  }
0x13: {  	[smem:$0x3FA2] =	sst s0;
	s0 =	simm.s32 @!p1 $0x0  }
0x14: {  	s2 =	sld [smem:$0x3F86];
	s0 =	simm.s32 @p1 $0x1  }
0x15: {  	[smem:$0x3FA3] =	sst s0;
	s0 =	simm.s32 @!p2 $0x0  }
0x16: {  	s3 =	sld [smem:$0x3FDB];
	s0 =	simm.s32 @p2 $0x1  }
0x17: {  	s4 =	simm.s32 $0x1BF5;
	[smem:$0x3FA5] =	sst s0  }
0x18: {  	s0 =	sld [smem:$0x3F88];
	_ =	swait.ge [sflag:s4], $0x0  }
0x19: {  	s7 =	sld [smem:$0x3F89]  }
0x1a: {  	s8 =	sadd.s32 $0xFFFFE003, lr  }
0x1b: {  	s9 =	sadd.s32 $0xFFFFFEF7, lr;
	s5 =	simm.s32 $0xFFFFFFFF;
	p2 =	slt.u32 s8, $0xFFFFF086  }
0x1c: {  	p1 =	slt.u32 s9, $0xF7A;
	s5 =	simm.s32 @!p2 $0x0  }
0x1d: {  	s5 =	simm.s32 @p1 $0x1;
	p0 =	seq.s32 s7, s2  }
0x1e: {  	s7 =	smul.u32 @!p0 $0xF7A, s2;
	p2 =	seq.s32 @!p0 s5, $0x0  }
0x1f: {  	s9 =	smul.u32 $0xF7A, s1;
	s8 =	simm.s32 @!p0 $0x1BF5;
	p2 =	por !p2, p0  }
0x20: {  	[sflag:s8] =	ssyncset.s32 @!p0 $0xFFFFF086;
	s6 =	sadd.s32 @!p0 s3, s7;
	s7 =	simm.s32 @!p0 $0x108  }
0x21: {  	s3 =	sadd.s32 s3, s9;
	s6 =	sadd.s32 @!p0 $0x88, s6;
	s7 =	simm.s32 @p2 $0x1082  }
0x22: {  	[simem:s7], [sflag:s8] =	dma.local @!p0 [hbm:s6], $0xF7A  }
0x23: {  	s9 =	sor.u32 $0xD0000000, s2;
	s6 =	simm.s32 $0x108;
	_ =	swait.ge @!p0 [sflag:s8], $0x0  }
0x24: {  	s3 =	sadd.s32 $0x88, s3;
	s6 =	simm.s32 @!p1 $0x1082;
	[sflag:s4] =	ssyncset.s32 $0xFFFFF086  }
0x25: {  	[simem:s6], [sflag:s4] =	dma.local [hbm:s3], $0xF7A  }
0x26: {  	[smem:$0x3F89] =	sst s1;
	(tag) =	ssettag s2;
	_ =	strace s9  }
0x27: {  	s1 =	sld [smem:$0x3F99]  }
0x28: {  	s2 =	sld [smem:$0x3F9A]  }
0x29: {  	s4 =	sld [smem:$0x3F9C]  }
0x2a: {  	p0 =	seq.s32 s5, $0x0;
	s5 =	sld [smem:$0x3F9D]  }
0x2b: {  	s6 =	sld [smem:$0x3F9E]  }
0x2c: {  	s7 =	sld [smem:$0x3F9F]  }
0x2d: {  	s3 =	simm.s32 $0x108;
	s8 =	sld [smem:$0x3FA0]  }
0x2e: {  	s3 =	simm.s32 @!p0 $0x1082;
	s9 =	sld [smem:$0x3FA1]  }
0x2f: {  	lr =	sadd.s32 s0, s3;
	s0 =	sld [smem:$0x3F98]  }
0x30: {  	s3 =	sld [smem:$0x3F9B]  }
0x31: {  	[smem:$0x3FA4] =	sst s10  }
0x32: {  	s10 =	sld [smem:$0x3FA2];
	_ =	sdelay $0x3  }
0x33: {  	p0 =	seq.s32 s10, $0x1;
	s10 =	sld [smem:$0x3FA4];
	_ =	sdelay $0x3  }
0x34: {  	[smem:$0x3FA4] =	sst s10  }
0x35: {  	s10 =	sld [smem:$0x3FA3];
	_ =	sdelay $0x3  }
0x36: {  	p1 =	seq.s32 s10, $0x1;
	s10 =	sld [smem:$0x3FA4];
	_ =	sdelay $0x3  }
0x37: {  	[smem:$0x3FA4] =	sst s10  }
0x38: {  	s10 =	sld [smem:$0x3FA5]  }
0x39: {  	_ = 	snop;
	(pc) =	sbr.ind lr, $3  }
0x3a: {  	_ = 	snop  }
0x3b: {  	_ = 	snop  }
0x3c: {  	p2 =	seq.s32 s10, $0x1;
	s10 =	sld [smem:$0x3FA4]  }
0x3d: {  	_ =	shalt  }
0x3e: {  	_ =	shalt  }
0x3f: {  	_ =	shalt  }
0x40: {  	_ =	shalt  }
0x41: {  	_ =	shalt  }
0x42: {  	_ =	shalt  }
0x43: {  	_ =	shalt  }
0x44: {  	_ =	shalt  }
0x45: {  	_ =	shalt  }
0x46: {  	_ =	shalt  }
0x47: {  	_ =	shalt  }
0x48: {  	_ =	shalt  }
0x49: {  	_ =	shalt  }
0x4a: {  	_ =	shalt  }
0x4b: {  	_ =	shalt  }
0x4c: {  	_ =	shalt  }
0x4d: {  	_ =	shalt  }
0x4e: {  	_ =	shalt  }
0x4f: {  	_ =	shalt  }
0x50: {  	_ =	shalt  }
0x51: {  	_ =	shalt  }
0x52: {  	_ =	shalt  }
0x53: {  	_ =	shalt  }
0x54: {  	_ =	shalt  }
0x55: {  	_ =	shalt  }
0x56: {  	_ =	shalt  }
0x57: {  	_ =	shalt  }
0x58: {  	_ =	shalt  }
0x59: {  	_ =	shalt  }
0x5a: {  	_ =	shalt  }
0x5b: {  	_ =	shalt  }
0x5c: {  	_ =	shalt  }
0x5d: {  	_ =	shalt  }
0x5e: {  	_ =	shalt  }
0x5f: {  	_ =	shalt  }
0x60: {  	_ =	shalt  }
0x61: {  	_ =	shalt  }
0x62: {  	_ =	shalt  }
0x63: {  	_ =	shalt  }
0x64: {  	_ =	shalt  }
0x65: {  	_ =	shalt  }
0x66: {  	_ =	shalt  }
0x67: {  	_ =	shalt  }
0x68: {  	_ =	shalt  }
0x69: {  	_ =	shalt  }
0x6a: {  	_ =	shalt  }
0x6b: {  	_ =	shalt  }
0x6c: {  	_ =	shalt  }
0x6d: {  	_ =	shalt  }
0x6e: {  	_ =	shalt  }
0x6f: {  	_ =	shalt  }
0x70: {  	_ =	shalt  }
0x71: {  	_ =	shalt  }
0x72: {  	_ =	shalt  }
0x73: {  	_ =	shalt  }
0x74: {  	_ =	shalt  }
0x75: {  	_ =	shalt  }
0x76: {  	_ =	shalt  }
0x77: {  	_ =	shalt  }
0x78: {  	_ =	shalt  }
0x79: {  	_ =	shalt  }
0x7a: {  	_ =	shalt  }
0x7b: {  	_ =	shalt  }
0x7c: {  	_ =	shalt  }
0x7d: {  	_ =	shalt  }
0x7e: {  	_ =	shalt  }
0x7f: {  	_ =	shalt  }
0x80: {  	_ =	shalt  }
0x81: {  	_ =	shalt  }
0x82: {  	_ =	shalt  }
0x83: {  	_ =	shalt  }
0x84: {  	_ =	shalt  }
0x85: {  	_ =	shalt  }
0x86: {  	_ =	shalt  }
0x87: {  	_ =	shalt  }
.Lfunc_end0:
.L_simem_size_0:
called_computation.1_lowered:
.L_overlay_start_0:
0x88: {  	s2 =	sld [smem:$0x3FD9]  }
0x89: {  	s3 =	sld [smem:$0x3FFE];
	_ =	sdelay $0x1  }
0x8a: {  	s1 =	srdreg.scid  }
0x8b: {  	s0 =	sand.u32 $0x1, s1  }
0x8c: {  	s14 =	sshll.u32 s0, $0xA;
	s2 =	sadd.s32 s3, s2  }
0x8d: {  	s2 =	sadd.s32 s2, s14  }
0x8e: {  	[smem:$0x3FB0] =	sst s2  }
0x8f: {  	_ = 	snop  }
0x90: {  	s2 =	sld [smem:$0x3FD0];
	_ =	sdelay $0x2  }
0x91: {  	s15 =	simm.s32 $0xA;
	s4 =	simm.s32 $0x10  }
0x92: {  	[smem:s4], [sflag:s15] =	dma.local [hbm:s2], $0x1  }
0x93: {  	_ =	swait.eq [sflag:s15], $0x1  }
0x94: {  	[sflag:s15] =	ssyncset.done $0x0  }
0x95: {  	[sflag:s15] =	ssyncadd.s32 $0xFFFFFFFF  }
0x96: {  	s16 =	sld [smem:$0x13];
	(tm) =	ssettm $0x1  }
0x97: {  	s17 =	sld [smem:$0x3FFB];
	_ =	sdelay $0x3  }
0x98: {  	_ =	strace s17  }
0x99: {  	s3 =	sld [smem:$0x3FFC];
	_ =	sdelay $0x3  }
0x9a: {  	_ =	strace s3  }
0x9b: {  	s3 =	sld [smem:$0x3FFD];
	_ =	sdelay $0x3  }
0x9c: {  	_ =	strace s3  }
0x9d: {  	_ =	strace $0x8FFFFFFF  }
0x9e: {  	s18 =	sld [smem:$0x3FDB];
	_ =	sdelay $0x1  }
0x9f: {  	s19 =	simm.s32 $_scs_section_size  }
0xa0: {  	s5 =	simm.s32 $_size__tile_overlayer_lowered;
	s6 =	simm.s32 $_tile_overlayer_lowered  }
0xa1: {  	s22 =	simm.s32 $0x1BFF;
	s21 =	sshll.u32 s6, $0x1;
	s3 =	sadd.s32 s19, s18  }
0xa2: {  	s7 =	simm.s32 $0x0;
	s20 =	sshll.u32 s5, $0x1;
	s5 =	sadd.s32 s21, s3  }
0xa3: {  	[timem:s7], [sflag:s22] =	dma.local [hbm:s5], s20  }
0xa4: {  	_ =	swait.ge [sflag:s22], s20  }
0xa5: {  	s4 =	ssub.s32 $0x0, s20;
	[sflag:s22] =	ssyncset.done $0x0  }
0xa6: {  	[sflag:s22] =	ssyncadd.s32 s4;
	_ =	sdelay $0x1  }
0xa7: {  	s23 =	simm.s32 $0x1B8B  }
0xa8: {  	_ =	swait.ge [sflag:s23], $0x1  }
0xa9: {  	[sflag:s23] =	ssyncset.done $0x0  }
0xaa: {  	s25 =	simm.s32 $0x1B8E;
	s24 =	sld [smem:$0x3FFE];
	[sflag:s23] =	ssyncadd.s32 $0xFFFFFFFF  }
0xab: {  	s26 =	simm.s32 $execute0_lowered;
	[smem:$0x3FD2] =	sst s25  }
0xac: {  	s5 =	sshll.u32 s26, $0x1;
	_ =	strace $0x80000049;
	[dreg:$0x1] =	wrdreg $0xFFFFFFFF  }
0xad: {  	s28 =	simm.s32 $_size_execute0_lowered;
	s3 =	sadd.s32 s3, s5;
	[dreg:$0x0] =	wrdreg $0x0  }
0xae: {  	s5 =	sshll.u32 s28, $0x1;
	[dreg:$0x2] =	wrdreg s3  }
0xaf: {  	[dreg:$0x3] =	wrdreg s5  }
0xb0: {  	[dreg:$0x4] =	wrdreg $0xC0  }
0xb1: {  	_ =	task [dreg:s7], $0x5FFFF  }
0xb2: {  	[dreg:$0x1] =	wrdreg $0xFFFFFFFF  }
0xb3: {  	[dreg:$0x0] =	wrdreg $0x60  }
0xb4: {  	[dreg:$0x2] =	wrdreg s16  }
0xb5: {  	[dreg:$0x3] =	wrdreg s24  }
0xb6: {  	[dreg:$0x4] =	wrdreg $0x82000  }
0xb7: {  	[dreg:$0x5] =	wrdreg $0x9  }
0xb8: {  	_ =	task.clear_ibuf [dreg:s7], $0x6FFFF;
	_ =	strace $0x90000049  }
0xb9: {  	s29 =	simm.s32 $0x9;
	_ =	strace $0x8000004B  }
0xba: {  	_ =	swait.ge [sflag:s29], $0x1  }
0xbb: {  	[sflag:s29] =	ssyncadd.s32 $0xFFFFFFFF  }
0xbc: {  	_ =	strace $0x9000004B  }
0xbd: {  	_ =	sfence  }
0xbe: {  	s30 =	sld [smem:$0x0];
	_ =	sdelay $0x2  }
0xbf: {  	s31 =	sshll.u32 s1, $0xD;
	s1 =	sshrl.u32 s1, $0x2  }
0xc0: {  	s3 =	sand.u32 $0x4000, s31;
	s1 =	sadd.s32 s1, s30  }
0xc1: {  	s0 =	sor.u32 s3, s0;
	s1 =	sshll.u32 s1, $0x11  }
0xc2: {  	s0 =	sor.u32 s1, s0  }
0xc3: {  	s0 =	sadd.s32 $0x8F2B, s0  }
0xc4: {  	[sflag:s0] =	ssyncadd.remote.s32 $0x1  }
0xc5: {  	_ =	sfence.sel $0xFFFF  }
0xc6: {  	[dreg:$0x0] =	wrdreg $0xFFFFFFFF;
	(pc) =	sbr.abs _section_cstart, $3  }
0xc7: {  	[dreg:$0x1] =	wrdreg $0xFFFFFFFF  }
0xc8: {  	_ =	task.clear_ibuf [dreg:s7], $0x2FFFF;
	_ =	strace $0x9FFFFFFF  }
0xc9: {  	(tm) =	ssettm $0x7FFFFFFF  }
tec
execute0_lowered:
.L_overlay_start_1:
0x0: {  	(tag) =	ssettag $0x1  }
0x1: {  	s1 =	rddreg [dreg:$0x0]  }
0x2: {  	s5 =	rddreg [dreg:$0x1]  }
0x3: {  	s2 =	rddreg [dreg:$0x2]  }
0x4: {  	s0 =	rddreg [dreg:$0x3]  }
0x5: {  	s4 =	srdreg.scid;
	s13 =	stileid.u32  }
0x6: {  	s3 =	simm.s32 $0x0;
	s18 =	simm.s32 $0x200;
	s19 =	simm.s32 $0x100  }
0x7: {  	s20 =	simm.s32 $0x180;
	s21 =	simm.s32 $0x1;
	s22 =	simm.s32 $0x4200  }
0x8: {  	s23 =	simm.s32 $0x2;
	s24 =	simm.s32 $0x0;
	s6 =	sand.u32 $0x1, s4  }
0x9: {  	s28 =	sshll.u32 s13, $0x1;
	[smem:$0x7FF] =	sst s3;
	s10 =	smul.u32 $0x5000, s13  }
0xa: {  	s14 =	sadd.s32 $0xB5A00, s5;
	s15 =	sadd.s32 $0x5200, s5;
	s7 =	smul.u32 $0x27200, s6  }
0xb: {  	p0 =	sne.s32 s13, $0x0;
	s4 =	sor.u32 s6, s28;
	s12 =	smul.u32 $0x2800, s6  }
0xc: {  	_ =	strace $0x8000004A;
	s9 =	ssub.s32 $0x2, s6;
	s8 =	smul.u32 $0x2800, s4  }
0xd: {  	s4 =	sadd.s32 $0x19200, s5;
	s11 =	sshrl.u32 s9, $0x1;
	s7 =	sadd.s32 s7, s5  }
0xe: {  	s9 =	ssub.s32 s9, s11;
	s12 =	sadd.s32 s12, s10;
	s8 =	sshrl.u32 s8, $0x3  }
0xf: {  	s7 =	sadd.s32 $0xBFA00, s7;
	s30 =	sor.u32 $0x80, s12;
	s17 =	sor.u32 $0x100, s12  }
0x10: {  	s5 =	sadd.s32 s14, s8;
	s6 =	sadd.s32 s15, s8;
	s29 =	sadd.s32 $0x4F0, s8  }
0x11: {  	s8 =	smax.u32 s9, $0x1;
	s16 =	sshrl.u32 s30, $0x3;
	s31 =	sshrl.u32 s17, $0x3  }
0x12: {  	s17 =	simm.s32 $0x80;
	s9 =	sadd.s32 s14, s29;
	s10 =	sadd.s32 s15, s29  }
0x13: {  	s11 =	sadd.s32 s16, s15;
	s12 =	sadd.s32 s16, s14;
	s13 =	sadd.s32 s31, s15  }
0x14: {  	s14 =	sadd.s32 s31, s14;
	s15 =	sshrl.u32 @!p0 s2, $0x3;
	s16 =	simm.s32 $0x3  }
.LBB2_1:
0x15: {  	s25 =	simm.s32 @!p0 $0x1C03  }
0x16: {  	[spmem:s15], [sflag:s25] =	dma.local @!p0 [hbm:s4], $0x27200  }
0x17: {  	s25 =	simm.s32 @!p0 $0x3  }
0x18: {  	_ =	swait.ge @!p0 [sflag:s25], $0x27200  }
0x19: {  	[sflag:s25] =	ssyncset.done @!p0 $0x0  }
0x1a: {  	[sflag:s25] =	ssyncadd.s32 @!p0 $0xFFFD8E00  }
0x1b: {  	[bflag:$0x0] =	sbarrier.arrive $0xFFFF  }
0x1c: {  	[tilespmem:s3], [sflag:$0x3] =	stream.linear.gather [hbm4b:s5+s3], $0x80, $0x38;
	[tilespmem:$0x1BB00] =	vst v63  }
0x1d: {  	_ =	swait.ge [sflag:s16], $0x80  }
0x1e: {  	[sflag:s16] =	ssyncset.done $0x0  }
0x1f: {  	[sflag:s16] =	ssyncadd.s32 $0xFFFFFF80  }
0x20: {  	[tilespmem:s17], [sflag:$0x3] =	stream.linear.gather [hbm4b:s6+s3], $0x80, $0x38;
	[tilespmem:$0x1BB00] =	vst v63  }
0x21: {  	_ =	swait.ge [sflag:s16], $0x80  }
0x22: {  	[sflag:s16] =	ssyncset.done $0x0  }
0x23: {  	[sflag:s16] =	ssyncadd.s32 $0xFFFFFF80  }
0x24: {  	[tilespmem:s18], [sflag:$0x1] =	stream.indirect.gather [hbm4b:s1+s17], $0x80, s3, s17, $0xb8;
	[tilespmem:$0x1BB00] =	vst v63  }
0x25: {  	s26 =	sadd.s32 $0x0, s12  }
0x26: {  	[tilespmem:s19], [sflag:$0x3] =	stream.linear.gather [hbm4b:s26+s3], $0x80, $0x38;
	[tilespmem:$0x1BB00] =	vst v63  }
0x27: {  	_ =	swait.ge [sflag:s16], $0x80  }
0x28: {  	[sflag:s16] =	ssyncset.done $0x0  }
0x29: {  	s29 =	sadd.s32 $0x0, s11;
	[sflag:s16] =	ssyncadd.s32 $0xFFFFFF80  }
0x2a: {  	[tilespmem:s20], [sflag:$0x3] =	stream.linear.gather [hbm4b:s29+s3], $0x80, $0x38;
	[tilespmem:$0x1BB00] =	vst v63  }
0x2b: {  	_ =	swait.ge [sflag:s16], $0x80  }
0x2c: {  	[sflag:s16] =	ssyncset.done $0x0  }
0x2d: {  	[sflag:s16] =	ssyncadd.s32 $0xFFFFFF80  }
0x2e: {  	_ =	swait.ge [sflag:s21], $0x4000  }
0x2f: {  	[sflag:s21] =	ssyncset.done $0x0  }
0x30: {  	[sflag:s21] =	ssyncadd.s32 $0xFFFFC000  }
0x31: {  	[tilespmem:s22], [sflag:$0x2] =	stream.indirect.gather [hbm4b:s1+s17], $0x80, s19, s17, $0xb8;
	[tilespmem:$0x1BB00] =	vst v63  }
0x32: {  	_ = 	snop  }
0x33: {  	[spmem:s2] =	stream.indirect.scatter.add.f32 [tilespmem:s18], [sflag:$0x3], $0x80, s17, s17, $0xb8;
	[tilespmem:$0x1BB00] =	vst v63  }
0x34: {  	_ =	swait.ge [sflag:s16], $0x4000  }
0x35: {  	[sflag:s16] =	ssyncset.done $0x0  }
0x36: {  	s30 =	sadd.s32 $0x0, s14;
	[sflag:s16] =	ssyncadd.s32 $0xFFFFC000  }
0x37: {  	[tilespmem:s3], [sflag:$0x3] =	stream.linear.gather [hbm4b:s30+s3], $0x80, $0x38;
	[tilespmem:$0x1BB00] =	vst v63  }
0x38: {  	_ =	swait.ge [sflag:s16], $0x80  }
0x39: {  	[sflag:s16] =	ssyncset.done $0x0  }
0x3a: {  	s31 =	sadd.s32 $0x0, s13;
	[sflag:s16] =	ssyncadd.s32 $0xFFFFFF80  }
0x3b: {  	[tilespmem:s17], [sflag:$0x3] =	stream.linear.gather [hbm4b:s31+s3], $0x80, $0x38;
	[tilespmem:$0x1BB00] =	vst v63  }
0x3c: {  	_ =	swait.ge [sflag:s16], $0x80  }
0x3d: {  	[sflag:s16] =	ssyncset.done $0x0  }
0x3e: {  	[sflag:s16] =	ssyncadd.s32 $0xFFFFFF80  }
0x3f: {  	[tilespmem:s18], [sflag:$0x1] =	stream.indirect.gather [hbm4b:s1+s17], $0x80, s3, s17, $0xb8;
	[tilespmem:$0x1BB00] =	vst v63  }
0x40: {  	_ =	swait.ge [sflag:s23], $0x4000  }
0x41: {  	[sflag:s23] =	ssyncset.done $0x0  }
0x42: {  	[sflag:s23] =	ssyncadd.s32 $0xFFFFC000  }
0x43: {  	[spmem:s2] =	stream.indirect.scatter.add.f32 [tilespmem:s22], [sflag:$0x3], $0x80, s20, s17, $0xb8;
	[tilespmem:$0x1BB00] =	vst v63  }
0x44: {  	_ =	swait.ge [sflag:s16], $0x4000  }
0x45: {  	s28 =	simm.s32 $0x40;
	s25 =	simm.s32 $0x20;
	[sflag:s16] =	ssyncset.done $0x0  }
.LBB2_2:
0x46: {  	s29 =	sadd.s32 s25, s12  }
0x47: {  	[sflag:s16] =	ssyncadd.s32 $0xFFFFC000;
	s30 =	smov.u32 s28;
	s26 =	sadd.s32 $0x20, s28  }
0x48: {  	[tilespmem:s19], [sflag:$0x3] =	stream.linear.gather [hbm4b:s29+s3], $0x80, $0x38;
	[tilespmem:$0x1BB00] =	vst v63  }
0x49: {  	p1 =	sne.s32 s28, $0x4C0;
	_ =	swait.ge [sflag:s16], $0x80  }
0x4a: {  	[sflag:s16] =	ssyncset.done $0x0  }
0x4b: {  	s28 =	sadd.s32 s25, s11;
	[sflag:s16] =	ssyncadd.s32 $0xFFFFFF80  }
0x4c: {  	[tilespmem:s20], [sflag:$0x3] =	stream.linear.gather [hbm4b:s28+s3], $0x80, $0x38;
	[tilespmem:$0x1BB00] =	vst v63  }
0x4d: {  	_ =	swait.ge [sflag:s16], $0x80  }
0x4e: {  	[sflag:s16] =	ssyncset.done $0x0  }
0x4f: {  	[sflag:s16] =	ssyncadd.s32 $0xFFFFFF80  }
0x50: {  	_ =	swait.ge [sflag:s21], $0x4000  }
0x51: {  	[sflag:s21] =	ssyncset.done $0x0  }
0x52: {  	[sflag:s21] =	ssyncadd.s32 $0xFFFFC000  }
0x53: {  	[tilespmem:s22], [sflag:$0x2] =	stream.indirect.gather [hbm4b:s1+s17], $0x80, s19, s17, $0xb8;
	[tilespmem:$0x1BB00] =	vst v63  }
0x54: {  	_ = 	snop  }
0x55: {  	[spmem:s2] =	stream.indirect.scatter.add.f32 [tilespmem:s18], [sflag:$0x3], $0x80, s17, s17, $0xb8;
	[tilespmem:$0x1BB00] =	vst v63  }
0x56: {  	_ =	swait.ge [sflag:s16], $0x4000  }
0x57: {  	[sflag:s16] =	ssyncset.done $0x0  }
0x58: {  	s28 =	sadd.s32 s25, s14;
	[sflag:s16] =	ssyncadd.s32 $0xFFFFC000  }
0x59: {  	[tilespmem:s3], [sflag:$0x3] =	stream.linear.gather [hbm4b:s28+s3], $0x80, $0x38;
	[tilespmem:$0x1BB00] =	vst v63  }
0x5a: {  	_ =	swait.ge [sflag:s16], $0x80  }
0x5b: {  	[sflag:s16] =	ssyncset.done $0x0  }
0x5c: {  	s28 =	sadd.s32 s25, s13;
	s25 =	smov.u32 s30;
	[sflag:s16] =	ssyncadd.s32 $0xFFFFFF80  }
0x5d: {  	[tilespmem:s17], [sflag:$0x3] =	stream.linear.gather [hbm4b:s28+s3], $0x80, $0x38;
	[tilespmem:$0x1BB00] =	vst v63  }
0x5e: {  	_ =	swait.ge [sflag:s16], $0x80  }
0x5f: {  	[sflag:s16] =	ssyncset.done $0x0  }
0x60: {  	[sflag:s16] =	ssyncadd.s32 $0xFFFFFF80  }
0x61: {  	[tilespmem:s18], [sflag:$0x1] =	stream.indirect.gather [hbm4b:s1+s17], $0x80, s3, s17, $0xb8;
	[tilespmem:$0x1BB00] =	vst v63  }
0x62: {  	_ =	swait.ge [sflag:s23], $0x4000  }
.Ltmp0:
0x63: {  	[sflag:s23] =	ssyncset.done $0x0;
	(pc) =	sbr.rel @p1 .LBB2_2-.Ltmp0, $4  }
0x64: {  	[sflag:s23] =	ssyncadd.s32 $0xFFFFC000  }
0x65: {  	[spmem:s2] =	stream.indirect.scatter.add.f32 [tilespmem:s22], [sflag:$0x3], $0x80, s20, s17, $0xb8;
	[tilespmem:$0x1BB00] =	vst v63  }
0x66: {  	_ =	swait.ge [sflag:s16], $0x4000  }
0x67: {  	s28 =	smov.u32 s26;
	[sflag:s16] =	ssyncset.done $0x0  }
0x68: {  	s26 =	sadd.s32 s25, s12;
	[sflag:s16] =	ssyncadd.s32 $0xFFFFC000  }
0x69: {  	[tilespmem:s19], [sflag:$0x3] =	stream.linear.gather [hbm4b:s26+s3], $0x80, $0x38;
	[tilespmem:$0x1BB00] =	vst v63  }
0x6a: {  	_ =	swait.ge [sflag:s16], $0x80  }
0x6b: {  	[sflag:s16] =	ssyncset.done $0x0  }
0x6c: {  	s29 =	sadd.s32 s25, s11;
	[sflag:s16] =	ssyncadd.s32 $0xFFFFFF80  }
0x6d: {  	[tilespmem:s20], [sflag:$0x3] =	stream.linear.gather [hbm4b:s29+s3], $0x80, $0x38;
	[tilespmem:$0x1BB00] =	vst v63  }
0x6e: {  	_ =	swait.ge [sflag:s16], $0x80  }
0x6f: {  	[sflag:s16] =	ssyncset.done $0x0  }
0x70: {  	[sflag:s16] =	ssyncadd.s32 $0xFFFFFF80  }
0x71: {  	_ =	swait.ge [sflag:s21], $0x4000  }
0x72: {  	[sflag:s21] =	ssyncset.done $0x0  }
0x73: {  	[sflag:s21] =	ssyncadd.s32 $0xFFFFC000  }
0x74: {  	[tilespmem:s22], [sflag:$0x2] =	stream.indirect.gather [hbm4b:s1+s17], $0x80, s19, s17, $0xb8;
	[tilespmem:$0x1BB00] =	vst v63  }
0x75: {  	_ = 	snop  }
0x76: {  	[spmem:s2] =	stream.indirect.scatter.add.f32 [tilespmem:s18], [sflag:$0x3], $0x80, s17, s17, $0xb8;
	[tilespmem:$0x1BB00] =	vst v63  }
0x77: {  	_ =	swait.ge [sflag:s16], $0x4000  }
0x78: {  	[sflag:s16] =	ssyncset.done $0x0  }
0x79: {  	s30 =	sadd.s32 s25, s14;
	[sflag:s16] =	ssyncadd.s32 $0xFFFFC000  }
0x7a: {  	[tilespmem:s3], [sflag:$0x3] =	stream.linear.gather [hbm4b:s30+s3], $0x80, $0x38;
	[tilespmem:$0x1BB00] =	vst v63  }
0x7b: {  	_ =	swait.ge [sflag:s16], $0x80  }
0x7c: {  	[sflag:s16] =	ssyncset.done $0x0  }
0x7d: {  	s31 =	sadd.s32 s25, s13;
	[sflag:s16] =	ssyncadd.s32 $0xFFFFFF80  }
0x7e: {  	[tilespmem:s17], [sflag:$0x3] =	stream.linear.gather [hbm4b:s31+s3], $0x80, $0x38;
	[tilespmem:$0x1BB00] =	vst v63  }
0x7f: {  	_ =	swait.ge [sflag:s16], $0x80  }
0x80: {  	[sflag:s16] =	ssyncset.done $0x0  }
0x81: {  	[sflag:s16] =	ssyncadd.s32 $0xFFFFFF80  }
0x82: {  	[tilespmem:s18], [sflag:$0x1] =	stream.indirect.gather [hbm4b:s1+s17], $0x80, s3, s17, $0xb8;
	[tilespmem:$0x1BB00] =	vst v63  }
0x83: {  	_ =	swait.ge [sflag:s23], $0x4000  }
0x84: {  	[sflag:s23] =	ssyncset.done $0x0  }
0x85: {  	[sflag:s23] =	ssyncadd.s32 $0xFFFFC000  }
0x86: {  	[spmem:s2] =	stream.indirect.scatter.add.f32 [tilespmem:s22], [sflag:$0x3], $0x80, s20, s17, $0xb8;
	[tilespmem:$0x1BB00] =	vst v63  }
0x87: {  	_ =	swait.ge [sflag:s16], $0x4000  }
0x88: {  	[sflag:s16] =	ssyncset.done $0x0  }
0x89: {  	[sflag:s16] =	ssyncadd.s32 $0xFFFFC000  }
0x8a: {  	[tilespmem:s19], [sflag:$0x3] =	stream.linear.gather [hbm4b:s9+s3], $0x80, $0x38;
	[tilespmem:$0x1BB00] =	vst v63  }
0x8b: {  	_ =	swait.ge [sflag:s16], $0x80  }
0x8c: {  	[sflag:s16] =	ssyncset.done $0x0  }
0x8d: {  	[sflag:s16] =	ssyncadd.s32 $0xFFFFFF80  }
0x8e: {  	[tilespmem:s20], [sflag:$0x3] =	stream.linear.gather [hbm4b:s10+s3], $0x80, $0x38;
	[tilespmem:$0x1BB00] =	vst v63  }
0x8f: {  	_ =	swait.ge [sflag:s16], $0x80  }
0x90: {  	[sflag:s16] =	ssyncset.done $0x0  }
0x91: {  	[sflag:s16] =	ssyncadd.s32 $0xFFFFFF80  }
0x92: {  	_ =	swait.ge [sflag:s21], $0x4000  }
0x93: {  	[sflag:s21] =	ssyncset.done $0x0  }
0x94: {  	[sflag:s21] =	ssyncadd.s32 $0xFFFFC000  }
0x95: {  	[tilespmem:s22], [sflag:$0x2] =	stream.indirect.gather [hbm4b:s1+s17], $0x80, s19, s17, $0xb8;
	[tilespmem:$0x1BB00] =	vst v63  }
0x96: {  	_ = 	snop  }
0x97: {  	[spmem:s2] =	stream.indirect.scatter.add.f32 [tilespmem:s18], [sflag:$0x3], $0x80, s17, s17, $0xb8;
	[tilespmem:$0x1BB00] =	vst v63  }
0x98: {  	_ =	swait.ge [sflag:s16], $0x4000  }
0x99: {  	[sflag:s16] =	ssyncset.done $0x0  }
0x9a: {  	[sflag:s16] =	ssyncadd.s32 $0xFFFFC000  }
0x9b: {  	[tilespmem:s3], [sflag:$0x3] =	stream.linear.gather [hbm4b:s9+s3], $0x80, $0x38;
	[tilespmem:$0x1BB00] =	vst v63  }
0x9c: {  	_ =	swait.ge [sflag:s16], $0x80  }
0x9d: {  	[sflag:s16] =	ssyncset.done $0x0  }
0x9e: {  	[sflag:s16] =	ssyncadd.s32 $0xFFFFFF80  }
0x9f: {  	[tilespmem:s17], [sflag:$0x3] =	stream.linear.gather [hbm4b:s10+s3], $0x80, $0x38;
	[tilespmem:$0x1BB00] =	vst v63  }
0xa0: {  	_ =	swait.ge [sflag:s16], $0x80  }
0xa1: {  	[sflag:s16] =	ssyncset.done $0x0  }
0xa2: {  	[sflag:s16] =	ssyncadd.s32 $0xFFFFFF80  }
0xa3: {  	[tilespmem:s18], [sflag:$0x1] =	stream.indirect.gather [hbm4b:s1+s17], $0x80, s3, s17, $0xb8;
	[tilespmem:$0x1BB00] =	vst v63  }
0xa4: {  	_ =	swait.ge [sflag:s23], $0x4000  }
0xa5: {  	[sflag:s23] =	ssyncset.done $0x0  }
0xa6: {  	[sflag:s23] =	ssyncadd.s32 $0xFFFFC000  }
0xa7: {  	[spmem:s2] =	stream.indirect.scatter.add.f32 [tilespmem:s22], [sflag:$0x3], $0x80, s20, s17, $0xb8;
	[tilespmem:$0x1BB00] =	vst v63  }
0xa8: {  	_ =	swait.ge [sflag:s16], $0x4000  }
0xa9: {  	[sflag:s16] =	ssyncset.done $0x0  }
0xaa: {  	[sflag:s16] =	ssyncadd.s32 $0xFFFFC000  }
0xab: {  	_ =	swait.ge [sflag:s21], $0x4000  }
0xac: {  	[sflag:s21] =	ssyncset.done $0x0  }
0xad: {  	s24 =	sadd.s32 $0x1, s24;
	[sflag:s21] =	ssyncadd.s32 $0xFFFFC000  }
0xae: {  	s25 =	simm.s32 @!p0 $0x1C03;
	p1 =	sne.s32 s24, s8;
	[bflag:$0x0] =	sbarrier.arrive $0xFFFF  }
0xaf: {  	[hbm:s7], [sflag:s25] =	dma.local @!p0 [spmem:s15], $0x27200  }
.Ltmp1:
0xb0: {  	_ = 	snop;
	(pc) =	sbr.rel @p1 .LBB2_1-.Ltmp1, $4  }
0xb1: {  	s25 =	simm.s32 @!p0 $0x3  }
0xb2: {  	_ =	swait.ge @!p0 [sflag:s25], $0x27200  }
0xb3: {  	[sflag:s25] =	ssyncset.done @!p0 $0x0  }
0xb4: {  	[sflag:s25] =	ssyncadd.s32 @!p0 $0xFFFD8E00  }
0xb5: {  	_ =	sfence.sel $0x180000  }
0xb6: {  	[bflag:$0x0] =	sbarrier.arrive $0xFFFF  }
0xb7: {  	_ =	strace $0x9000004A  }
0xb8: {  	s0 =	sadd.s32 @!p0 $0x100000, s0;
	[bflag:$0x2] =	sbarrier.arrive $0xFFFF  }
0xb9: {  	[sflag:s0] =	ssyncadd.tile.s32 @!p0 $0x1;
	_ =	shalt  }
.Lfunc_end2:
_tile_overlayer_lowered:
.L_overlay_start_2:
0xba: {  	(tag) =	ssettag $0x2  }
0xbb: {  	s0 =	rddreg [dreg:$0x0];
	s2 =	stileid.u32  }
0xbc: {  	s1 =	rddreg [dreg:$0x1];
	p0 =	sne.s32 s2, $0x0  }
0xbd: {  	s3 =	rddreg [dreg:$0x2];
	[bflag:$0x3] =	sbarrier.arrive $0xFFFF;
	s2 =	simm.s32 @!p0 $0x1C03  }
0xbe: {  	[timem:s3], [sflag:s2] =	dma.local @!p0 [hbm:s0], s1  }
0xbf: {  	s0 =	simm.s32 @!p0 $0x3  }
0xc0: {  	_ =	swait.ge @!p0 [sflag:s0], s1  }
0xc1: {  	s1 =	ssub.s32 @!p0 $0x0, s1;
	[sflag:s0] =	ssyncset.done @!p0 $0x0  }
0xc2: {  	[sflag:s0] =	ssyncadd.s32 @!p0 s1  }
0xc3: {  	[bflag:$0x3] =	sbarrier.arrive $0xFFFF  }
0xc4: {  	_ =	shalt  }

// kernel: kernel.16.cloned.1.call-start
scs
__scs_entry_jumppad:
0x0: {  	(pc) =	sbr.rel $0x88, $3  }
0x1: {  	(tag) =	ssettag $0x0;
	lr =	simm.s32 $0x1  }
0x2: {  	[smem:$0x3F89] =	sst lr;
	_ =	strace $0xD0000000  }
0x3: {  	_ = 	snop  }
0x4: {  	_ = 	snop  }
0x5: {  	_ = 	snop  }
0x6: {  	_ = 	snop  }
0x7: {  	_ = 	snop  }
__scs_overlays_trampoline_lowered:
0x8: {  	[smem:$0x3F98] =	sst s0  }
0x9: {  	[smem:$0x3F99] =	sst s1  }
0xa: {  	[smem:$0x3F9A] =	sst s2  }
0xb: {  	[smem:$0x3F9B] =	sst s3  }
0xc: {  	[smem:$0x3F9C] =	sst s4  }
0xd: {  	[smem:$0x3F9D] =	sst s5  }
0xe: {  	[smem:$0x3F9E] =	sst s6  }
0xf: {  	[smem:$0x3F9F] =	sst s7  }
0x10: {  	[smem:$0x3FA0] =	sst s8  }
0x11: {  	[smem:$0x3FA1] =	sst s9;
	s0 =	simm.s32 @!p0 $0x0  }
0x12: {  	s1 =	sld [smem:$0x3F87];
	s0 =	simm.s32 @p0 $0x1  }
0x13: {  	[smem:$0x3FA2] =	sst s0;
	s0 =	simm.s32 @!p1 $0x0  }
0x14: {  	s2 =	sld [smem:$0x3F86];
	s0 =	simm.s32 @p1 $0x1  }
0x15: {  	[smem:$0x3FA3] =	sst s0;
	s0 =	simm.s32 @!p2 $0x0  }
0x16: {  	s3 =	sld [smem:$0x3FDB];
	s0 =	simm.s32 @p2 $0x1  }
0x17: {  	s4 =	simm.s32 $0x1BF5;
	[smem:$0x3FA5] =	sst s0  }
0x18: {  	s0 =	sld [smem:$0x3F88];
	_ =	swait.ge [sflag:s4], $0x0  }
0x19: {  	s7 =	sld [smem:$0x3F89]  }
0x1a: {  	s8 =	sadd.s32 $0xFFFFE003, lr  }
0x1b: {  	s9 =	sadd.s32 $0xFFFFFEF7, lr;
	s5 =	simm.s32 $0xFFFFFFFF;
	p2 =	slt.u32 s8, $0xFFFFF086  }
0x1c: {  	p1 =	slt.u32 s9, $0xF7A;
	s5 =	simm.s32 @!p2 $0x0  }
0x1d: {  	s5 =	simm.s32 @p1 $0x1;
	p0 =	seq.s32 s7, s2  }
0x1e: {  	s7 =	smul.u32 @!p0 $0xF7A, s2;
	p2 =	seq.s32 @!p0 s5, $0x0  }
0x1f: {  	s9 =	smul.u32 $0xF7A, s1;
	s8 =	simm.s32 @!p0 $0x1BF5;
	p2 =	por !p2, p0  }
0x20: {  	[sflag:s8] =	ssyncset.s32 @!p0 $0xFFFFF086;
	s6 =	sadd.s32 @!p0 s3, s7;
	s7 =	simm.s32 @!p0 $0x108  }
0x21: {  	s3 =	sadd.s32 s3, s9;
	s6 =	sadd.s32 @!p0 $0x88, s6;
	s7 =	simm.s32 @p2 $0x1082  }
0x22: {  	[simem:s7], [sflag:s8] =	dma.local @!p0 [hbm:s6], $0xF7A  }
0x23: {  	s9 =	sor.u32 $0xD0000000, s2;
	s6 =	simm.s32 $0x108;
	_ =	swait.ge @!p0 [sflag:s8], $0x0  }
0x24: {  	s3 =	sadd.s32 $0x88, s3;
	s6 =	simm.s32 @!p1 $0x1082;
	[sflag:s4] =	ssyncset.s32 $0xFFFFF086  }
0x25: {  	[simem:s6], [sflag:s4] =	dma.local [hbm:s3], $0xF7A  }
0x26: {  	[smem:$0x3F89] =	sst s1;
	(tag) =	ssettag s2;
	_ =	strace s9  }
0x27: {  	s1 =	sld [smem:$0x3F99]  }
0x28: {  	s2 =	sld [smem:$0x3F9A]  }
0x29: {  	s4 =	sld [smem:$0x3F9C]  }
0x2a: {  	p0 =	seq.s32 s5, $0x0;
	s5 =	sld [smem:$0x3F9D]  }
0x2b: {  	s6 =	sld [smem:$0x3F9E]  }
0x2c: {  	s7 =	sld [smem:$0x3F9F]  }
0x2d: {  	s3 =	simm.s32 $0x108;
	s8 =	sld [smem:$0x3FA0]  }
0x2e: {  	s3 =	simm.s32 @!p0 $0x1082;
	s9 =	sld [smem:$0x3FA1]  }
0x2f: {  	lr =	sadd.s32 s0, s3;
	s0 =	sld [smem:$0x3F98]  }
0x30: {  	s3 =	sld [smem:$0x3F9B]  }
0x31: {  	[smem:$0x3FA4] =	sst s10  }
0x32: {  	s10 =	sld [smem:$0x3FA2];
	_ =	sdelay $0x3  }
0x33: {  	p0 =	seq.s32 s10, $0x1;
	s10 =	sld [smem:$0x3FA4];
	_ =	sdelay $0x3  }
0x34: {  	[smem:$0x3FA4] =	sst s10  }
0x35: {  	s10 =	sld [smem:$0x3FA3];
	_ =	sdelay $0x3  }
0x36: {  	p1 =	seq.s32 s10, $0x1;
	s10 =	sld [smem:$0x3FA4];
	_ =	sdelay $0x3  }
0x37: {  	[smem:$0x3FA4] =	sst s10  }
0x38: {  	s10 =	sld [smem:$0x3FA5]  }
0x39: {  	_ = 	snop;
	(pc) =	sbr.ind lr, $3  }
0x3a: {  	_ = 	snop  }
0x3b: {  	_ = 	snop  }
0x3c: {  	p2 =	seq.s32 s10, $0x1;
	s10 =	sld [smem:$0x3FA4]  }
0x3d: {  	_ =	shalt  }
0x3e: {  	_ =	shalt  }
0x3f: {  	_ =	shalt  }
0x40: {  	_ =	shalt  }
0x41: {  	_ =	shalt  }
0x42: {  	_ =	shalt  }
0x43: {  	_ =	shalt  }
0x44: {  	_ =	shalt  }
0x45: {  	_ =	shalt  }
0x46: {  	_ =	shalt  }
0x47: {  	_ =	shalt  }
0x48: {  	_ =	shalt  }
0x49: {  	_ =	shalt  }
0x4a: {  	_ =	shalt  }
0x4b: {  	_ =	shalt  }
0x4c: {  	_ =	shalt  }
0x4d: {  	_ =	shalt  }
0x4e: {  	_ =	shalt  }
0x4f: {  	_ =	shalt  }
0x50: {  	_ =	shalt  }
0x51: {  	_ =	shalt  }
0x52: {  	_ =	shalt  }
0x53: {  	_ =	shalt  }
0x54: {  	_ =	shalt  }
0x55: {  	_ =	shalt  }
0x56: {  	_ =	shalt  }
0x57: {  	_ =	shalt  }
0x58: {  	_ =	shalt  }
0x59: {  	_ =	shalt  }
0x5a: {  	_ =	shalt  }
0x5b: {  	_ =	shalt  }
0x5c: {  	_ =	shalt  }
0x5d: {  	_ =	shalt  }
0x5e: {  	_ =	shalt  }
0x5f: {  	_ =	shalt  }
0x60: {  	_ =	shalt  }
0x61: {  	_ =	shalt  }
0x62: {  	_ =	shalt  }
0x63: {  	_ =	shalt  }
0x64: {  	_ =	shalt  }
0x65: {  	_ =	shalt  }
0x66: {  	_ =	shalt  }
0x67: {  	_ =	shalt  }
0x68: {  	_ =	shalt  }
0x69: {  	_ =	shalt  }
0x6a: {  	_ =	shalt  }
0x6b: {  	_ =	shalt  }
0x6c: {  	_ =	shalt  }
0x6d: {  	_ =	shalt  }
0x6e: {  	_ =	shalt  }
0x6f: {  	_ =	shalt  }
0x70: {  	_ =	shalt  }
0x71: {  	_ =	shalt  }
0x72: {  	_ =	shalt  }
0x73: {  	_ =	shalt  }
0x74: {  	_ =	shalt  }
0x75: {  	_ =	shalt  }
0x76: {  	_ =	shalt  }
0x77: {  	_ =	shalt  }
0x78: {  	_ =	shalt  }
0x79: {  	_ =	shalt  }
0x7a: {  	_ =	shalt  }
0x7b: {  	_ =	shalt  }
0x7c: {  	_ =	shalt  }
0x7d: {  	_ =	shalt  }
0x7e: {  	_ =	shalt  }
0x7f: {  	_ =	shalt  }
0x80: {  	_ =	shalt  }
0x81: {  	_ =	shalt  }
0x82: {  	_ =	shalt  }
0x83: {  	_ =	shalt  }
0x84: {  	_ =	shalt  }
0x85: {  	_ =	shalt  }
0x86: {  	_ =	shalt  }
0x87: {  	_ =	shalt  }
.Lfunc_end0:
.L_simem_size_0:
called_computation.2_lowered:
.L_overlay_start_0:
0x88: {  	s2 =	sld [smem:$0x3FD9]  }
0x89: {  	s3 =	sld [smem:$0x3FFE];
	_ =	sdelay $0x1  }
0x8a: {  	s1 =	srdreg.scid  }
0x8b: {  	s0 =	sand.u32 $0x1, s1  }
0x8c: {  	s16 =	sshll.u32 s0, $0xA;
	s2 =	sadd.s32 s3, s2  }
0x8d: {  	s2 =	sadd.s32 s2, s16  }
0x8e: {  	[smem:$0x3FB0] =	sst s2  }
0x8f: {  	_ = 	snop  }
0x90: {  	(tm) =	ssettm $0x1  }
0x91: {  	s17 =	sld [smem:$0x3FFB];
	_ =	sdelay $0x3  }
0x92: {  	_ =	strace s17  }
0x93: {  	s2 =	sld [smem:$0x3FFC];
	_ =	sdelay $0x3  }
0x94: {  	_ =	strace s2  }
0x95: {  	s2 =	sld [smem:$0x3FFD];
	_ =	sdelay $0x3  }
0x96: {  	_ =	strace s2  }
0x97: {  	_ =	strace $0x8FFFFFFF  }
0x98: {  	s18 =	sld [smem:$0x3FDB];
	_ =	sdelay $0x1  }
0x99: {  	s19 =	simm.s32 $_scs_section_size  }
0x9a: {  	s4 =	simm.s32 $_size__tile_overlayer_lowered;
	s5 =	simm.s32 $_tile_overlayer_lowered  }
0x9b: {  	s22 =	simm.s32 $0x1BFF;
	s21 =	sshll.u32 s5, $0x1;
	s2 =	sadd.s32 s19, s18  }
0x9c: {  	s6 =	simm.s32 $0x0;
	s20 =	sshll.u32 s4, $0x1;
	s4 =	sadd.s32 s21, s2  }
0x9d: {  	[timem:s6], [sflag:s22] =	dma.local [hbm:s4], s20  }
0x9e: {  	_ =	swait.ge [sflag:s22], s20  }
0x9f: {  	s3 =	ssub.s32 $0x0, s20;
	[sflag:s22] =	ssyncset.done $0x0  }
0xa0: {  	[sflag:s22] =	ssyncadd.s32 s3;
	_ =	sdelay $0x1  }
0xa1: {  	s23 =	simm.s32 $0x1B8B  }
0xa2: {  	_ =	swait.ge [sflag:s23], $0x1  }
0xa3: {  	[sflag:s23] =	ssyncset.done $0x0  }
0xa4: {  	s25 =	simm.s32 $0x1B8E;
	s24 =	sld [smem:$0x3FFE];
	[sflag:s23] =	ssyncadd.s32 $0xFFFFFFFF  }
0xa5: {  	s26 =	simm.s32 $execute0_lowered;
	[smem:$0x3FD2] =	sst s25  }
0xa6: {  	s4 =	sshll.u32 s26, $0x1;
	_ =	strace $0x8000004C;
	[dreg:$0x1] =	wrdreg $0xFFFFFFFF  }
0xa7: {  	s28 =	simm.s32 $_size_execute0_lowered;
	s2 =	sadd.s32 s2, s4;
	[dreg:$0x0] =	wrdreg $0x0  }
0xa8: {  	s4 =	sshll.u32 s28, $0x1;
	[dreg:$0x2] =	wrdreg s2  }
0xa9: {  	[dreg:$0x3] =	wrdreg s4  }
0xaa: {  	[dreg:$0x4] =	wrdreg $0xC0  }
0xab: {  	_ =	task [dreg:s6], $0x5FFFF  }
0xac: {  	[dreg:$0x1] =	wrdreg $0xFFFFFFFF  }
0xad: {  	[dreg:$0x0] =	wrdreg $0x60  }
0xae: {  	[dreg:$0x2] =	wrdreg s24  }
0xaf: {  	[dreg:$0x3] =	wrdreg $0x82000  }
0xb0: {  	[dreg:$0x4] =	wrdreg $0x9  }
0xb1: {  	_ =	task.clear_ibuf [dreg:s6], $0x5FFFF;
	_ =	strace $0x9000004C  }
0xb2: {  	s29 =	simm.s32 $0x9;
	_ =	strace $0x8000004E  }
0xb3: {  	_ =	swait.ge [sflag:s29], $0x1  }
0xb4: {  	[sflag:s29] =	ssyncadd.s32 $0xFFFFFFFF  }
0xb5: {  	_ =	strace $0x9000004E  }
0xb6: {  	_ =	sfence  }
0xb7: {  	s30 =	sld [smem:$0x0];
	_ =	sdelay $0x2  }
0xb8: {  	s31 =	sshll.u32 s1, $0xD;
	s1 =	sshrl.u32 s1, $0x2  }
0xb9: {  	s3 =	sand.u32 $0x4000, s31;
	s1 =	sadd.s32 s1, s30  }
0xba: {  	s0 =	sor.u32 s3, s0;
	s1 =	sshll.u32 s1, $0x11  }
0xbb: {  	s0 =	sor.u32 s1, s0  }
0xbc: {  	s0 =	sadd.s32 $0x8F2B, s0  }
0xbd: {  	[sflag:s0] =	ssyncadd.remote.s32 $0x1  }
0xbe: {  	_ =	sfence.sel $0xFFFF  }
0xbf: {  	[dreg:$0x0] =	wrdreg $0xFFFFFFFF;
	(pc) =	sbr.abs _section_cstart, $3  }
0xc0: {  	[dreg:$0x1] =	wrdreg $0xFFFFFFFF  }
0xc1: {  	_ =	task.clear_ibuf [dreg:s6], $0x2FFFF;
	_ =	strace $0x9FFFFFFF  }
0xc2: {  	(tm) =	ssettm $0x7FFFFFFF  }
0xc3: {  	_ =	shalt  }
tec
execute0_lowered:
.L_overlay_start_1:
0x0: {  	(tag) =	ssettag $0x1  }
0x1: {  	s5 =	rddreg [dreg:$0x0]  }
0x2: {  	s1 =	rddreg [dreg:$0x1]  }
0x3: {  	s0 =	rddreg [dreg:$0x2]  }
0x4: {  	s2 =	simm.s32 $0x0;
	s3 =	srdreg.scid;
	s13 =	stileid.u32  }
0x5: {  	s18 =	simm.s32 $0x200;
	s19 =	simm.s32 $0x100;
	s20 =	simm.s32 $0x180  }
0x6: {  	s21 =	simm.s32 $0x1;
	s22 =	simm.s32 $0x4200;
	s23 =	simm.s32 $0x2  }
0x7: {  	s24 =	simm.s32 $0x0;
	[smem:$0x7FF] =	sst s2;
	s6 =	sand.u32 $0x1, s3  }
0x8: {  	s28 =	sshll.u32 s13, $0x1;
	s3 =	sadd.s32 $0x67600, s5;
	s10 =	smul.u32 $0x5000, s13  }
0x9: {  	s14 =	sadd.s32 $0xB5A00, s5;
	s15 =	sadd.s32 $0x5200, s5;
	s7 =	smul.u32 $0x27200, s6  }
0xa: {  	p0 =	sne.s32 s13, $0x0;
	s4 =	sor.u32 s6, s28;
	s12 =	smul.u32 $0x2800, s6  }
0xb: {  	_ =	strace $0x8000004D;
	s9 =	ssub.s32 $0x2, s6;
	s8 =	smul.u32 $0x2800, s4  }
0xc: {  	s4 =	sadd.s32 $0x19200, s5;
	s11 =	sshrl.u32 s9, $0x1;
	s7 =	sadd.s32 s7, s5  }
0xd: {  	s9 =	ssub.s32 s9, s11;
	s12 =	sadd.s32 s12, s10;
	s8 =	sshrl.u32 s8, $0x3  }
0xe: {  	s7 =	sadd.s32 $0xBFA00, s7;
	s30 =	sor.u32 $0x80, s12;
	s17 =	sor.u32 $0x100, s12  }
0xf: {  	s5 =	sadd.s32 s14, s8;
	s6 =	sadd.s32 s15, s8;
	s29 =	sadd.s32 $0x4F0, s8  }
0x10: {  	s8 =	smax.u32 s9, $0x1;
	s16 =	sshrl.u32 s30, $0x3;
	s31 =	sshrl.u32 s17, $0x3  }
0x11: {  	s17 =	simm.s32 $0x80;
	s9 =	sadd.s32 s14, s29;
	s10 =	sadd.s32 s15, s29  }
0x12: {  	s11 =	sadd.s32 s16, s15;
	s12 =	sadd.s32 s16, s14;
	s13 =	sadd.s32 s31, s15  }
0x13: {  	s14 =	sadd.s32 s31, s14;
	s15 =	sshrl.u32 @!p0 s1, $0x3;
	s16 =	simm.s32 $0x3  }
.LBB2_1:
0x14: {  	s25 =	simm.s32 @!p0 $0x1C03  }
0x15: {  	[spmem:s15], [sflag:s25] =	dma.local @!p0 [hbm:s4], $0x27200  }
0x16: {  	s25 =	simm.s32 @!p0 $0x3  }
0x17: {  	_ =	swait.ge @!p0 [sflag:s25], $0x27200  }
0x18: {  	[sflag:s25] =	ssyncset.done @!p0 $0x0  }
0x19: {  	[sflag:s25] =	ssyncadd.s32 @!p0 $0xFFFD8E00  }
0x1a: {  	[bflag:$0x0] =	sbarrier.arrive $0xFFFF  }
0x1b: {  	[tilespmem:s2], [sflag:$0x3] =	stream.linear.gather [hbm4b:s5+s2], $0x80, $0x38;
	[tilespmem:$0x1BB00] =	vst v63  }
0x1c: {  	_ =	swait.ge [sflag:s16], $0x80  }
0x1d: {  	[sflag:s16] =	ssyncset.done $0x0  }
0x1e: {  	[sflag:s16] =	ssyncadd.s32 $0xFFFFFF80  }
0x1f: {  	[tilespmem:s17], [sflag:$0x3] =	stream.linear.gather [hbm4b:s6+s2], $0x80, $0x38;
	[tilespmem:$0x1BB00] =	vst v63  }
0x20: {  	_ =	swait.ge [sflag:s16], $0x80  }
0x21: {  	[sflag:s16] =	ssyncset.done $0x0  }
0x22: {  	[sflag:s16] =	ssyncadd.s32 $0xFFFFFF80  }
0x23: {  	[tilespmem:s18], [sflag:$0x1] =	stream.indirect.gather [hbm4b:s3+s17], $0x80, s2, s17, $0xb8;
	[tilespmem:$0x1BB00] =	vst v63  }
0x24: {  	s26 =	sadd.s32 $0x0, s12  }
0x25: {  	[tilespmem:s19], [sflag:$0x3] =	stream.linear.gather [hbm4b:s26+s2], $0x80, $0x38;
	[tilespmem:$0x1BB00] =	vst v63  }
0x26: {  	_ =	swait.ge [sflag:s16], $0x80  }
0x27: {  	[sflag:s16] =	ssyncset.done $0x0  }
0x28: {  	s29 =	sadd.s32 $0x0, s11;
	[sflag:s16] =	ssyncadd.s32 $0xFFFFFF80  }
0x29: {  	[tilespmem:s20], [sflag:$0x3] =	stream.linear.gather [hbm4b:s29+s2], $0x80, $0x38;
	[tilespmem:$0x1BB00] =	vst v63  }
0x2a: {  	_ =	swait.ge [sflag:s16], $0x80  }
0x2b: {  	[sflag:s16] =	ssyncset.done $0x0  }
0x2c: {  	[sflag:s16] =	ssyncadd.s32 $0xFFFFFF80  }
0x2d: {  	_ =	swait.ge [sflag:s21], $0x4000  }
0x2e: {  	[sflag:s21] =	ssyncset.done $0x0  }
0x2f: {  	[sflag:s21] =	ssyncadd.s32 $0xFFFFC000  }
0x30: {  	[tilespmem:s22], [sflag:$0x2] =	stream.indirect.gather [hbm4b:s3+s17], $0x80, s19, s17, $0xb8;
	[tilespmem:$0x1BB00] =	vst v63  }
0x31: {  	_ = 	snop  }
0x32: {  	[spmem:s1] =	stream.indirect.scatter.add.f32 [tilespmem:s18], [sflag:$0x3], $0x80, s17, s17, $0xb8;
	[tilespmem:$0x1BB00] =	vst v63  }
0x33: {  	_ =	swait.ge [sflag:s16], $0x4000  }
0x34: {  	[sflag:s16] =	ssyncset.done $0x0  }
0x35: {  	s30 =	sadd.s32 $0x0, s14;
	[sflag:s16] =	ssyncadd.s32 $0xFFFFC000  }
0x36: {  	[tilespmem:s2], [sflag:$0x3] =	stream.linear.gather [hbm4b:s30+s2], $0x80, $0x38;
	[tilespmem:$0x1BB00] =	vst v63  }
0x37: {  	_ =	swait.ge [sflag:s16], $0x80  }
0x38: {  	[sflag:s16] =	ssyncset.done $0x0  }
0x39: {  	s31 =	sadd.s32 $0x0, s13;
	[sflag:s16] =	ssyncadd.s32 $0xFFFFFF80  }
0x3a: {  	[tilespmem:s17], [sflag:$0x3] =	stream.linear.gather [hbm4b:s31+s2], $0x80, $0x38;
	[tilespmem:$0x1BB00] =	vst v63  }
0x3b: {  	_ =	swait.ge [sflag:s16], $0x80  }
0x3c: {  	[sflag:s16] =	ssyncset.done $0x0  }
0x3d: {  	[sflag:s16] =	ssyncadd.s32 $0xFFFFFF80  }
0x3e: {  	[tilespmem:s18], [sflag:$0x1] =	stream.indirect.gather [hbm4b:s3+s17], $0x80, s2, s17, $0xb8;
	[tilespmem:$0x1BB00] =	vst v63  }
0x3f: {  	_ =	swait.ge [sflag:s23], $0x4000  }
0x40: {  	[sflag:s23] =	ssyncset.done $0x0  }
0x41: {  	[sflag:s23] =	ssyncadd.s32 $0xFFFFC000  }
0x42: {  	[spmem:s1] =	stream.indirect.scatter.add.f32 [tilespmem:s22], [sflag:$0x3], $0x80, s20, s17, $0xb8;
	[tilespmem:$0x1BB00] =	vst v63  }
0x43: {  	_ =	swait.ge [sflag:s16], $0x4000  }
0x44: {  	s28 =	simm.s32 $0x40;
	s25 =	simm.s32 $0x20;
	[sflag:s16] =	ssyncset.done $0x0  }
.LBB2_2:
0x45: {  	s29 =	sadd.s32 s25, s12  }
0x46: {  	[sflag:s16] =	ssyncadd.s32 $0xFFFFC000;
	s30 =	smov.u32 s28;
	s26 =	sadd.s32 $0x20, s28  }
0x47: {  	[tilespmem:s19], [sflag:$0x3] =	stream.linear.gather [hbm4b:s29+s2], $0x80, $0x38;
	[tilespmem:$0x1BB00] =	vst v63  }
0x48: {  	p1 =	sne.s32 s28, $0x4C0;
	_ =	swait.ge [sflag:s16], $0x80  }
0x49: {  	[sflag:s16] =	ssyncset.done $0x0  }
0x4a: {  	s28 =	sadd.s32 s25, s11;
	[sflag:s16] =	ssyncadd.s32 $0xFFFFFF80  }
0x4b: {  	[tilespmem:s20], [sflag:$0x3] =	stream.linear.gather [hbm4b:s28+s2], $0x80, $0x38;
	[tilespmem:$0x1BB00] =	vst v63  }
0x4c: {  	_ =	swait.ge [sflag:s16], $0x80  }
0x4d: {  	[sflag:s16] =	ssyncset.done $0x0  }
0x4e: {  	[sflag:s16] =	ssyncadd.s32 $0xFFFFFF80  }
0x4f: {  	_ =	swait.ge [sflag:s21], $0x4000  }
0x50: {  	[sflag:s21] =	ssyncset.done $0x0  }
0x51: {  	[sflag:s21] =	ssyncadd.s32 $0xFFFFC000  }
0x52: {  	[tilespmem:s22], [sflag:$0x2] =	stream.indirect.gather [hbm4b:s3+s17], $0x80, s19, s17, $0xb8;
	[tilespmem:$0x1BB00] =	vst v63  }
0x53: {  	_ = 	snop  }
0x54: {  	[spmem:s1] =	stream.indirect.scatter.add.f32 [tilespmem:s18], [sflag:$0x3], $0x80, s17, s17, $0xb8;
	[tilespmem:$0x1BB00] =	vst v63  }
0x55: {  	_ =	swait.ge [sflag:s16], $0x4000  }
0x56: {  	[sflag:s16] =	ssyncset.done $0x0  }
0x57: {  	s28 =	sadd.s32 s25, s14;
	[sflag:s16] =	ssyncadd.s32 $0xFFFFC000  }
0x58: {  	[tilespmem:s2], [sflag:$0x3] =	stream.linear.gather [hbm4b:s28+s2], $0x80, $0x38;
	[tilespmem:$0x1BB00] =	vst v63  }
0x59: {  	_ =	swait.ge [sflag:s16], $0x80  }
0x5a: {  	[sflag:s16] =	ssyncset.done $0x0  }
0x5b: {  	s28 =	sadd.s32 s25, s13;
	s25 =	smov.u32 s30;
	[sflag:s16] =	ssyncadd.s32 $0xFFFFFF80  }
0x5c: {  	[tilespmem:s17], [sflag:$0x3] =	stream.linear.gather [hbm4b:s28+s2], $0x80, $0x38;
	[tilespmem:$0x1BB00] =	vst v63  }
0x5d: {  	_ =	swait.ge [sflag:s16], $0x80  }
0x5e: {  	[sflag:s16] =	ssyncset.done $0x0  }
0x5f: {  	[sflag:s16] =	ssyncadd.s32 $0xFFFFFF80  }
0x60: {  	[tilespmem:s18], [sflag:$0x1] =	stream.indirect.gather [hbm4b:s3+s17], $0x80, s2, s17, $0xb8;
	[tilespmem:$0x1BB00] =	vst v63  }
0x61: {  	_ =	swait.ge [sflag:s23], $0x4000  }
.Ltmp0:
0x62: {  	[sflag:s23] =	ssyncset.done $0x0;
	(pc) =	sbr.rel @p1 .LBB2_2-.Ltmp0, $4  }
0x63: {  	[sflag:s23] =	ssyncadd.s32 $0xFFFFC000  }
0x64: {  	[spmem:s1] =	stream.indirect.scatter.add.f32 [tilespmem:s22], [sflag:$0x3], $0x80, s20, s17, $0xb8;
	[tilespmem:$0x1BB00] =	vst v63  }
0x65: {  	_ =	swait.ge [sflag:s16], $0x4000  }
0x66: {  	s28 =	smov.u32 s26;
	[sflag:s16] =	ssyncset.done $0x0  }
0x67: {  	s26 =	sadd.s32 s25, s12;
	[sflag:s16] =	ssyncadd.s32 $0xFFFFC000  }
0x68: {  	[tilespmem:s19], [sflag:$0x3] =	stream.linear.gather [hbm4b:s26+s2], $0x80, $0x38;
	[tilespmem:$0x1BB00] =	vst v63  }
0x69: {  	_ =	swait.ge [sflag:s16], $0x80  }
0x6a: {  	[sflag:s16] =	ssyncset.done $0x0  }
0x6b: {  	s29 =	sadd.s32 s25, s11;
	[sflag:s16] =	ssyncadd.s32 $0xFFFFFF80  }
0x6c: {  	[tilespmem:s20], [sflag:$0x3] =	stream.linear.gather [hbm4b:s29+s2], $0x80, $0x38;
	[tilespmem:$0x1BB00] =	vst v63  }
0x6d: {  	_ =	swait.ge [sflag:s16], $0x80  }
0x6e: {  	[sflag:s16] =	ssyncset.done $0x0  }
0x6f: {  	[sflag:s16] =	ssyncadd.s32 $0xFFFFFF80  }
0x70: {  	_ =	swait.ge [sflag:s21], $0x4000  }
0x71: {  	[sflag:s21] =	ssyncset.done $0x0  }
0x72: {  	[sflag:s21] =	ssyncadd.s32 $0xFFFFC000  }
0x73: {  	[tilespmem:s22], [sflag:$0x2] =	stream.indirect.gather [hbm4b:s3+s17], $0x80, s19, s17, $0xb8;
	[tilespmem:$0x1BB00] =	vst v63  }
0x74: {  	_ = 	snop  }
0x75: {  	[spmem:s1] =	stream.indirect.scatter.add.f32 [tilespmem:s18], [sflag:$0x3], $0x80, s17, s17, $0xb8;
	[tilespmem:$0x1BB00] =	vst v63  }
0x76: {  	_ =	swait.ge [sflag:s16], $0x4000  }
0x77: {  	[sflag:s16] =	ssyncset.done $0x0  }
0x78: {  	s30 =	sadd.s32 s25, s14;
	[sflag:s16] =	ssyncadd.s32 $0xFFFFC000  }
0x79: {  	[tilespmem:s2], [sflag:$0x3] =	stream.linear.gather [hbm4b:s30+s2], $0x80, $0x38;
	[tilespmem:$0x1BB00] =	vst v63  }
0x7a: {  	_ =	swait.ge [sflag:s16], $0x80  }
0x7b: {  	[sflag:s16] =	ssyncset.done $0x0  }
0x7c: {  	s31 =	sadd.s32 s25, s13;
	[sflag:s16] =	ssyncadd.s32 $0xFFFFFF80  }
0x7d: {  	[tilespmem:s17], [sflag:$0x3] =	stream.linear.gather [hbm4b:s31+s2], $0x80, $0x38;
	[tilespmem:$0x1BB00] =	vst v63  }
0x7e: {  	_ =	swait.ge [sflag:s16], $0x80  }
0x7f: {  	[sflag:s16] =	ssyncset.done $0x0  }
0x80: {  	[sflag:s16] =	ssyncadd.s32 $0xFFFFFF80  }
0x81: {  	[tilespmem:s18], [sflag:$0x1] =	stream.indirect.gather [hbm4b:s3+s17], $0x80, s2, s17, $0xb8;
	[tilespmem:$0x1BB00] =	vst v63  }
0x82: {  	_ =	swait.ge [sflag:s23], $0x4000  }
0x83: {  	[sflag:s23] =	ssyncset.done $0x0  }
0x84: {  	[sflag:s23] =	ssyncadd.s32 $0xFFFFC000  }
0x85: {  	[spmem:s1] =	stream.indirect.scatter.add.f32 [tilespmem:s22], [sflag:$0x3], $0x80, s20, s17, $0xb8;
	[tilespmem:$0x1BB00] =	vst v63  }
0x86: {  	_ =	swait.ge [sflag:s16], $0x4000  }
0x87: {  	[sflag:s16] =	ssyncset.done $0x0  }
0x88: {  	[sflag:s16] =	ssyncadd.s32 $0xFFFFC000  }
0x89: {  	[tilespmem:s19], [sflag:$0x3] =	stream.linear.gather [hbm4b:s9+s2], $0x80, $0x38;
	[tilespmem:$0x1BB00] =	vst v63  }
0x8a: {  	_ =	swait.ge [sflag:s16], $0x80  }
0x8b: {  	[sflag:s16] =	ssyncset.done $0x0  }
0x8c: {  	[sflag:s16] =	ssyncadd.s32 $0xFFFFFF80  }
0x8d: {  	[tilespmem:s20], [sflag:$0x3] =	stream.linear.gather [hbm4b:s10+s2], $0x80, $0x38;
	[tilespmem:$0x1BB00] =	vst v63  }
0x8e: {  	_ =	swait.ge [sflag:s16], $0x80  }
0x8f: {  	[sflag:s16] =	ssyncset.done $0x0  }
0x90: {  	[sflag:s16] =	ssyncadd.s32 $0xFFFFFF80  }
0x91: {  	_ =	swait.ge [sflag:s21], $0x4000  }
0x92: {  	[sflag:s21] =	ssyncset.done $0x0  }
0x93: {  	[sflag:s21] =	ssyncadd.s32 $0xFFFFC000  }
0x94: {  	[tilespmem:s22], [sflag:$0x2] =	stream.indirect.gather [hbm4b:s3+s17], $0x80, s19, s17, $0xb8;
	[tilespmem:$0x1BB00] =	vst v63  }
0x95: {  	_ = 	snop  }
0x96: {  	[spmem:s1] =	stream.indirect.scatter.add.f32 [tilespmem:s18], [sflag:$0x3], $0x80, s17, s17, $0xb8;
	[tilespmem:$0x1BB00] =	vst v63  }
0x97: {  	_ =	swait.ge [sflag:s16], $0x4000  }
0x98: {  	[sflag:s16] =	ssyncset.done $0x0  }
0x99: {  	[sflag:s16] =	ssyncadd.s32 $0xFFFFC000  }
0x9a: {  	[tilespmem:s2], [sflag:$0x3] =	stream.linear.gather [hbm4b:s9+s2], $0x80, $0x38;
	[tilespmem:$0x1BB00] =	vst v63  }
0x9b: {  	_ =	swait.ge [sflag:s16], $0x80  }
0x9c: {  	[sflag:s16] =	ssyncset.done $0x0  }
0x9d: {  	[sflag:s16] =	ssyncadd.s32 $0xFFFFFF80  }
0x9e: {  	[tilespmem:s17], [sflag:$0x3] =	stream.linear.gather [hbm4b:s10+s2], $0x80, $0x38;
	[tilespmem:$0x1BB00] =	vst v63  }
0x9f: {  	_ =	swait.ge [sflag:s16], $0x80  }
0xa0: {  	[sflag:s16] =	ssyncset.done $0x0  }
0xa1: {  	[sflag:s16] =	ssyncadd.s32 $0xFFFFFF80  }
0xa2: {  	[tilespmem:s18], [sflag:$0x1] =	stream.indirect.gather [hbm4b:s3+s17], $0x80, s2, s17, $0xb8;
	[tilespmem:$0x1BB00] =	vst v63  }
0xa3: {  	_ =	swait.ge [sflag:s23], $0x4000  }
0xa4: {  	[sflag:s23] =	ssyncset.done $0x0  }
0xa5: {  	[sflag:s23] =	ssyncadd.s32 $0xFFFFC000  }
0xa6: {  	[spmem:s1] =	stream.indirect.scatter.add.f32 [tilespmem:s22], [sflag:$0x3], $0x80, s20, s17, $0xb8;
	[tilespmem:$0x1BB00] =	vst v63  }
0xa7: {  	_ =	swait.ge [sflag:s16], $0x4000  }
0xa8: {  	[sflag:s16] =	ssyncset.done $0x0  }
0xa9: {  	[sflag:s16] =	ssyncadd.s32 $0xFFFFC000  }
0xaa: {  	_ =	swait.ge [sflag:s21], $0x4000  }
0xab: {  	[sflag:s21] =	ssyncset.done $0x0  }
0xac: {  	s24 =	sadd.s32 $0x1, s24;
	[sflag:s21] =	ssyncadd.s32 $0xFFFFC000  }
0xad: {  	s25 =	simm.s32 @!p0 $0x1C03;
	p1 =	sne.s32 s24, s8;
	[bflag:$0x0] =	sbarrier.arrive $0xFFFF  }
0xae: {  	[hbm:s7], [sflag:s25] =	dma.local @!p0 [spmem:s15], $0x27200  }
.Ltmp1:
0xaf: {  	_ = 	snop;
	(pc) =	sbr.rel @p1 .LBB2_1-.Ltmp1, $4  }
0xb0: {  	s25 =	simm.s32 @!p0 $0x3  }
0xb1: {  	_ =	swait.ge @!p0 [sflag:s25], $0x27200  }
0xb2: {  	[sflag:s25] =	ssyncset.done @!p0 $0x0  }
0xb3: {  	[sflag:s25] =	ssyncadd.s32 @!p0 $0xFFFD8E00  }
0xb4: {  	_ =	sfence.sel $0x180000  }
0xb5: {  	[bflag:$0x0] =	sbarrier.arrive $0xFFFF  }
0xb6: {  	_ =	strace $0x9000004D  }
0xb7: {  	s0 =	sadd.s32 @!p0 $0x100000, s0;
	[bflag:$0x2] =	sbarrier.arrive $0xFFFF  }
0xb8: {  	[sflag:s0] =	ssyncadd.tile.s32 @!p0 $0x1;
	_ =	shalt  }
.Lfunc_end2:
_tile_overlayer_lowered:
.L_overlay_start_2:
0xb9: {  	(tag) =	ssettag $0x2  }
0xba: {  	s0 =	rddreg [dreg:$0x0];
	s2 =	stileid.u32  }
0xbb: {  	s1 =	rddreg [dreg:$0x1];
	p0 =	sne.s32 s2, $0x0  }
0xbc: {  	s3 =	rddreg [dreg:$0x2];
	[bflag:$0x3] =	sbarrier.arrive $0xFFFF;
	s2 =	simm.s32 @!p0 $0x1C03  }
0xbd: {  	[timem:s3], [sflag:s2] =	dma.local @!p0 [hbm:s0], s1  }
0xbe: {  	s0 =	simm.s32 @!p0 $0x3  }
0xbf: {  	_ =	swait.ge @!p0 [sflag:s0], s1  }
0xc0: {  	s1 =	ssub.s32 @!p0 $0x0, s1;
	[sflag:s0] =	ssyncset.done @!p0 $0x0  }
0xc1: {  	[sflag:s0] =	ssyncadd.s32 @!p0 s1  }
0xc2: {  	[bflag:$0x3] =	sbarrier.arrive $0xFFFF  }
0xc3: {  	_ =	shalt  }

// kernel: kernel.19.cloned.1.call-start
scs
__scs_entry_jumppad:
0x0: {  	(pc) =	sbr.rel $0x88, $3  }
0x1: {  	(tag) =	ssettag $0x0;
	lr =	simm.s32 $0x1  }
0x2: {  	[smem:$0x3F89] =	sst lr;
	_ =	strace $0xD0000000  }
0x3: {  	_ = 	snop  }
0x4: {  	_ = 	snop  }
0x5: {  	_ = 	snop  }
0x6: {  	_ = 	snop  }
0x7: {  	_ = 	snop  }
__scs_overlays_trampoline_lowered:
0x8: {  	[smem:$0x3F98] =	sst s0  }
0x9: {  	[smem:$0x3F99] =	sst s1  }
0xa: {  	[smem:$0x3F9A] =	sst s2  }
0xb: {  	[smem:$0x3F9B] =	sst s3  }
0xc: {  	[smem:$0x3F9C] =	sst s4  }
0xd: {  	[smem:$0x3F9D] =	sst s5  }
0xe: {  	[smem:$0x3F9E] =	sst s6  }
0xf: {  	[smem:$0x3F9F] =	sst s7  }
0x10: {  	[smem:$0x3FA0] =	sst s8  }
0x11: {  	[smem:$0x3FA1] =	sst s9;
	s0 =	simm.s32 @!p0 $0x0  }
0x12: {  	s1 =	sld [smem:$0x3F87];
	s0 =	simm.s32 @p0 $0x1  }
0x13: {  	[smem:$0x3FA2] =	sst s0;
	s0 =	simm.s32 @!p1 $0x0  }
0x14: {  	s2 =	sld [smem:$0x3F86];
	s0 =	simm.s32 @p1 $0x1  }
0x15: {  	[smem:$0x3FA3] =	sst s0;
	s0 =	simm.s32 @!p2 $0x0  }
0x16: {  	s3 =	sld [smem:$0x3FDB];
	s0 =	simm.s32 @p2 $0x1  }
0x17: {  	s4 =	simm.s32 $0x1BF5;
	[smem:$0x3FA5] =	sst s0  }
0x18: {  	s0 =	sld [smem:$0x3F88];
	_ =	swait.ge [sflag:s4], $0x0  }
0x19: {  	s7 =	sld [smem:$0x3F89]  }
0x1a: {  	s8 =	sadd.s32 $0xFFFFE003, lr  }
0x1b: {  	s9 =	sadd.s32 $0xFFFFFEF7, lr;
	s5 =	simm.s32 $0xFFFFFFFF;
	p2 =	slt.u32 s8, $0xFFFFF086  }
0x1c: {  	p1 =	slt.u32 s9, $0xF7A;
	s5 =	simm.s32 @!p2 $0x0  }
0x1d: {  	s5 =	simm.s32 @p1 $0x1;
	p0 =	seq.s32 s7, s2  }
0x1e: {  	s7 =	smul.u32 @!p0 $0xF7A, s2;
	p2 =	seq.s32 @!p0 s5, $0x0  }
0x1f: {  	s9 =	smul.u32 $0xF7A, s1;
	s8 =	simm.s32 @!p0 $0x1BF5;
	p2 =	por !p2, p0  }
0x20: {  	[sflag:s8] =	ssyncset.s32 @!p0 $0xFFFFF086;
	s6 =	sadd.s32 @!p0 s3, s7;
	s7 =	simm.s32 @!p0 $0x108  }
0x21: {  	s3 =	sadd.s32 s3, s9;
	s6 =	sadd.s32 @!p0 $0x88, s6;
	s7 =	simm.s32 @p2 $0x1082  }
0x22: {  	[simem:s7], [sflag:s8] =	dma.local @!p0 [hbm:s6], $0xF7A  }
0x23: {  	s9 =	sor.u32 $0xD0000000, s2;
	s6 =	simm.s32 $0x108;
	_ =	swait.ge @!p0 [sflag:s8], $0x0  }
0x24: {  	s3 =	sadd.s32 $0x88, s3;
	s6 =	simm.s32 @!p1 $0x1082;
	[sflag:s4] =	ssyncset.s32 $0xFFFFF086  }
0x25: {  	[simem:s6], [sflag:s4] =	dma.local [hbm:s3], $0xF7A  }
0x26: {  	[smem:$0x3F89] =	sst s1;
	(tag) =	ssettag s2;
	_ =	strace s9  }
0x27: {  	s1 =	sld [smem:$0x3F99]  }
0x28: {  	s2 =	sld [smem:$0x3F9A]  }
0x29: {  	s4 =	sld [smem:$0x3F9C]  }
0x2a: {  	p0 =	seq.s32 s5, $0x0;
	s5 =	sld [smem:$0x3F9D]  }
0x2b: {  	s6 =	sld [smem:$0x3F9E]  }
0x2c: {  	s7 =	sld [smem:$0x3F9F]  }
0x2d: {  	s3 =	simm.s32 $0x108;
	s8 =	sld [smem:$0x3FA0]  }
0x2e: {  	s3 =	simm.s32 @!p0 $0x1082;
	s9 =	sld [smem:$0x3FA1]  }
0x2f: {  	lr =	sadd.s32 s0, s3;
	s0 =	sld [smem:$0x3F98]  }
0x30: {  	s3 =	sld [smem:$0x3F9B]  }
0x31: {  	[smem:$0x3FA4] =	sst s10  }
0x32: {  	s10 =	sld [smem:$0x3FA2];
	_ =	sdelay $0x3  }
0x33: {  	p0 =	seq.s32 s10, $0x1;
	s10 =	sld [smem:$0x3FA4];
	_ =	sdelay $0x3  }
0x34: {  	[smem:$0x3FA4] =	sst s10  }
0x35: {  	s10 =	sld [smem:$0x3FA3];
	_ =	sdelay $0x3  }
0x36: {  	p1 =	seq.s32 s10, $0x1;
	s10 =	sld [smem:$0x3FA4];
	_ =	sdelay $0x3  }
0x37: {  	[smem:$0x3FA4] =	sst s10  }
0x38: {  	s10 =	sld [smem:$0x3FA5]  }
0x39: {  	_ = 	snop;
	(pc) =	sbr.ind lr, $3  }
0x3a: {  	_ = 	snop  }
0x3b: {  	_ = 	snop  }
0x3c: {  	p2 =	seq.s32 s10, $0x1;
	s10 =	sld [smem:$0x3FA4]  }
0x3d: {  	_ =	shalt  }
0x3e: {  	_ =	shalt  }
0x3f: {  	_ =	shalt  }
0x40: {  	_ =	shalt  }
0x41: {  	_ =	shalt  }
0x42: {  	_ =	shalt  }
0x43: {  	_ =	shalt  }
0x44: {  	_ =	shalt  }
0x45: {  	_ =	shalt  }
0x46: {  	_ =	shalt  }
0x47: {  	_ =	shalt  }
0x48: {  	_ =	shalt  }
0x49: {  	_ =	shalt  }
0x4a: {  	_ =	shalt  }
0x4b: {  	_ =	shalt  }
0x4c: {  	_ =	shalt  }
0x4d: {  	_ =	shalt  }
0x4e: {  	_ =	shalt  }
0x4f: {  	_ =	shalt  }
0x50: {  	_ =	shalt  }
0x51: {  	_ =	shalt  }
0x52: {  	_ =	shalt  }
0x53: {  	_ =	shalt  }
0x54: {  	_ =	shalt  }
0x55: {  	_ =	shalt  }
0x56: {  	_ =	shalt  }
0x57: {  	_ =	shalt  }
0x58: {  	_ =	shalt  }
0x59: {  	_ =	shalt  }
0x5a: {  	_ =	shalt  }
0x5b: {  	_ =	shalt  }
0x5c: {  	_ =	shalt  }
0x5d: {  	_ =	shalt  }
0x5e: {  	_ =	shalt  }
0x5f: {  	_ =	shalt  }
0x60: {  	_ =	shalt  }
0x61: {  	_ =	shalt  }
0x62: {  	_ =	shalt  }
0x63: {  	_ =	shalt  }
0x64: {  	_ =	shalt  }
0x65: {  	_ =	shalt  }
0x66: {  	_ =	shalt  }
0x67: {  	_ =	shalt  }
0x68: {  	_ =	shalt  }
0x69: {  	_ =	shalt  }
0x6a: {  	_ =	shalt  }
0x6b: {  	_ =	shalt  }
0x6c: {  	_ =	shalt  }
0x6d: {  	_ =	shalt  }
0x6e: {  	_ =	shalt  }
0x6f: {  	_ =	shalt  }
0x70: {  	_ =	shalt  }
0x71: {  	_ =	shalt  }
0x72: {  	_ =	shalt  }
0x73: {  	_ =	shalt  }
0x74: {  	_ =	shalt  }
0x75: {  	_ =	shalt  }
0x76: {  	_ =	shalt  }
0x77: {  	_ =	shalt  }
0x78: {  	_ =	shalt  }
0x79: {  	_ =	shalt  }
0x7a: {  	_ =	shalt  }
0x7b: {  	_ =	shalt  }
0x7c: {  	_ =	shalt  }
0x7d: {  	_ =	shalt  }
0x7e: {  	_ =	shalt  }
0x7f: {  	_ =	shalt  }
0x80: {  	_ =	shalt  }
0x81: {  	_ =	shalt  }
0x82: {  	_ =	shalt  }
0x83: {  	_ =	shalt  }
0x84: {  	_ =	shalt  }
0x85: {  	_ =	shalt  }
0x86: {  	_ =	shalt  }
0x87: {  	_ =	shalt  }
.Lfunc_end0:
.L_simem_size_0:
called_computation.3_lowered:
.L_overlay_start_0:
0x88: {  	s2 =	sld [smem:$0x3FD9]  }
0x89: {  	s3 =	sld [smem:$0x3FFE];
	_ =	sdelay $0x1  }
0x8a: {  	s1 =	srdreg.scid  }
0x8b: {  	s0 =	sand.u32 $0x1, s1  }
0x8c: {  	s16 =	sshll.u32 s0, $0xA;
	s2 =	sadd.s32 s3, s2  }
0x8d: {  	s2 =	sadd.s32 s2, s16  }
0x8e: {  	[smem:$0x3FB0] =	sst s2  }
0x8f: {  	_ = 	snop  }
0x90: {  	(tm) =	ssettm $0x1  }
0x91: {  	s17 =	sld [smem:$0x3FFB];
	_ =	sdelay $0x3  }
0x92: {  	_ =	strace s17  }
0x93: {  	s2 =	sld [smem:$0x3FFC];
	_ =	sdelay $0x3  }
0x94: {  	_ =	strace s2  }
0x95: {  	s2 =	sld [smem:$0x3FFD];
	_ =	sdelay $0x3  }
0x96: {  	_ =	strace s2  }
0x97: {  	_ =	strace $0x8FFFFFFF  }
0x98: {  	s18 =	sld [smem:$0x3FDB];
	_ =	sdelay $0x1  }
0x99: {  	s19 =	simm.s32 $_scs_section_size  }
0x9a: {  	s4 =	simm.s32 $_size__tile_overlayer_lowered;
	s5 =	simm.s32 $_tile_overlayer_lowered  }
0x9b: {  	s22 =	simm.s32 $0x1BFF;
	s21 =	sshll.u32 s5, $0x1;
	s2 =	sadd.s32 s19, s18  }
0x9c: {  	s6 =	simm.s32 $0x0;
	s20 =	sshll.u32 s4, $0x1;
	s4 =	sadd.s32 s21, s2  }
0x9d: {  	[timem:s6], [sflag:s22] =	dma.local [hbm:s4], s20  }
0x9e: {  	_ =	swait.ge [sflag:s22], s20  }
0x9f: {  	s3 =	ssub.s32 $0x0, s20;
	[sflag:s22] =	ssyncset.done $0x0  }
0xa0: {  	[sflag:s22] =	ssyncadd.s32 s3;
	_ =	sdelay $0x1  }
0xa1: {  	s23 =	simm.s32 $0x1B8B  }
0xa2: {  	_ =	swait.ge [sflag:s23], $0x1  }
0xa3: {  	[sflag:s23] =	ssyncset.done $0x0  }
0xa4: {  	s25 =	simm.s32 $0x1B8E;
	s24 =	sld [smem:$0x3FFE];
	[sflag:s23] =	ssyncadd.s32 $0xFFFFFFFF  }
0xa5: {  	s26 =	simm.s32 $execute0_lowered;
	[smem:$0x3FD2] =	sst s25  }
0xa6: {  	s4 =	sshll.u32 s26, $0x1;
	_ =	strace $0x8000004F;
	[dreg:$0x1] =	wrdreg $0xFFFFFFFF  }
0xa7: {  	s28 =	simm.s32 $_size_execute0_lowered;
	s2 =	sadd.s32 s2, s4;
	[dreg:$0x0] =	wrdreg $0x0  }
0xa8: {  	s4 =	sshll.u32 s28, $0x1;
	[dreg:$0x2] =	wrdreg s2  }
0xa9: {  	[dreg:$0x3] =	wrdreg s4  }
0xaa: {  	[dreg:$0x4] =	wrdreg $0xC0  }
0xab: {  	_ =	task [dreg:s6], $0x5FFFF  }
0xac: {  	[dreg:$0x1] =	wrdreg $0xFFFFFFFF  }
0xad: {  	[dreg:$0x0] =	wrdreg $0x60  }
0xae: {  	[dreg:$0x2] =	wrdreg s24  }
0xaf: {  	[dreg:$0x3] =	wrdreg $0x9  }
0xb0: {  	_ =	task.clear_ibuf [dreg:s6], $0x4FFFF;
	_ =	strace $0x9000004F  }
0xb1: {  	s29 =	simm.s32 $0x9;
	_ =	strace $0x80000051  }
0xb2: {  	_ =	swait.ge [sflag:s29], $0x1  }
0xb3: {  	[sflag:s29] =	ssyncadd.s32 $0xFFFFFFFF  }
0xb4: {  	_ =	strace $0x90000051  }
0xb5: {  	_ =	sfence  }
0xb6: {  	s30 =	sld [smem:$0x0];
	_ =	sdelay $0x2  }
0xb7: {  	s31 =	sshll.u32 s1, $0xD;
	s1 =	sshrl.u32 s1, $0x2  }
0xb8: {  	s3 =	sand.u32 $0x4000, s31;
	s1 =	sadd.s32 s1, s30  }
0xb9: {  	s0 =	sor.u32 s3, s0;
	s1 =	sshll.u32 s1, $0x11  }
0xba: {  	s0 =	sor.u32 s1, s0  }
0xbb: {  	s0 =	sadd.s32 $0x8F2B, s0  }
0xbc: {  	[sflag:s0] =	ssyncadd.remote.s32 $0x1  }
0xbd: {  	_ =	sfence.sel $0xFFFF  }
0xbe: {  	[dreg:$0x0] =	wrdreg $0xFFFFFFFF;
	(pc) =	sbr.abs _section_cstart, $3  }
0xbf: {  	[dreg:$0x1] =	wrdreg $0xFFFFFFFF  }
0xc0: {  	_ =	task.clear_ibuf [dreg:s6], $0x2FFFF;
	_ =	strace $0x9FFFFFFF  }
0xc1: {  	(tm) =	ssettm $0x7FFFFFFF  }
tec
execute0_lowered:
.L_overlay_start_1:
0x0: {  	(tag) =	ssettag $0x1  }
0x1: {  	s0 =	rddreg [dreg:$0x0];
	s2 =	simm.s32 $0x0;
	s11 =	stileid.u32  }
0x2: {  	s1 =	srdreg.scid;
	s14 =	simm.s32 $0x7;
	s15 =	simm.s32 $0x80  }
0x3: {  	s16 =	simm.s32 $0x200;
	s17 =	simm.s32 $0x4200;
	s18 =	simm.s32 $0x100  }
0x4: {  	s19 =	simm.s32 $0x180;
	s20 =	simm.s32 $0x1;
	s21 =	simm.s32 $0x2  }
0x5: {  	s28 =	simm.s32 $0x4;
	s29 =	simm.s32 $0x0;
	s7 =	smul.u32 $0x50000, s11  }
0x6: {  	s1 =	sand.u32 $0x1, s1;
	s4 =	sshll.u32 s11, $0x1;
	s11 =	smul.u32 $0x5000, s11  }
0x7: {  	[smem:$0x7FF] =	sst s2;
	s3 =	sadd.s32 $0x19200, s0;
	s10 =	smul.u32 $0x28000, s1  }
0x8: {  	s6 =	sor.u32 s1, s4;
	s9 =	ssub.s32 $0x2, s1;
	s1 =	smul.u32 $0x2800, s1  }
0x9: {  	s5 =	sadd.s32 $0xB5A00, s0;
	s4 =	sadd.s32 $0x40400, s0;
	s8 =	smul.u32 $0x2800, s6  }
0xa: {  	s6 =	sadd.s32 $0xF200, s0;
	s0 =	sadd.s32 s7, s0;
	s22 =	sshrl.u32 s9, $0x1  }
0xb: {  	_ =	strace $0x80000050;
	s12 =	ssub.s32 s9, s22;
	s0 =	sadd.s32 s10, s0  }
0xc: {  	s11 =	sadd.s32 s1, s11;
	s22 =	simm.s32 $0x8200;
	s23 =	sshrl.u32 s8, $0x3  }
0xd: {  	s7 =	sadd.s32 $0x2780, s8;
	s26 =	sadd.s32 $0xBFA00, s0;
	s0 =	sadd.s32 $0x5BFA00, s0  }
0xe: {  	s1 =	sor.u32 $0x80, s11;
	s30 =	smax.u32 s12, $0x1;
	[dreg:$0x2] =	wrdreg s26  }
0xf: {  	s13 =	sor.u32 $0x100, s11;
	s24 =	sadd.s32 s5, s23;
	[dreg:$0x6] =	wrdreg s30  }
0x10: {  	s25 =	sadd.s32 s6, s23;
	[dreg:$0x3] =	wrdreg s0;
	s1 =	sshrl.u32 s1, $0x3  }
0x11: {  	s23 =	simm.s32 $0xC200;
	s26 =	simm.s32 $0x3;
	[dreg:$0x4] =	wrdreg s24  }
0x12: {  	[dreg:$0x5] =	wrdreg s25;
	s31 =	sadd.s32 s1, s6;
	s1 =	sadd.s32 s1, s5  }
0x13: {  	s24 =	simm.s32 $0x5;
	s25 =	simm.s32 $0x6;
	[dreg:$0x7] =	wrdreg s31  }
.LBB2_1:
0x14: {  	s0 =	rddreg [dreg:$0x4]  }
0x15: {  	[tilespmem:s2], [sflag:$0x7] =	stream.linear.gather [hbm4b:s0+s2], $0x80, $0x38;
	[tilespmem:$0x10200] =	vst v63  }
0x16: {  	_ =	swait.ge [sflag:s14], $0x80  }
0x17: {  	[sflag:s14] =	ssyncset.done $0x0  }
0x18: {  	s9 =	rddreg [dreg:$0x5];
	[sflag:s14] =	ssyncadd.s32 $0xFFFFFF80  }
0x19: {  	[tilespmem:s15], [sflag:$0x7] =	stream.linear.gather [hbm4b:s9+s2], $0x80, $0x38;
	[tilespmem:$0x10200] =	vst v63  }
0x1a: {  	_ =	swait.ge [sflag:s14], $0x80  }
0x1b: {  	[sflag:s14] =	ssyncset.done $0x0  }
0x1c: {  	[sflag:s14] =	ssyncadd.s32 $0xFFFFFF80  }
0x1d: {  	[tilespmem:s16], [sflag:$0x1] =	stream.indirect.gather [hbm4b:s3+s15], $0x80, s2, s15, $0xb8;
	[tilespmem:$0x10200] =	vst v63  }
0x1e: {  	_ = 	snop  }
0x1f: {  	[tilespmem:s17], [sflag:$0x2] =	stream.indirect.gather [hbm4b:s4+s15], $0x80, s15, s15, $0xb8;
	[tilespmem:$0x10200] =	vst v63  }
0x20: {  	_ = 	snop  }
0x21: {  	[tilespmem:s18], [sflag:$0x7] =	stream.linear.gather [hbm4b:s1+s2], $0x80, $0x38;
	[tilespmem:$0x10200] =	vst v63  }
0x22: {  	_ =	swait.ge [sflag:s14], $0x80  }
0x23: {  	[sflag:s14] =	ssyncset.done $0x0  }
0x24: {  	s10 =	rddreg [dreg:$0x7];
	[sflag:s14] =	ssyncadd.s32 $0xFFFFFF80  }
0x25: {  	[tilespmem:s19], [sflag:$0x7] =	stream.linear.gather [hbm4b:s10+s2], $0x80, $0x38;
	[tilespmem:$0x10200] =	vst v63  }
0x26: {  	_ =	swait.ge [sflag:s14], $0x80  }
0x27: {  	[sflag:s14] =	ssyncset.done $0x0  }
0x28: {  	[sflag:s14] =	ssyncadd.s32 $0xFFFFFF80  }
0x29: {  	_ =	swait.ge [sflag:s20], $0x4000  }
0x2a: {  	[sflag:s20] =	ssyncset.done $0x0  }
0x2b: {  	[sflag:s20] =	ssyncadd.s32 $0xFFFFC000  }
0x2c: {  	_ =	swait.ge [sflag:s21], $0x4000  }
0x2d: {  	[sflag:s21] =	ssyncset.done $0x0  }
0x2e: {  	[sflag:s21] =	ssyncadd.s32 $0xFFFFC000  }
0x2f: {  	[tilespmem:s22], [sflag:$0x3] =	stream.indirect.gather [hbm4b:s3+s15], $0x80, s18, s15, $0xb8;
	[tilespmem:$0x10200] =	vst v63  }
0x30: {  	s8 =	rddreg [dreg:$0x2]  }
0x31: {  	[tilespmem:s23], [sflag:$0x4] =	stream.indirect.gather [hbm4b:s4+s15], $0x80, s19, s15, $0xb8;
	[tilespmem:$0x10200] =	vst v63  }
0x32: {  	s11 =	rddreg [dreg:$0x3];
	s8 =	sadd.s32 $0x0, s8  }
0x33: {  	[hbm4b:s8+s2] =	stream.linear.scatter [tilespmem:s16], [sflag:$0x5], $0x4000, $0x38;
	[tilespmem:$0x10200] =	vst v63  }
0x34: {  	s11 =	sadd.s32 $0x0, s11  }
0x35: {  	[hbm4b:s11+s2] =	stream.linear.scatter [tilespmem:s17], [sflag:$0x6], $0x4000, $0x38;
	[tilespmem:$0x10200] =	vst v63  }
0x36: {  	_ =	swait.ge [sflag:s24], $0x4000  }
0x37: {  	[sflag:s24] =	ssyncset.done $0x0  }
0x38: {  	p0 =	slt.s32 s13, s7;
	s12 =	smov.u32 s7;
	[sflag:s24] =	ssyncadd.s32 $0xFFFFC000  }
0x39: {  	s12 =	smov.u32 @p0 s13;
	_ =	swait.ge [sflag:s25], $0x4000  }
0x3a: {  	s12 =	sshrl.u32 s12, $0x3;
	[sflag:s25] =	ssyncset.done $0x0  }
0x3b: {  	s30 =	sadd.s32 s5, s12;
	[sflag:s25] =	ssyncadd.s32 $0xFFFFC000  }
0x3c: {  	[tilespmem:s2], [sflag:$0x7] =	stream.linear.gather [hbm4b:s30+s2], $0x80, $0x38;
	[tilespmem:$0x10200] =	vst v63  }
0x3d: {  	_ =	swait.ge [sflag:s14], $0x80  }
0x3e: {  	[sflag:s14] =	ssyncset.done $0x0  }
0x3f: {  	s12 =	sadd.s32 s6, s12;
	[sflag:s14] =	ssyncadd.s32 $0xFFFFFF80  }
0x40: {  	[tilespmem:s15], [sflag:$0x7] =	stream.linear.gather [hbm4b:s12+s2], $0x80, $0x38;
	[tilespmem:$0x10200] =	vst v63  }
0x41: {  	_ =	swait.ge [sflag:s14], $0x80  }
0x42: {  	[sflag:s14] =	ssyncset.done $0x0  }
0x43: {  	[sflag:s14] =	ssyncadd.s32 $0xFFFFFF80  }
0x44: {  	[tilespmem:s16], [sflag:$0x1] =	stream.indirect.gather [hbm4b:s3+s15], $0x80, s2, s15, $0xb8;
	[tilespmem:$0x10200] =	vst v63  }
0x45: {  	_ = 	snop  }
0x46: {  	[tilespmem:s17], [sflag:$0x2] =	stream.indirect.gather [hbm4b:s4+s15], $0x80, s15, s15, $0xb8;
	[tilespmem:$0x10200] =	vst v63  }
0x47: {  	_ =	swait.ge [sflag:s26], $0x4000  }
0x48: {  	[sflag:s26] =	ssyncset.done $0x0  }
0x49: {  	[sflag:s26] =	ssyncadd.s32 $0xFFFFC000  }
0x4a: {  	_ =	swait.ge [sflag:s28], $0x4000  }
0x4b: {  	[sflag:s28] =	ssyncset.done $0x0  }
0x4c: {  	s8 =	sadd.s32 $0x800, s8;
	[sflag:s28] =	ssyncadd.s32 $0xFFFFC000  }
0x4d: {  	[hbm4b:s8+s2] =	stream.linear.scatter [tilespmem:s22], [sflag:$0x7], $0x4000, $0x38;
	[tilespmem:$0x10200] =	vst v63  }
0x4e: {  	_ =	swait.ge [sflag:s14], $0x4000  }
0x4f: {  	[sflag:s14] =	ssyncset.done $0x0  }
0x50: {  	s12 =	sadd.s32 $0x800, s11;
	[sflag:s14] =	ssyncadd.s32 $0xFFFFC000  }
0x51: {  	[hbm4b:s12+s2] =	stream.linear.scatter [tilespmem:s23], [sflag:$0x7], $0x4000, $0x38;
	[tilespmem:$0x10200] =	vst v63  }
0x52: {  	s31 =	sadd.s32 $0x100, s13;
	s30 =	simm.s32 $0x1000;
	_ =	swait.ge [sflag:s14], $0x4000  }
0x53: {  	s11 =	smov.u32 s10;
	s12 =	smov.u32 s1;
	[sflag:s14] =	ssyncset.done $0x0  }
.LBB2_2:
0x54: {  	[sflag:s14] =	ssyncadd.s32 $0xFFFFC000;
	s12 =	sadd.s32 $0x20, s12  }
0x55: {  	[tilespmem:s18], [sflag:$0x7] =	stream.linear.gather [hbm4b:s12+s2], $0x80, $0x38;
	[tilespmem:$0x10200] =	vst v63  }
0x56: {  	_ =	swait.ge [sflag:s14], $0x80  }
0x57: {  	[sflag:s14] =	ssyncset.done $0x0  }
0x58: {  	s11 =	sadd.s32 $0x20, s11;
	[sflag:s14] =	ssyncadd.s32 $0xFFFFFF80  }
0x59: {  	[tilespmem:s19], [sflag:$0x7] =	stream.linear.gather [hbm4b:s11+s2], $0x80, $0x38;
	[tilespmem:$0x10200] =	vst v63  }
0x5a: {  	_ =	swait.ge [sflag:s14], $0x80  }
0x5b: {  	[sflag:s14] =	ssyncset.done $0x0  }
0x5c: {  	[sflag:s14] =	ssyncadd.s32 $0xFFFFFF80  }
0x5d: {  	_ =	swait.ge [sflag:s20], $0x4000  }
0x5e: {  	[sflag:s20] =	ssyncset.done $0x0  }
0x5f: {  	[sflag:s20] =	ssyncadd.s32 $0xFFFFC000  }
0x60: {  	_ =	swait.ge [sflag:s21], $0x4000  }
0x61: {  	[sflag:s21] =	ssyncset.done $0x0  }
0x62: {  	[sflag:s21] =	ssyncadd.s32 $0xFFFFC000  }
0x63: {  	[tilespmem:s22], [sflag:$0x3] =	stream.indirect.gather [hbm4b:s3+s15], $0x80, s18, s15, $0xb8;
	[tilespmem:$0x10200] =	vst v63  }
0x64: {  	s8 =	smov.u32 s30;
	s9 =	rddreg [dreg:$0x2]  }
0x65: {  	[tilespmem:s23], [sflag:$0x4] =	stream.indirect.gather [hbm4b:s4+s15], $0x80, s19, s15, $0xb8;
	[tilespmem:$0x10200] =	vst v63  }
0x66: {  	s10 =	rddreg [dreg:$0x3];
	s9 =	sadd.s32 s8, s9  }
0x67: {  	[hbm4b:s9+s2] =	stream.linear.scatter [tilespmem:s16], [sflag:$0x5], $0x4000, $0x38;
	[tilespmem:$0x10200] =	vst v63  }
0x68: {  	s8 =	sadd.s32 s8, s10  }
0x69: {  	[hbm4b:s8+s2] =	stream.linear.scatter [tilespmem:s17], [sflag:$0x6], $0x4000, $0x38;
	[tilespmem:$0x10200] =	vst v63  }
0x6a: {  	_ =	swait.ge [sflag:s24], $0x4000  }
0x6b: {  	[sflag:s24] =	ssyncset.done $0x0  }
0x6c: {  	p1 =	slt.s32 s31, s7;
	s10 =	smov.u32 s7;
	[sflag:s24] =	ssyncadd.s32 $0xFFFFC000  }
0x6d: {  	s10 =	smov.u32 @p1 s31;
	_ =	swait.ge [sflag:s25], $0x4000  }
0x6e: {  	s10 =	sshrl.u32 s10, $0x3;
	[sflag:s25] =	ssyncset.done $0x0  }
0x6f: {  	s0 =	sadd.s32 s5, s10;
	[sflag:s25] =	ssyncadd.s32 $0xFFFFC000  }
0x70: {  	[tilespmem:s2], [sflag:$0x7] =	stream.linear.gather [hbm4b:s0+s2], $0x80, $0x38;
	[tilespmem:$0x10200] =	vst v63  }
0x71: {  	_ =	swait.ge [sflag:s14], $0x80  }
0x72: {  	[sflag:s14] =	ssyncset.done $0x0  }
0x73: {  	s10 =	sadd.s32 s6, s10;
	[sflag:s14] =	ssyncadd.s32 $0xFFFFFF80  }
0x74: {  	[tilespmem:s15], [sflag:$0x7] =	stream.linear.gather [hbm4b:s10+s2], $0x80, $0x38;
	[tilespmem:$0x10200] =	vst v63  }
0x75: {  	_ =	swait.ge [sflag:s14], $0x80  }
0x76: {  	[sflag:s14] =	ssyncset.done $0x0  }
0x77: {  	[sflag:s14] =	ssyncadd.s32 $0xFFFFFF80  }
0x78: {  	[tilespmem:s16], [sflag:$0x1] =	stream.indirect.gather [hbm4b:s3+s15], $0x80, s2, s15, $0xb8;
	[tilespmem:$0x10200] =	vst v63  }
0x79: {  	_ = 	snop  }
0x7a: {  	[tilespmem:s17], [sflag:$0x2] =	stream.indirect.gather [hbm4b:s4+s15], $0x80, s15, s15, $0xb8;
	[tilespmem:$0x10200] =	vst v63  }
0x7b: {  	_ =	swait.ge [sflag:s26], $0x4000  }
0x7c: {  	[sflag:s26] =	ssyncset.done $0x0  }
0x7d: {  	[sflag:s26] =	ssyncadd.s32 $0xFFFFC000  }
0x7e: {  	_ =	swait.ge [sflag:s28], $0x4000  }
0x7f: {  	[sflag:s28] =	ssyncset.done $0x0  }
0x80: {  	s9 =	sadd.s32 $0x800, s9;
	[sflag:s28] =	ssyncadd.s32 $0xFFFFC000  }
0x81: {  	[hbm4b:s9+s2] =	stream.linear.scatter [tilespmem:s22], [sflag:$0x7], $0x4000, $0x38;
	[tilespmem:$0x10200] =	vst v63  }
0x82: {  	p0 =	sne.s32 s30, $0x27000;
	_ =	swait.ge [sflag:s14], $0x4000  }
.Ltmp0:
0x83: {  	[sflag:s14] =	ssyncset.done $0x0;
	(pc) =	sbr.rel @p0 .LBB2_2-.Ltmp0, $4  }
0x84: {  	s10 =	sadd.s32 $0x800, s8;
	[sflag:s14] =	ssyncadd.s32 $0xFFFFC000  }
0x85: {  	[hbm4b:s10+s2] =	stream.linear.scatter [tilespmem:s23], [sflag:$0x7], $0x4000, $0x38;
	[tilespmem:$0x10200] =	vst v63  }
0x86: {  	_ =	swait.ge [sflag:s14], $0x4000  }
0x87: {  	s30 =	sadd.s32 $0x1000, s30;
	s31 =	sadd.s32 $0x100, s31;
	[sflag:s14] =	ssyncset.done $0x0  }
0x88: {  	[sflag:s14] =	ssyncadd.s32 $0xFFFFC000  }
0x89: {  	_ =	swait.ge [sflag:s20], $0x4000  }
0x8a: {  	[sflag:s20] =	ssyncset.done $0x0  }
0x8b: {  	[sflag:s20] =	ssyncadd.s32 $0xFFFFC000  }
0x8c: {  	_ =	swait.ge [sflag:s21], $0x4000  }
0x8d: {  	s29 =	sadd.s32 $0x1, s29;
	s0 =	rddreg [dreg:$0x6]  }
0x8e: {  	p0 =	sne.s32 s29, s0  }
.Ltmp1:
0x8f: {  	_ = 	snop;
	(pc) =	sbr.rel @p0 .LBB2_1-.Ltmp1, $3  }
0x90: {  	_ =	sdelay $0x1  }
0x91: {  	[sflag:s21] =	ssyncset.done $0x0  }
0x92: {  	[sflag:s21] =	ssyncadd.s32 $0xFFFFC000  }
0x93: {  	_ =	sfence.sel $0x180000  }
0x94: {  	[bflag:$0x0] =	sbarrier.arrive $0xFFFF  }
0x95: {  	_ =	strace $0x90000050  }
0x96: {  	s0 =	stileid.u32;
	[bflag:$0x2] =	sbarrier.arrive $0xFFFF  }
0x97: {  	p0 =	sne.s32 s0, $0x0;
	s0 =	rddreg [dreg:$0x1]  }
0x98: {  	s0 =	sadd.s32 @!p0 $0x100000, s0  }
0x99: {  	[sflag:s0] =	ssyncadd.tile.s32 @!p0 $0x1;
	_ =	shalt  }
.Lfunc_end2:
_tile_overlayer_lowered:
.L_overlay_start_2:
0x9a: {  	(tag) =	ssettag $0x2  }
0x9b: {  	s0 =	rddreg [dreg:$0x0];
	s2 =	stileid.u32  }
0x9c: {  	s1 =	rddreg [dreg:$0x1];
	p0 =	sne.s32 s2, $0x0  }
0x9d: {  	s3 =	rddreg [dreg:$0x2];
	[bflag:$0x3] =	sbarrier.arrive $0xFFFF;
	s2 =	simm.s32 @!p0 $0x1C07  }
0x9e: {  	[timem:s3], [sflag:s2] =	dma.local @!p0 [hbm:s0], s1  }
0x9f: {  	s0 =	simm.s32 @!p0 $0x7  }
0xa0: {  	_ =	swait.ge @!p0 [sflag:s0], s1  }
0xa1: {  	s1 =	ssub.s32 @!p0 $0x0, s1;
	[sflag:s0] =	ssyncset.done @!p0 $0x0  }
0xa2: {  	[sflag:s0] =	ssyncadd.s32 @!p0 s1  }
0xa3: {  	[bflag:$0x3] =	sbarrier.arrive $0xFFFF  }
0xa4: {  	_ =	shalt  }

</sc_bundles>
